<compile_context>
chip_gen: v7x
topology: tpu7x:2x2x1
jax: 0.10.2.dev20260603
libtpu: 0.0.44.dev20260713+nightly
codegen_flags: <defaults>
</compile_context>

<pallas_src>
import jax
import jax.numpy as jnp
from jax import lax
from jax.experimental import pallas as pl
from jax.experimental.pallas import tpu as pltpu
from jax.experimental.pallas import tpu_sc as plsc

BATCH = 16384
EMBED = 32
ROWS = 1_000_000
BLOCK = 128
PACK = BLOCK // EMBED
CHUNK = 512
TPG = 128
PGRID = -(-ROWS // (CHUNK * TPG))
PROWS = PGRID * TPG * 128
NUM_CORES = 2
NUM_SUBCORES = 16
NUM_WORKERS = NUM_CORES * NUM_SUBCORES
B_PER_W = BATCH // NUM_WORKERS
GCHUNK = 128
N_GCHUNK = B_PER_W // GCHUNK
IDX_ROWS = BATCH // GCHUNK


def _pack_body(x_ref, out_ref):
    for tt in range(TPG):
        x4 = jnp.concatenate(
            [x_ref[:, CHUNK * tt + 128 * c:CHUNK * tt + 128 * c + 128]
             for c in range(PACK)], axis=0)
        out_ref[128 * tt:128 * tt + 128, :] = x4.T


def _tc_pack(table_t):
    return pl.pallas_call(
        _pack_body,
        grid=(PGRID,),
        in_specs=[pl.BlockSpec((EMBED, CHUNK * TPG), lambda i: (0, i))],
        out_specs=pl.BlockSpec((TPG * 128, BLOCK), lambda i: (i, 0)),
        out_shape=jax.ShapeDtypeStruct((PROWS, BLOCK), jnp.float32),
        compiler_params=pltpu.CompilerParams(
            dimension_semantics=("parallel",)),
    )(table_t)


def _gather_body(idx_hbm, t_hbm, out_hbm, idx_v, rows_v, sem):
    wid = lax.axis_index("s") * NUM_CORES + lax.axis_index("c")
    base = wid * B_PER_W
    irow = wid * N_GCHUNK
    pltpu.sync_copy(idx_hbm.at[pl.ds(irow, N_GCHUNK), :], idx_v)
    for j in range(N_GCHUNK):
        pltpu.async_copy(t_hbm.at[idx_v.at[j]],
                         rows_v.at[pl.ds(j * GCHUNK, GCHUNK), :], sem)
    for j in range(N_GCHUNK):
        pltpu.make_async_copy(t_hbm.at[idx_v.at[j]],
                              rows_v.at[pl.ds(j * GCHUNK, GCHUNK), :],
                              sem).wait()
    pltpu.sync_copy(rows_v, out_hbm.at[pl.ds(base, B_PER_W), :])


def _sc_gather(bidx, packed):
    mesh = plsc.VectorSubcoreMesh(core_axis_name="c", subcore_axis_name="s")
    k = pl.kernel(
        _gather_body,
        out_type=jax.ShapeDtypeStruct((BATCH, BLOCK), jnp.float32),
        mesh=mesh,
        scratch_types=[
            pltpu.VMEM((N_GCHUNK, GCHUNK), jnp.int32),
            pltpu.VMEM((B_PER_W, BLOCK), jnp.float32),
            pltpu.SemaphoreType.DMA,
        ],
    )
    return k(bidx, packed)


def _mlp_body(ub_ref, ib_ref, us_ref, is_ref, w1u_ref, w1v_ref, b1_ref,
              w2_ref, b2_ref, w3_ref, b3_ref, wo_ref, bo_ref, out_ref):
    tile = ub_ref.shape[0]
    grp = jax.lax.broadcasted_iota(jnp.int32, (tile, BLOCK), 1) // EMBED
    um = (grp == us_ref[...]).astype(jnp.float32)
    vm = (grp == is_ref[...]).astype(jnp.float32)
    x = (jnp.dot(ub_ref[...] * um, w1u_ref[...],
                 preferred_element_type=jnp.float32)
         + jnp.dot(ib_ref[...] * vm, w1v_ref[...],
                   preferred_element_type=jnp.float32)
         + b1_ref[...])
    x = jnp.maximum(x, 0.0)
    x = jnp.dot(x, w2_ref[...], preferred_element_type=jnp.float32) + b2_ref[...]
    x = jnp.maximum(x, 0.0)
    x = jnp.dot(x, w3_ref[...], preferred_element_type=jnp.float32) + b3_ref[...]
    x = jnp.maximum(x, 0.0)
    y = jnp.dot(x, wo_ref[...], preferred_element_type=jnp.float32) + bo_ref[...]
    out_ref[...] = 1.0 / (1.0 + jnp.exp(-y))


def _tc_mlp(ublocks, iblocks, usub, isub, W1, b1, W2, b2, W3, b3, Wo, bo,
            *, tile=8192):
    grid = BATCH // tile
    full = lambda shape: pl.BlockSpec(shape, lambda i: (0, 0))
    return pl.pallas_call(
        _mlp_body,
        grid=(grid,),
        in_specs=[
            pl.BlockSpec((tile, BLOCK), lambda i: (i, 0)),
            pl.BlockSpec((tile, BLOCK), lambda i: (i, 0)),
            pl.BlockSpec((tile, 1), lambda i: (i, 0)),
            pl.BlockSpec((tile, 1), lambda i: (i, 0)),
            full((BLOCK, 128)),
            full((BLOCK, 128)),
            full((1, 128)),
            full((128, 64)),
            full((1, 64)),
            full((64, 32)),
            full((1, 32)),
            full((32, 1)),
            full((1, 1)),
        ],
        out_specs=pl.BlockSpec((tile, 1), lambda i: (i, 0)),
        out_shape=jax.ShapeDtypeStruct((BATCH, 1), jnp.float32),
        compiler_params=pltpu.CompilerParams(
            dimension_semantics=("parallel",)),
    )(ublocks, iblocks, usub, isub,
      jnp.tile(W1[:EMBED], (PACK, 1)), jnp.tile(W1[EMBED:], (PACK, 1)),
      b1.reshape(1, -1), W2, b2.reshape(1, -1),
      W3, b3.reshape(1, -1), Wo, bo.reshape(1, -1))


def kernel(user_indices, item_indices, user_table, item_table,
           W1, b1, W2, b2, W3, b3, Wo, bo):
    uidx = user_indices.astype(jnp.int32)
    iidx = item_indices.astype(jnp.int32)
    ubidx = (128 * (uidx // CHUNK) + uidx % 128).reshape(IDX_ROWS, GCHUNK)
    ibidx = (128 * (iidx // CHUNK) + iidx % 128).reshape(IDX_ROWS, GCHUNK)
    upacked = _tc_pack(user_table.T)
    ublocks = _sc_gather(ubidx, upacked)
    ipacked = _tc_pack(item_table.T)
    iblocks = _sc_gather(ibidx, ipacked)
    usub = ((uidx // 128) % PACK).reshape(BATCH, 1)
    isub = ((iidx // 128) % PACK).reshape(BATCH, 1)
    return _tc_mlp(ublocks, iblocks, usub, isub,
                   W1, b1, W2, b2, W3, b3, Wo, bo)

# --- scband reference (transcript-rebuilt; emitter-appended) ---
"""Pipeline reference for scband-ncf-86285892977129 (READ-ONLY COPY).

The authoritative reference and input builder live on the scoring server;
editing this copy changes nothing except your own understanding.
"""

import jax, jax.numpy as jnp
import numpy as np

NUM_USERS = 1000000
NUM_ITEMS = 1000000
EMBED_DIM = 32
BATCH = 16384


def setup_inputs(seed: int = 0) -> dict:
    key = jax.random.key(seed)
    ks = jax.random.split(key, 12)
    user_indices = jax.random.randint(ks[0], (BATCH,), 0, NUM_USERS, dtype=jnp.int64 if jax.config.jax_enable_x64 else jnp.int32)
    item_indices = jax.random.randint(ks[1], (BATCH,), 0, NUM_ITEMS, dtype=jnp.int64 if jax.config.jax_enable_x64 else jnp.int32)
    user_table = jax.random.normal(ks[2], (NUM_USERS, EMBED_DIM), dtype=jnp.float32) * 0.05
    item_table = jax.random.normal(ks[3], (NUM_ITEMS, EMBED_DIM), dtype=jnp.float32) * 0.05
    W1 = jax.random.normal(ks[4], (EMBED_DIM * 2, 128), dtype=jnp.float32) * (1.0 / np.sqrt(EMBED_DIM * 2))
    b1 = jnp.zeros((128,), dtype=jnp.float32)
    W2 = jax.random.normal(ks[5], (128, 64), dtype=jnp.float32) * (1.0 / np.sqrt(128))
    b2 = jnp.zeros((64,), dtype=jnp.float32)
    W3 = jax.random.normal(ks[6], (64, 32), dtype=jnp.float32) * (1.0 / np.sqrt(64))
    b3 = jnp.zeros((32,), dtype=jnp.float32)
    Wo = jax.random.normal(ks[7], (32, 1), dtype=jnp.float32) * (1.0 / np.sqrt(32))
    bo = jnp.zeros((1,), dtype=jnp.float32)
    return {"user_indices": user_indices, "item_indices": item_indices,
            "user_table": user_table, "item_table": item_table,
            "W1": W1, "b1": b1, "W2": W2, "b2": b2, "W3": W3, "b3": b3,
            "Wo": Wo, "bo": bo}


def reference(user_indices, item_indices, user_table, item_table, W1, b1, W2, b2, W3, b3, Wo, bo):
    user_embed = jnp.take(user_table, user_indices, axis=0)
    item_embed = jnp.take(item_table, item_indices, axis=0)
    x = jnp.concatenate([user_embed, item_embed], axis=-1)
    x = jax.nn.relu(x @ W1 + b1)
    x = jax.nn.relu(x @ W2 + b2)
    x = jax.nn.relu(x @ W3 + b3)
    x = jax.nn.sigmoid(x @ Wo + bo)
    return x

if __name__ == "__main__":
    import jax
    _d = setup_inputs()
    print(jax.jit(kernel)(*tuple(_d.values())))

</pallas_src>

<mosaic_0001>
#map = affine_map<(d0, d1) -> (0, 0)>
module attributes {stable_mosaic.version = 14 : i64} {
  func.func @_gather_body(%arg0: i32, %arg1: i32, %arg2: memref<128x128xi32, #tpu.memory_space<hbm>>, %arg3: memref<262144x128xf32, #tpu.memory_space<hbm>>, %arg4: memref<16384x128xf32, #tpu.memory_space<hbm>>, %arg5: memref<4x128xi32, #tpu.memory_space<vmem>>, %arg6: memref<512x128xf32, #tpu.memory_space<vmem>>, %arg7: memref<!tpu.dma_semaphore, #tpu.memory_space<semaphore_mem>>) attributes {dimension_semantics = [#tpu.dimension_semantics<core_parallel>, #tpu.dimension_semantics<subcore_parallel>], iteration_bounds = array<i64: 2, 16>, scalar_prefetch = 0 : i64, scratch_operands = 3 : i64, tpu.core_type = #tpu.core_type<sc_vector_subcore>, window_params = [{transform_indices = #map}, {transform_indices = #map}, {transform_indices = #map}]} {
    %mul3A = arith.constant 2 : i32
    %mul3A_0 = arith.muli %arg1, %mul3A : i32
    %add3A = arith.addi %mul3A_0, %arg0 : i32
    %mul3A_1 = arith.constant 512 : i32
    %mul3A_2 = arith.muli %add3A, %mul3A_1 : i32
    %mul3A_3 = arith.constant 4 : i32
    %mul3A_4 = arith.muli %add3A, %mul3A_3 : i32
    "tpu.region"() ({
      %run_scoped3A = tpu.sem_alloc : memref<!tpu.dma_semaphore, #tpu.memory_space<semaphore_mem>>
      %dma_start3A_83 = arith.constant 0 : i32
      %dma_start3A_84 = tpu.memref_slice %arg2[%mul3A_4, %dma_start3A_83] : memref<128x128xi32, #tpu.memory_space<hbm>> -> memref<4x128xi32, #tpu.memory_space<hbm>>
      %dma_start3A_85 = arith.constant 0 : i32
      %dma_start3A_86 = tpu.memref_slice %arg2[%mul3A_4, %dma_start3A_85] : memref<128x128xi32, #tpu.memory_space<hbm>> -> memref<4x128xi32, #tpu.memory_space<hbm>>
      tpu.enqueue_dma source(%dma_start3A_86 : memref<4x128xi32, #tpu.memory_space<hbm>>) target(%arg5 : memref<4x128xi32, #tpu.memory_space<vmem>>) target_semaphore(%run_scoped3A : memref<!tpu.dma_semaphore, #tpu.memory_space<semaphore_mem>>)
      %dma_wait3A_87 = arith.constant 0 : i32
      %dma_wait3A_88 = tpu.memref_slice %arg2[%mul3A_4, %dma_wait3A_87] : memref<128x128xi32, #tpu.memory_space<hbm>> -> memref<4x128xi32, #tpu.memory_space<hbm>>
      %dma_wait3A_89 = arith.constant 0 : i32
      %dma_wait3A_90 = tpu.memref_slice %arg2[%mul3A_4, %dma_wait3A_89] : memref<128x128xi32, #tpu.memory_space<hbm>> -> memref<4x128xi32, #tpu.memory_space<hbm>>
      tpu.wait_dma2 semaphore(%run_scoped3A : memref<!tpu.dma_semaphore, #tpu.memory_space<semaphore_mem>>) src(%dma_wait3A_90 : memref<4x128xi32, #tpu.memory_space<hbm>>) dst(%arg5 : memref<4x128xi32, #tpu.memory_space<vmem>>)
      tpu.yield
    }) : () -> ()
    %dma_start3A = arith.constant 0 : i32
    %dma_start3A_5 = arith.constant 0 : i32
    %dma_start3A_6 = arith.constant 0 : i32
    %dma_start3A_7 = tpu.memref_slice %arg6[%dma_start3A_5, %dma_start3A_6] : memref<512x128xf32, #tpu.memory_space<vmem>> -> memref<128x128xf32, #tpu.memory_space<vmem>>
    %dma_start3A_8 = arith.constant 0 : i32
    %dma_start3A_9 = tpu.memref_slice %arg5[%dma_start3A, %dma_start3A_8] : memref<4x128xi32, #tpu.memory_space<vmem>> -> memref<1x128xi32, #tpu.memory_space<vmem>>
    %dma_start3A_10 = tpu.memref_squeeze %dma_start3A_9 : memref<1x128xi32, #tpu.memory_space<vmem>> -> memref<128xi32, #tpu.memory_space<vmem>>
    %dma_start3A_11 = arith.constant 0 : i32
    %dma_start3A_12 = arith.constant 0 : i32
    %dma_start3A_13 = tpu.memref_slice %arg3[%dma_start3A_11, %dma_start3A_12] : memref<262144x128xf32, #tpu.memory_space<hbm>> -> memref<262144x128xf32, #tpu.memory_space<hbm>>
    tpu.enqueue_indirect_dma source(%dma_start3A_13 : memref<262144x128xf32, #tpu.memory_space<hbm>>) target(%dma_start3A_7 : memref<128x128xf32, #tpu.memory_space<vmem>>) offsets(%dma_start3A_10 : memref<128xi32, #tpu.memory_space<vmem>>) semaphore(%arg7 : memref<!tpu.dma_semaphore, #tpu.memory_space<semaphore_mem>>)
    %dma_start3A_14 = arith.constant 1 : i32
    %dma_start3A_15 = arith.constant 128 : i32
    %dma_start3A_16 = arith.constant 0 : i32
    %dma_start3A_17 = tpu.memref_slice %arg6[%dma_start3A_15, %dma_start3A_16] : memref<512x128xf32, #tpu.memory_space<vmem>> -> memref<128x128xf32, #tpu.memory_space<vmem>>
    %dma_start3A_18 = arith.constant 0 : i32
    %dma_start3A_19 = tpu.memref_slice %arg5[%dma_start3A_14, %dma_start3A_18] : memref<4x128xi32, #tpu.memory_space<vmem>> -> memref<1x128xi32, #tpu.memory_space<vmem>>
    %dma_start3A_20 = tpu.memref_squeeze %dma_start3A_19 : memref<1x128xi32, #tpu.memory_space<vmem>> -> memref<128xi32, #tpu.memory_space<vmem>>
    %dma_start3A_21 = arith.constant 0 : i32
    %dma_start3A_22 = arith.constant 0 : i32
    %dma_start3A_23 = tpu.memref_slice %arg3[%dma_start3A_21, %dma_start3A_22] : memref<262144x128xf32, #tpu.memory_space<hbm>> -> memref<262144x128xf32, #tpu.memory_space<hbm>>
    tpu.enqueue_indirect_dma source(%dma_start3A_23 : memref<262144x128xf32, #tpu.memory_space<hbm>>) target(%dma_start3A_17 : memref<128x128xf32, #tpu.memory_space<vmem>>) offsets(%dma_start3A_20 : memref<128xi32, #tpu.memory_space<vmem>>) semaphore(%arg7 : memref<!tpu.dma_semaphore, #tpu.memory_space<semaphore_mem>>)
    %dma_start3A_24 = arith.constant 2 : i32
    %dma_start3A_25 = arith.constant 256 : i32
    %dma_start3A_26 = arith.constant 0 : i32
    %dma_start3A_27 = tpu.memref_slice %arg6[%dma_start3A_25, %dma_start3A_26] : memref<512x128xf32, #tpu.memory_space<vmem>> -> memref<128x128xf32, #tpu.memory_space<vmem>>
    %dma_start3A_28 = arith.constant 0 : i32
    %dma_start3A_29 = tpu.memref_slice %arg5[%dma_start3A_24, %dma_start3A_28] : memref<4x128xi32, #tpu.memory_space<vmem>> -> memref<1x128xi32, #tpu.memory_space<vmem>>
    %dma_start3A_30 = tpu.memref_squeeze %dma_start3A_29 : memref<1x128xi32, #tpu.memory_space<vmem>> -> memref<128xi32, #tpu.memory_space<vmem>>
    %dma_start3A_31 = arith.constant 0 : i32
    %dma_start3A_32 = arith.constant 0 : i32
    %dma_start3A_33 = tpu.memref_slice %arg3[%dma_start3A_31, %dma_start3A_32] : memref<262144x128xf32, #tpu.memory_space<hbm>> -> memref<262144x128xf32, #tpu.memory_space<hbm>>
    tpu.enqueue_indirect_dma source(%dma_start3A_33 : memref<262144x128xf32, #tpu.memory_space<hbm>>) target(%dma_start3A_27 : memref<128x128xf32, #tpu.memory_space<vmem>>) offsets(%dma_start3A_30 : memref<128xi32, #tpu.memory_space<vmem>>) semaphore(%arg7 : memref<!tpu.dma_semaphore, #tpu.memory_space<semaphore_mem>>)
    %dma_start3A_34 = arith.constant 3 : i32
    %dma_start3A_35 = arith.constant 384 : i32
    %dma_start3A_36 = arith.constant 0 : i32
    %dma_start3A_37 = tpu.memref_slice %arg6[%dma_start3A_35, %dma_start3A_36] : memref<512x128xf32, #tpu.memory_space<vmem>> -> memref<128x128xf32, #tpu.memory_space<vmem>>
    %dma_start3A_38 = arith.constant 0 : i32
    %dma_start3A_39 = tpu.memref_slice %arg5[%dma_start3A_34, %dma_start3A_38] : memref<4x128xi32, #tpu.memory_space<vmem>> -> memref<1x128xi32, #tpu.memory_space<vmem>>
    %dma_start3A_40 = tpu.memref_squeeze %dma_start3A_39 : memref<1x128xi32, #tpu.memory_space<vmem>> -> memref<128xi32, #tpu.memory_space<vmem>>
    %dma_start3A_41 = arith.constant 0 : i32
    %dma_start3A_42 = arith.constant 0 : i32
    %dma_start3A_43 = tpu.memref_slice %arg3[%dma_start3A_41, %dma_start3A_42] : memref<262144x128xf32, #tpu.memory_space<hbm>> -> memref<262144x128xf32, #tpu.memory_space<hbm>>
    tpu.enqueue_indirect_dma source(%dma_start3A_43 : memref<262144x128xf32, #tpu.memory_space<hbm>>) target(%dma_start3A_37 : memref<128x128xf32, #tpu.memory_space<vmem>>) offsets(%dma_start3A_40 : memref<128xi32, #tpu.memory_space<vmem>>) semaphore(%arg7 : memref<!tpu.dma_semaphore, #tpu.memory_space<semaphore_mem>>)
    %dma_wait3A = arith.constant 0 : i32
    %dma_wait3A_44 = arith.constant 0 : i32
    %dma_wait3A_45 = arith.constant 0 : i32
    %dma_wait3A_46 = tpu.memref_slice %arg6[%dma_wait3A_44, %dma_wait3A_45] : memref<512x128xf32, #tpu.memory_space<vmem>> -> memref<128x128xf32, #tpu.memory_space<vmem>>
    %dma_wait3A_47 = arith.constant 0 : i32
    %dma_wait3A_48 = tpu.memref_slice %arg5[%dma_wait3A, %dma_wait3A_47] : memref<4x128xi32, #tpu.memory_space<vmem>> -> memref<1x128xi32, #tpu.memory_space<vmem>>
    %dma_wait3A_49 = tpu.memref_squeeze %dma_wait3A_48 : memref<1x128xi32, #tpu.memory_space<vmem>> -> memref<128xi32, #tpu.memory_space<vmem>>
    %dma_wait3A_50 = arith.constant 0 : i32
    %dma_wait3A_51 = arith.constant 0 : i32
    %dma_wait3A_52 = tpu.memref_slice %arg3[%dma_wait3A_50, %dma_wait3A_51] : memref<262144x128xf32, #tpu.memory_space<hbm>> -> memref<262144x128xf32, #tpu.memory_space<hbm>>
    tpu.wait_indirect_dma semaphore(%arg7 : memref<!tpu.dma_semaphore, #tpu.memory_space<semaphore_mem>>) src(%dma_wait3A_52 : memref<262144x128xf32, #tpu.memory_space<hbm>>) dst(%dma_wait3A_46 : memref<128x128xf32, #tpu.memory_space<vmem>>)
    %dma_wait3A_53 = arith.constant 1 : i32
    %dma_wait3A_54 = arith.constant 128 : i32
    %dma_wait3A_55 = arith.constant 0 : i32
    %dma_wait3A_56 = tpu.memref_slice %arg6[%dma_wait3A_54, %dma_wait3A_55] : memref<512x128xf32, #tpu.memory_space<vmem>> -> memref<128x128xf32, #tpu.memory_space<vmem>>
    %dma_wait3A_57 = arith.constant 0 : i32
    %dma_wait3A_58 = tpu.memref_slice %arg5[%dma_wait3A_53, %dma_wait3A_57] : memref<4x128xi32, #tpu.memory_space<vmem>> -> memref<1x128xi32, #tpu.memory_space<vmem>>
    %dma_wait3A_59 = tpu.memref_squeeze %dma_wait3A_58 : memref<1x128xi32, #tpu.memory_space<vmem>> -> memref<128xi32, #tpu.memory_space<vmem>>
    %dma_wait3A_60 = arith.constant 0 : i32
    %dma_wait3A_61 = arith.constant 0 : i32
    %dma_wait3A_62 = tpu.memref_slice %arg3[%dma_wait3A_60, %dma_wait3A_61] : memref<262144x128xf32, #tpu.memory_space<hbm>> -> memref<262144x128xf32, #tpu.memory_space<hbm>>
    tpu.wait_indirect_dma semaphore(%arg7 : memref<!tpu.dma_semaphore, #tpu.memory_space<semaphore_mem>>) src(%dma_wait3A_62 : memref<262144x128xf32, #tpu.memory_space<hbm>>) dst(%dma_wait3A_56 : memref<128x128xf32, #tpu.memory_space<vmem>>)
    %dma_wait3A_63 = arith.constant 2 : i32
    %dma_wait3A_64 = arith.constant 256 : i32
    %dma_wait3A_65 = arith.constant 0 : i32
    %dma_wait3A_66 = tpu.memref_slice %arg6[%dma_wait3A_64, %dma_wait3A_65] : memref<512x128xf32, #tpu.memory_space<vmem>> -> memref<128x128xf32, #tpu.memory_space<vmem>>
    %dma_wait3A_67 = arith.constant 0 : i32
    %dma_wait3A_68 = tpu.memref_slice %arg5[%dma_wait3A_63, %dma_wait3A_67] : memref<4x128xi32, #tpu.memory_space<vmem>> -> memref<1x128xi32, #tpu.memory_space<vmem>>
    %dma_wait3A_69 = tpu.memref_squeeze %dma_wait3A_68 : memref<1x128xi32, #tpu.memory_space<vmem>> -> memref<128xi32, #tpu.memory_space<vmem>>
    %dma_wait3A_70 = arith.constant 0 : i32
    %dma_wait3A_71 = arith.constant 0 : i32
    %dma_wait3A_72 = tpu.memref_slice %arg3[%dma_wait3A_70, %dma_wait3A_71] : memref<262144x128xf32, #tpu.memory_space<hbm>> -> memref<262144x128xf32, #tpu.memory_space<hbm>>
    tpu.wait_indirect_dma semaphore(%arg7 : memref<!tpu.dma_semaphore, #tpu.memory_space<semaphore_mem>>) src(%dma_wait3A_72 : memref<262144x128xf32, #tpu.memory_space<hbm>>) dst(%dma_wait3A_66 : memref<128x128xf32, #tpu.memory_space<vmem>>)
    %dma_wait3A_73 = arith.constant 3 : i32
    %dma_wait3A_74 = arith.constant 384 : i32
    %dma_wait3A_75 = arith.constant 0 : i32
    %dma_wait3A_76 = tpu.memref_slice %arg6[%dma_wait3A_74, %dma_wait3A_75] : memref<512x128xf32, #tpu.memory_space<vmem>> -> memref<128x128xf32, #tpu.memory_space<vmem>>
    %dma_wait3A_77 = arith.constant 0 : i32
    %dma_wait3A_78 = tpu.memref_slice %arg5[%dma_wait3A_73, %dma_wait3A_77] : memref<4x128xi32, #tpu.memory_space<vmem>> -> memref<1x128xi32, #tpu.memory_space<vmem>>
    %dma_wait3A_79 = tpu.memref_squeeze %dma_wait3A_78 : memref<1x128xi32, #tpu.memory_space<vmem>> -> memref<128xi32, #tpu.memory_space<vmem>>
    %dma_wait3A_80 = arith.constant 0 : i32
    %dma_wait3A_81 = arith.constant 0 : i32
    %dma_wait3A_82 = tpu.memref_slice %arg3[%dma_wait3A_80, %dma_wait3A_81] : memref<262144x128xf32, #tpu.memory_space<hbm>> -> memref<262144x128xf32, #tpu.memory_space<hbm>>
    tpu.wait_indirect_dma semaphore(%arg7 : memref<!tpu.dma_semaphore, #tpu.memory_space<semaphore_mem>>) src(%dma_wait3A_82 : memref<262144x128xf32, #tpu.memory_space<hbm>>) dst(%dma_wait3A_76 : memref<128x128xf32, #tpu.memory_space<vmem>>)
    "tpu.region"() ({
      %run_scoped3A = tpu.sem_alloc : memref<!tpu.dma_semaphore, #tpu.memory_space<semaphore_mem>>
      %dma_start3A_83 = arith.constant 0 : i32
      %dma_start3A_84 = tpu.memref_slice %arg4[%mul3A_2, %dma_start3A_83] : memref<16384x128xf32, #tpu.memory_space<hbm>> -> memref<512x128xf32, #tpu.memory_space<hbm>>
      %dma_start3A_85 = arith.constant 0 : i32
      %dma_start3A_86 = tpu.memref_slice %arg4[%mul3A_2, %dma_start3A_85] : memref<16384x128xf32, #tpu.memory_space<hbm>> -> memref<512x128xf32, #tpu.memory_space<hbm>>
      tpu.enqueue_dma source(%arg6 : memref<512x128xf32, #tpu.memory_space<vmem>>) target(%dma_start3A_86 : memref<512x128xf32, #tpu.memory_space<hbm>>) target_semaphore(%run_scoped3A : memref<!tpu.dma_semaphore, #tpu.memory_space<semaphore_mem>>)
      %dma_wait3A_87 = arith.constant 0 : i32
      %dma_wait3A_88 = tpu.memref_slice %arg4[%mul3A_2, %dma_wait3A_87] : memref<16384x128xf32, #tpu.memory_space<hbm>> -> memref<512x128xf32, #tpu.memory_space<hbm>>
      %dma_wait3A_89 = arith.constant 0 : i32
      %dma_wait3A_90 = tpu.memref_slice %arg4[%mul3A_2, %dma_wait3A_89] : memref<16384x128xf32, #tpu.memory_space<hbm>> -> memref<512x128xf32, #tpu.memory_space<hbm>>
      tpu.wait_dma2 semaphore(%run_scoped3A : memref<!tpu.dma_semaphore, #tpu.memory_space<semaphore_mem>>) src(%arg6 : memref<512x128xf32, #tpu.memory_space<vmem>>) dst(%dma_wait3A_90 : memref<512x128xf32, #tpu.memory_space<hbm>>)
      tpu.yield
    }) : () -> ()
    return
  }
}

#map = affine_map<(d0, d1) -> (0, 0)>
module attributes {stable_mosaic.version = 14 : i64} {
  func.func @_gather_body(%arg0: i32, %arg1: i32, %arg2: memref<128x128xi32, #tpu.memory_space<hbm>>, %arg3: memref<262144x128xf32, #tpu.memory_space<hbm>>, %arg4: memref<16384x128xf32, #tpu.memory_space<hbm>>, %arg5: memref<4x128xi32, #tpu.memory_space<vmem>>, %arg6: memref<512x128xf32, #tpu.memory_space<vmem>>, %arg7: memref<!tpu.dma_semaphore, #tpu.memory_space<semaphore_mem>>) attributes {dimension_semantics = [#tpu.dimension_semantics<core_parallel>, #tpu.dimension_semantics<subcore_parallel>], iteration_bounds = array<i64: 2, 16>, scalar_prefetch = 0 : i64, scratch_operands = 3 : i64, tpu.core_type = #tpu.core_type<sc_vector_subcore>, window_params = [{transform_indices = #map}, {transform_indices = #map}, {transform_indices = #map}]} {
    %mul3A = arith.constant 2 : i32
    %mul3A_0 = arith.muli %arg1, %mul3A : i32
    %add3A = arith.addi %mul3A_0, %arg0 : i32
    %mul3A_1 = arith.constant 512 : i32
    %mul3A_2 = arith.muli %add3A, %mul3A_1 : i32
    %mul3A_3 = arith.constant 4 : i32
    %mul3A_4 = arith.muli %add3A, %mul3A_3 : i32
    "tpu.region"() ({
      %run_scoped3A = tpu.sem_alloc : memref<!tpu.dma_semaphore, #tpu.memory_space<semaphore_mem>>
      %dma_start3A_83 = arith.constant 0 : i32
      %dma_start3A_84 = tpu.memref_slice %arg2[%mul3A_4, %dma_start3A_83] : memref<128x128xi32, #tpu.memory_space<hbm>> -> memref<4x128xi32, #tpu.memory_space<hbm>>
      %dma_start3A_85 = arith.constant 0 : i32
      %dma_start3A_86 = tpu.memref_slice %arg2[%mul3A_4, %dma_start3A_85] : memref<128x128xi32, #tpu.memory_space<hbm>> -> memref<4x128xi32, #tpu.memory_space<hbm>>
      tpu.enqueue_dma source(%dma_start3A_86 : memref<4x128xi32, #tpu.memory_space<hbm>>) target(%arg5 : memref<4x128xi32, #tpu.memory_space<vmem>>) target_semaphore(%run_scoped3A : memref<!tpu.dma_semaphore, #tpu.memory_space<semaphore_mem>>)
      %dma_wait3A_87 = arith.constant 0 : i32
      %dma_wait3A_88 = tpu.memref_slice %arg2[%mul3A_4, %dma_wait3A_87] : memref<128x128xi32, #tpu.memory_space<hbm>> -> memref<4x128xi32, #tpu.memory_space<hbm>>
      %dma_wait3A_89 = arith.constant 0 : i32
      %dma_wait3A_90 = tpu.memref_slice %arg2[%mul3A_4, %dma_wait3A_89] : memref<128x128xi32, #tpu.memory_space<hbm>> -> memref<4x128xi32, #tpu.memory_space<hbm>>
      tpu.wait_dma2 semaphore(%run_scoped3A : memref<!tpu.dma_semaphore, #tpu.memory_space<semaphore_mem>>) src(%dma_wait3A_90 : memref<4x128xi32, #tpu.memory_space<hbm>>) dst(%arg5 : memref<4x128xi32, #tpu.memory_space<vmem>>)
      tpu.yield
    }) : () -> ()
    %dma_start3A = arith.constant 0 : i32
    %dma_start3A_5 = arith.constant 0 : i32
    %dma_start3A_6 = arith.constant 0 : i32
    %dma_start3A_7 = tpu.memref_slice %arg6[%dma_start3A_5, %dma_start3A_6] : memref<512x128xf32, #tpu.memory_space<vmem>> -> memref<128x128xf32, #tpu.memory_space<vmem>>
    %dma_start3A_8 = arith.constant 0 : i32
    %dma_start3A_9 = tpu.memref_slice %arg5[%dma_start3A, %dma_start3A_8] : memref<4x128xi32, #tpu.memory_space<vmem>> -> memref<1x128xi32, #tpu.memory_space<vmem>>
    %dma_start3A_10 = tpu.memref_squeeze %dma_start3A_9 : memref<1x128xi32, #tpu.memory_space<vmem>> -> memref<128xi32, #tpu.memory_space<vmem>>
    %dma_start3A_11 = arith.constant 0 : i32
    %dma_start3A_12 = arith.constant 0 : i32
    %dma_start3A_13 = tpu.memref_slice %arg3[%dma_start3A_11, %dma_start3A_12] : memref<262144x128xf32, #tpu.memory_space<hbm>> -> memref<262144x128xf32, #tpu.memory_space<hbm>>
    tpu.enqueue_indirect_dma source(%dma_start3A_13 : memref<262144x128xf32, #tpu.memory_space<hbm>>) target(%dma_start3A_7 : memref<128x128xf32, #tpu.memory_space<vmem>>) offsets(%dma_start3A_10 : memref<128xi32, #tpu.memory_space<vmem>>) semaphore(%arg7 : memref<!tpu.dma_semaphore, #tpu.memory_space<semaphore_mem>>)
    %dma_start3A_14 = arith.constant 1 : i32
    %dma_start3A_15 = arith.constant 128 : i32
    %dma_start3A_16 = arith.constant 0 : i32
    %dma_start3A_17 = tpu.memref_slice %arg6[%dma_start3A_15, %dma_start3A_16] : memref<512x128xf32, #tpu.memory_space<vmem>> -> memref<128x128xf32, #tpu.memory_space<vmem>>
    %dma_start3A_18 = arith.constant 0 : i32
    %dma_start3A_19 = tpu.memref_slice %arg5[%dma_start3A_14, %dma_start3A_18] : memref<4x128xi32, #tpu.memory_space<vmem>> -> memref<1x128xi32, #tpu.memory_space<vmem>>
    %dma_start3A_20 = tpu.memref_squeeze %dma_start3A_19 : memref<1x128xi32, #tpu.memory_space<vmem>> -> memref<128xi32, #tpu.memory_space<vmem>>
    %dma_start3A_21 = arith.constant 0 : i32
    %dma_start3A_22 = arith.constant 0 : i32
    %dma_start3A_23 = tpu.memref_slice %arg3[%dma_start3A_21, %dma_start3A_22] : memref<262144x128xf32, #tpu.memory_space<hbm>> -> memref<262144x128xf32, #tpu.memory_space<hbm>>
    tpu.enqueue_indirect_dma source(%dma_start3A_23 : memref<262144x128xf32, #tpu.memory_space<hbm>>) target(%dma_start3A_17 : memref<128x128xf32, #tpu.memory_space<vmem>>) offsets(%dma_start3A_20 : memref<128xi32, #tpu.memory_space<vmem>>) semaphore(%arg7 : memref<!tpu.dma_semaphore, #tpu.memory_space<semaphore_mem>>)
    %dma_start3A_24 = arith.constant 2 : i32
    %dma_start3A_25 = arith.constant 256 : i32
    %dma_start3A_26 = arith.constant 0 : i32
    %dma_start3A_27 = tpu.memref_slice %arg6[%dma_start3A_25, %dma_start3A_26] : memref<512x128xf32, #tpu.memory_space<vmem>> -> memref<128x128xf32, #tpu.memory_space<vmem>>
    %dma_start3A_28 = arith.constant 0 : i32
    %dma_start3A_29 = tpu.memref_slice %arg5[%dma_start3A_24, %dma_start3A_28] : memref<4x128xi32, #tpu.memory_space<vmem>> -> memref<1x128xi32, #tpu.memory_space<vmem>>
    %dma_start3A_30 = tpu.memref_squeeze %dma_start3A_29 : memref<1x128xi32, #tpu.memory_space<vmem>> -> memref<128xi32, #tpu.memory_space<vmem>>
    %dma_start3A_31 = arith.constant 0 : i32
    %dma_start3A_32 = arith.constant 0 : i32
    %dma_start3A_33 = tpu.memref_slice %arg3[%dma_start3A_31, %dma_start3A_32] : memref<262144x128xf32, #tpu.memory_space<hbm>> -> memref<262144x128xf32, #tpu.memory_space<hbm>>
    tpu.enqueue_indirect_dma source(%dma_start3A_33 : memref<262144x128xf32, #tpu.memory_space<hbm>>) target(%dma_start3A_27 : memref<128x128xf32, #tpu.memory_space<vmem>>) offsets(%dma_start3A_30 : memref<128xi32, #tpu.memory_space<vmem>>) semaphore(%arg7 : memref<!tpu.dma_semaphore, #tpu.memory_space<semaphore_mem>>)
    %dma_start3A_34 = arith.constant 3 : i32
    %dma_start3A_35 = arith.constant 384 : i32
    %dma_start3A_36 = arith.constant 0 : i32
    %dma_start3A_37 = tpu.memref_slice %arg6[%dma_start3A_35, %dma_start3A_36] : memref<512x128xf32, #tpu.memory_space<vmem>> -> memref<128x128xf32, #tpu.memory_space<vmem>>
    %dma_start3A_38 = arith.constant 0 : i32
    %dma_start3A_39 = tpu.memref_slice %arg5[%dma_start3A_34, %dma_start3A_38] : memref<4x128xi32, #tpu.memory_space<vmem>> -> memref<1x128xi32, #tpu.memory_space<vmem>>
    %dma_start3A_40 = tpu.memref_squeeze %dma_start3A_39 : memref<1x128xi32, #tpu.memory_space<vmem>> -> memref<128xi32, #tpu.memory_space<vmem>>
    %dma_start3A_41 = arith.constant 0 : i32
    %dma_start3A_42 = arith.constant 0 : i32
    %dma_start3A_43 = tpu.memref_slice %arg3[%dma_start3A_41, %dma_start3A_42] : memref<262144x128xf32, #tpu.memory_space<hbm>> -> memref<262144x128xf32, #tpu.memory_space<hbm>>
    tpu.enqueue_indirect_dma source(%dma_start3A_43 : memref<262144x128xf32, #tpu.memory_space<hbm>>) target(%dma_start3A_37 : memref<128x128xf32, #tpu.memory_space<vmem>>) offsets(%dma_start3A_40 : memref<128xi32, #tpu.memory_space<vmem>>) semaphore(%arg7 : memref<!tpu.dma_semaphore, #tpu.memory_space<semaphore_mem>>)
    %dma_wait3A = arith.constant 0 : i32
    %dma_wait3A_44 = arith.constant 0 : i32
    %dma_wait3A_45 = arith.constant 0 : i32
    %dma_wait3A_46 = tpu.memref_slice %arg6[%dma_wait3A_44, %dma_wait3A_45] : memref<512x128xf32, #tpu.memory_space<vmem>> -> memref<128x128xf32, #tpu.memory_space<vmem>>
    %dma_wait3A_47 = arith.constant 0 : i32
    %dma_wait3A_48 = tpu.memref_slice %arg5[%dma_wait3A, %dma_wait3A_47] : memref<4x128xi32, #tpu.memory_space<vmem>> -> memref<1x128xi32, #tpu.memory_space<vmem>>
    %dma_wait3A_49 = tpu.memref_squeeze %dma_wait3A_48 : memref<1x128xi32, #tpu.memory_space<vmem>> -> memref<128xi32, #tpu.memory_space<vmem>>
    %dma_wait3A_50 = arith.constant 0 : i32
    %dma_wait3A_51 = arith.constant 0 : i32
    %dma_wait3A_52 = tpu.memref_slice %arg3[%dma_wait3A_50, %dma_wait3A_51] : memref<262144x128xf32, #tpu.memory_space<hbm>> -> memref<262144x128xf32, #tpu.memory_space<hbm>>
    tpu.wait_indirect_dma semaphore(%arg7 : memref<!tpu.dma_semaphore, #tpu.memory_space<semaphore_mem>>) src(%dma_wait3A_52 : memref<262144x128xf32, #tpu.memory_space<hbm>>) dst(%dma_wait3A_46 : memref<128x128xf32, #tpu.memory_space<vmem>>)
    %dma_wait3A_53 = arith.constant 1 : i32
    %dma_wait3A_54 = arith.constant 128 : i32
    %dma_wait3A_55 = arith.constant 0 : i32
    %dma_wait3A_56 = tpu.memref_slice %arg6[%dma_wait3A_54, %dma_wait3A_55] : memref<512x128xf32, #tpu.memory_space<vmem>> -> memref<128x128xf32, #tpu.memory_space<vmem>>
    %dma_wait3A_57 = arith.constant 0 : i32
    %dma_wait3A_58 = tpu.memref_slice %arg5[%dma_wait3A_53, %dma_wait3A_57] : memref<4x128xi32, #tpu.memory_space<vmem>> -> memref<1x128xi32, #tpu.memory_space<vmem>>
    %dma_wait3A_59 = tpu.memref_squeeze %dma_wait3A_58 : memref<1x128xi32, #tpu.memory_space<vmem>> -> memref<128xi32, #tpu.memory_space<vmem>>
    %dma_wait3A_60 = arith.constant 0 : i32
    %dma_wait3A_61 = arith.constant 0 : i32
    %dma_wait3A_62 = tpu.memref_slice %arg3[%dma_wait3A_60, %dma_wait3A_61] : memref<262144x128xf32, #tpu.memory_space<hbm>> -> memref<262144x128xf32, #tpu.memory_space<hbm>>
    tpu.wait_indirect_dma semaphore(%arg7 : memref<!tpu.dma_semaphore, #tpu.memory_space<semaphore_mem>>) src(%dma_wait3A_62 : memref<262144x128xf32, #tpu.memory_space<hbm>>) dst(%dma_wait3A_56 : memref<128x128xf32, #tpu.memory_space<vmem>>)
    %dma_wait3A_63 = arith.constant 2 : i32
    %dma_wait3A_64 = arith.constant 256 : i32
    %dma_wait3A_65 = arith.constant 0 : i32
    %dma_wait3A_66 = tpu.memref_slice %arg6[%dma_wait3A_64, %dma_wait3A_65] : memref<512x128xf32, #tpu.memory_space<vmem>> -> memref<128x128xf32, #tpu.memory_space<vmem>>
    %dma_wait3A_67 = arith.constant 0 : i32
    %dma_wait3A_68 = tpu.memref_slice %arg5[%dma_wait3A_63, %dma_wait3A_67] : memref<4x128xi32, #tpu.memory_space<vmem>> -> memref<1x128xi32, #tpu.memory_space<vmem>>
    %dma_wait3A_69 = tpu.memref_squeeze %dma_wait3A_68 : memref<1x128xi32, #tpu.memory_space<vmem>> -> memref<128xi32, #tpu.memory_space<vmem>>
    %dma_wait3A_70 = arith.constant 0 : i32
    %dma_wait3A_71 = arith.constant 0 : i32
    %dma_wait3A_72 = tpu.memref_slice %arg3[%dma_wait3A_70, %dma_wait3A_71] : memref<262144x128xf32, #tpu.memory_space<hbm>> -> memref<262144x128xf32, #tpu.memory_space<hbm>>
    tpu.wait_indirect_dma semaphore(%arg7 : memref<!tpu.dma_semaphore, #tpu.memory_space<semaphore_mem>>) src(%dma_wait3A_72 : memref<262144x128xf32, #tpu.memory_space<hbm>>) dst(%dma_wait3A_66 : memref<128x128xf32, #tpu.memory_space<vmem>>)
    %dma_wait3A_73 = arith.constant 3 : i32
    %dma_wait3A_74 = arith.constant 384 : i32
    %dma_wait3A_75 = arith.constant 0 : i32
    %dma_wait3A_76 = tpu.memref_slice %arg6[%dma_wait3A_74, %dma_wait3A_75] : memref<512x128xf32, #tpu.memory_space<vmem>> -> memref<128x128xf32, #tpu.memory_space<vmem>>
    %dma_wait3A_77 = arith.constant 0 : i32
    %dma_wait3A_78 = tpu.memref_slice %arg5[%dma_wait3A_73, %dma_wait3A_77] : memref<4x128xi32, #tpu.memory_space<vmem>> -> memref<1x128xi32, #tpu.memory_space<vmem>>
    %dma_wait3A_79 = tpu.memref_squeeze %dma_wait3A_78 : memref<1x128xi32, #tpu.memory_space<vmem>> -> memref<128xi32, #tpu.memory_space<vmem>>
    %dma_wait3A_80 = arith.constant 0 : i32
    %dma_wait3A_81 = arith.constant 0 : i32
    %dma_wait3A_82 = tpu.memref_slice %arg3[%dma_wait3A_80, %dma_wait3A_81] : memref<262144x128xf32, #tpu.memory_space<hbm>> -> memref<262144x128xf32, #tpu.memory_space<hbm>>
    tpu.wait_indirect_dma semaphore(%arg7 : memref<!tpu.dma_semaphore, #tpu.memory_space<semaphore_mem>>) src(%dma_wait3A_82 : memref<262144x128xf32, #tpu.memory_space<hbm>>) dst(%dma_wait3A_76 : memref<128x128xf32, #tpu.memory_space<vmem>>)
    "tpu.region"() ({
      %run_scoped3A = tpu.sem_alloc : memref<!tpu.dma_semaphore, #tpu.memory_space<semaphore_mem>>
      %dma_start3A_83 = arith.constant 0 : i32
      %dma_start3A_84 = tpu.memref_slice %arg4[%mul3A_2, %dma_start3A_83] : memref<16384x128xf32, #tpu.memory_space<hbm>> -> memref<512x128xf32, #tpu.memory_space<hbm>>
      %dma_start3A_85 = arith.constant 0 : i32
      %dma_start3A_86 = tpu.memref_slice %arg4[%mul3A_2, %dma_start3A_85] : memref<16384x128xf32, #tpu.memory_space<hbm>> -> memref<512x128xf32, #tpu.memory_space<hbm>>
      tpu.enqueue_dma source(%arg6 : memref<512x128xf32, #tpu.memory_space<vmem>>) target(%dma_start3A_86 : memref<512x128xf32, #tpu.memory_space<hbm>>) target_semaphore(%run_scoped3A : memref<!tpu.dma_semaphore, #tpu.memory_space<semaphore_mem>>)
      %dma_wait3A_87 = arith.constant 0 : i32
      %dma_wait3A_88 = tpu.memref_slice %arg4[%mul3A_2, %dma_wait3A_87] : memref<16384x128xf32, #tpu.memory_space<hbm>> -> memref<512x128xf32, #tpu.memory_space<hbm>>
      %dma_wait3A_89 = arith.constant 0 : i32
      %dma_wait3A_90 = tpu.memref_slice %arg4[%mul3A_2, %dma_wait3A_89] : memref<16384x128xf32, #tpu.memory_space<hbm>> -> memref<512x128xf32, #tpu.memory_space<hbm>>
      tpu.wait_dma2 semaphore(%run_scoped3A : memref<!tpu.dma_semaphore, #tpu.memory_space<semaphore_mem>>) src(%arg6 : memref<512x128xf32, #tpu.memory_space<vmem>>) dst(%dma_wait3A_90 : memref<512x128xf32, #tpu.memory_space<hbm>>)
      tpu.yield
    }) : () -> ()
    return
  }
}

module attributes {stable_mosaic.version = 14 : i64} {
  func.func @_pack_body(%arg0: i32, %arg1: memref<32x65536xf32, #tpu.memory_space<vmem>>, %arg2: memref<16384x128xf32, #tpu.memory_space<vmem>>) attributes {dimension_semantics = [#tpu.dimension_semantics<parallel>], iteration_bounds = array<i64: 16>, scalar_prefetch = 0 : i64, scratch_operands = 0 : i64, tpu.core_type = #tpu.core_type<tc>, window_params = [{transform_indices = @transform_0, window_bounds = array<i64: 32, 65536>}, {transform_indices = @transform_1, window_bounds = array<i64: 16384, 128>}]} {
    %get3A = arith.constant 0 : index
    %get3A_0 = arith.constant 0 : index
    %get3A_1 = vector.load %arg1[%get3A, %get3A_0] : memref<32x65536xf32, #tpu.memory_space<vmem>>, vector<32x128xf32>
    %get3A_2 = arith.constant 0 : index
    %get3A_3 = arith.constant 128 : index
    %get3A_4 = vector.load %arg1[%get3A_2, %get3A_3] : memref<32x65536xf32, #tpu.memory_space<vmem>>, vector<32x128xf32>
    %get3A_5 = arith.constant 0 : index
    %get3A_6 = arith.constant 256 : index
    %get3A_7 = vector.load %arg1[%get3A_5, %get3A_6] : memref<32x65536xf32, #tpu.memory_space<vmem>>, vector<32x128xf32>
    %get3A_8 = arith.constant 0 : index
    %get3A_9 = arith.constant 384 : index
    %get3A_10 = vector.load %arg1[%get3A_8, %get3A_9] : memref<32x65536xf32, #tpu.memory_space<vmem>>, vector<32x128xf32>
    %concatenate3A = tpu.concatenate %get3A_1, %get3A_4, %get3A_7, %get3A_10 in 0 : vector<32x128xf32>, vector<32x128xf32>, vector<32x128xf32>, vector<32x128xf32> -> vector<128x128xf32>
    %transpose3A = tpu.transpose %concatenate3A, [1, 0] : vector<128x128xf32> -> vector<128x128xf32>
    %swap3A = arith.constant 0 : index
    %swap3A_11 = arith.constant 0 : index
    %swap3A_12 = vector.load %arg2[%swap3A, %swap3A_11] : memref<16384x128xf32, #tpu.memory_space<vmem>>, vector<128x128xf32>
    tpu.vector_store %arg2[%swap3A, %swap3A_11], %transpose3A {strides = array<i32>} : memref<16384x128xf32, #tpu.memory_space<vmem>>, vector<128x128xf32>,
    %get3A_13 = arith.constant 0 : index
    %get3A_14 = arith.constant 512 : index
    %get3A_15 = vector.load %arg1[%get3A_13, %get3A_14] : memref<32x65536xf32, #tpu.memory_space<vmem>>, vector<32x128xf32>
    %get3A_16 = arith.constant 0 : index
    %get3A_17 = arith.constant 640 : index
    %get3A_18 = vector.load %arg1[%get3A_16, %get3A_17] : memref<32x65536xf32, #tpu.memory_space<vmem>>, vector<32x128xf32>
    %get3A_19 = arith.constant 0 : index
    %get3A_20 = arith.constant 768 : index
    %get3A_21 = vector.load %arg1[%get3A_19, %get3A_20] : memref<32x65536xf32, #tpu.memory_space<vmem>>, vector<32x128xf32>
    %get3A_22 = arith.constant 0 : index
    %get3A_23 = arith.constant 896 : index
    %get3A_24 = vector.load %arg1[%get3A_22, %get3A_23] : memref<32x65536xf32, #tpu.memory_space<vmem>>, vector<32x128xf32>
    %concatenate3A_25 = tpu.concatenate %get3A_15, %get3A_18, %get3A_21, %get3A_24 in 0 : vector<32x128xf32>, vector<32x128xf32>, vector<32x128xf32>, vector<32x128xf32> -> vector<128x128xf32>
    %transpose3A_26 = tpu.transpose %concatenate3A_25, [1, 0] : vector<128x128xf32> -> vector<128x128xf32>
    %swap3A_27 = arith.constant 128 : index
    %swap3A_28 = arith.constant 0 : index
    %swap3A_29 = vector.load %arg2[%swap3A_27, %swap3A_28] : memref<16384x128xf32, #tpu.memory_space<vmem>>, vector<128x128xf32>
    tpu.vector_store %arg2[%swap3A_27, %swap3A_28], %transpose3A_26 {strides = array<i32>} : memref<16384x128xf32, #tpu.memory_space<vmem>>, vector<128x128xf32>,
    %get3A_30 = arith.constant 0 : index
    %get3A_31 = arith.constant 1024 : index
    %get3A_32 = vector.load %arg1[%get3A_30, %get3A_31] : memref<32x65536xf32, #tpu.memory_space<vmem>>, vector<32x128xf32>
    %get3A_33 = arith.constant 0 : index
    %get3A_34 = arith.constant 1152 : index
    %get3A_35 = vector.load %arg1[%get3A_33, %get3A_34] : memref<32x65536xf32, #tpu.memory_space<vmem>>, vector<32x128xf32>
    %get3A_36 = arith.constant 0 : index
    %get3A_37 = arith.constant 1280 : index
    %get3A_38 = vector.load %arg1[%get3A_36, %get3A_37] : memref<32x65536xf32, #tpu.memory_space<vmem>>, vector<32x128xf32>
    %get3A_39 = arith.constant 0 : index
    %get3A_40 = arith.constant 1408 : index
    %get3A_41 = vector.load %arg1[%get3A_39, %get3A_40] : memref<32x65536xf32, #tpu.memory_space<vmem>>, vector<32x128xf32>
    %concatenate3A_42 = tpu.concatenate %get3A_32, %get3A_35, %get3A_38, %get3A_41 in 0 : vector<32x128xf32>, vector<32x128xf32>, vector<32x128xf32>, vector<32x128xf32> -> vector<128x128xf32>
    %transpose3A_43 = tpu.transpose %concatenate3A_42, [1, 0] : vector<128x128xf32> -> vector<128x128xf32>
    %swap3A_44 = arith.constant 256 : index
    %swap3A_45 = arith.constant 0 : index
    %swap3A_46 = vector.load %arg2[%swap3A_44, %swap3A_45] : memref<16384x128xf32, #tpu.memory_space<vmem>>, vector<128x128xf32>
    tpu.vector_store %arg2[%swap3A_44, %swap3A_45], %transpose3A_43 {strides = array<i32>} : memref<16384x128xf32, #tpu.memory_space<vmem>>, vector<128x128xf32>,
    %get3A_47 = arith.constant 0 : index
    %get3A_48 = arith.constant 1536 : index
    %get3A_49 = vector.load %arg1[%get3A_47, %get3A_48] : memref<32x65536xf32, #tpu.memory_space<vmem>>, vector<32x128xf32>
    %get3A_50 = arith.constant 0 : index
    %get3A_51 = arith.constant 1664 : index
    %get3A_52 = vector.load %arg1[%get3A_50, %get3A_51] : memref<32x65536xf32, #tpu.memory_space<vmem>>, vector<32x128xf32>
    %get3A_53 = arith.constant 0 : index
    %get3A_54 = arith.constant 1792 : index
    %get3A_55 = vector.load %arg1[%get3A_53, %get3A_54] : memref<32x65536xf32, #tpu.memory_space<vmem>>, vector<32x128xf32>
    %get3A_56 = arith.constant 0 : index
    %get3A_57 = arith.constant 1920 : index
    %get3A_58 = vector.load %arg1[%get3A_56, %get3A_57] : memref<32x65536xf32, #tpu.memory_space<vmem>>, vector<32x128xf32>
    %concatenate3A_59 = tpu.concatenate %get3A_49, %get3A_52, %get3A_55, %get3A_58 in 0 : vector<32x128xf32>, vector<32x128xf32>, vector<32x128xf32>, vector<32x128xf32> -> vector<128x128xf32>
    %transpose3A_60 = tpu.transpose %concatenate3A_59, [1, 0] : vector<128x128xf32> -> vector<128x128xf32>
    %swap3A_61 = arith.constant 384 : index
    %swap3A_62 = arith.constant 0 : index
    %swap3A_63 = vector.load %arg2[%swap3A_61, %swap3A_62] : memref<16384x128xf32, #tpu.memory_space<vmem>>, vector<128x128xf32>
    tpu.vector_store %arg2[%swap3A_61, %swap3A_62], %transpose3A_60 {strides = array<i32>} : memref<16384x128xf32, #tpu.memory_space<vmem>>, vector<128x128xf32>,
    %get3A_64 = arith.constant 0 : index
    %get3A_65 = arith.constant 2048 : index
    %get3A_66 = vector.load %arg1[%get3A_64, %get3A_65] : memref<32x65536xf32, #tpu.memory_space<vmem>>, vector<32x128xf32>
    %get3A_67 = arith.constant 0 : index
    %get3A_68 = arith.constant 2176 : index
    %get3A_69 = vector.load %arg1[%get3A_67, %get3A_68] : memref<32x65536xf32, #tpu.memory_space<vmem>>, vector<32x128xf32>
    %get3A_70 = arith.constant 0 : index
    %get3A_71 = arith.constant 2304 : index
    %get3A_72 = vector.load %arg1[%get3A_70, %get3A_71] : memref<32x65536xf32, #tpu.memory_space<vmem>>, vector<32x128xf32>
    %get3A_73 = arith.constant 0 : index
    %get3A_74 = arith.constant 2432 : index
    %get3A_75 = vector.load %arg1[%get3A_73, %get3A_74] : memref<32x65536xf32, #tpu.memory_space<vmem>>, vector<32x128xf32>
    %concatenate3A_76 = tpu.concatenate %get3A_66, %get3A_69, %get3A_72, %get3A_75 in 0 : vector<32x128xf32>, vector<32x128xf32>, vector<32x128xf32>, vector<32x128xf32> -> vector<128x128xf32>
    %transpose3A_77 = tpu.transpose %concatenate3A_76, [1, 0] : vector<128x128xf32> -> vector<128x128xf32>
    %swap3A_78 = arith.constant 512 : index
    %swap3A_79 = arith.constant 0 : index
    %swap3A_80 = vector.load %arg2[%swap3A_78, %swap3A_79] : memref<16384x128xf32, #tpu.memory_space<vmem>>, vector<128x128xf32>
    tpu.vector_store %arg2[%swap3A_78, %swap3A_79], %transpose3A_77 {strides = array<i32>} : memref<16384x128xf32, #tpu.memory_space<vmem>>, vector<128x128xf32>,
    %get3A_81 = arith.constant 0 : index
    %get3A_82 = arith.constant 2560 : index
    %get3A_83 = vector.load %arg1[%get3A_81, %get3A_82] : memref<32x65536xf32, #tpu.memory_space<vmem>>, vector<32x128xf32>
    %get3A_84 = arith.constant 0 : index
    %get3A_85 = arith.constant 2688 : index
    %get3A_86 = vector.load %arg1[%get3A_84, %get3A_85] : memref<32x65536xf32, #tpu.memory_space<vmem>>, vector<32x128xf32>
    %get3A_87 = arith.constant 0 : index
    %get3A_88 = arith.constant 2816 : index
    %get3A_89 = vector.load %arg1[%get3A_87, %get3A_88] : memref<32x65536xf32, #tpu.memory_space<vmem>>, vector<32x128xf32>
    %get3A_90 = arith.constant 0 : index
    %get3A_91 = arith.constant 2944 : index
    %get3A_92 = vector.load %arg1[%get3A_90, %get3A_91] : memref<32x65536xf32, #tpu.memory_space<vmem>>, vector<32x128xf32>
    %concatenate3A_93 = tpu.concatenate %get3A_83, %get3A_86, %get3A_89, %get3A_92 in 0 : vector<32x128xf32>, vector<32x128xf32>, vector<32x128xf32>, vector<32x128xf32> -> vector<128x128xf32>
    %transpose3A_94 = tpu.transpose %concatenate3A_93, [1, 0] : vector<128x128xf32> -> vector<128x128xf32>
    %swap3A_95 = arith.constant 640 : index
    %swap3A_96 = arith.constant 0 : index
    %swap3A_97 = vector.load %arg2[%swap3A_95, %swap3A_96] : memref<16384x128xf32, #tpu.memory_space<vmem>>, vector<128x128xf32>
    tpu.vector_store %arg2[%swap3A_95, %swap3A_96], %transpose3A_94 {strides = array<i32>} : memref<16384x128xf32, #tpu.memory_space<vmem>>, vector<128x128xf32>,
    %get3A_98 = arith.constant 0 : index
    %get3A_99 = arith.constant 3072 : index
    %get3A_100 = vector.load %arg1[%get3A_98, %get3A_99] : memref<32x65536xf32, #tpu.memory_space<vmem>>, vector<32x128xf32>
    %get3A_101 = arith.constant 0 : index
    %get3A_102 = arith.constant 3200 : index
    %get3A_103 = vector.load %arg1[%get3A_101, %get3A_102] : memref<32x65536xf32, #tpu.memory_space<vmem>>, vector<32x128xf32>
    %get3A_104 = arith.constant 0 : index
    %get3A_105 = arith.constant 3328 : index
    %get3A_106 = vector.load %arg1[%get3A_104, %get3A_105] : memref<32x65536xf32, #tpu.memory_space<vmem>>, vector<32x128xf32>
    %get3A_107 = arith.constant 0 : index
    %get3A_108 = arith.constant 3456 : index
    %get3A_109 = vector.load %arg1[%get3A_107, %get3A_108] : memref<32x65536xf32, #tpu.memory_space<vmem>>, vector<32x128xf32>
    %concatenate3A_110 = tpu.concatenate %get3A_100, %get3A_103, %get3A_106, %get3A_109 in 0 : vector<32x128xf32>, vector<32x128xf32>, vector<32x128xf32>, vector<32x128xf32> -> vector<128x128xf32>
    %transpose3A_111 = tpu.transpose %concatenate3A_110, [1, 0] : vector<128x128xf32> -> vector<128x128xf32>
    %swap3A_112 = arith.constant 768 : index
    %swap3A_113 = arith.constant 0 : index
    %swap3A_114 = vector.load %arg2[%swap3A_112, %swap3A_113] : memref<16384x128xf32, #tpu.memory_space<vmem>>, vector<128x128xf32>
    tpu.vector_store %arg2[%swap3A_112, %swap3A_113], %transpose3A_111 {strides = array<i32>} : memref<16384x128xf32, #tpu.memory_space<vmem>>, vector<128x128xf32>,
    %get3A_115 = arith.constant 0 : index
    %get3A_116 = arith.constant 3584 : index
    %get3A_117 = vector.load %arg1[%get3A_115, %get3A_116] : memref<32x65536xf32, #tpu.memory_space<vmem>>, vector<32x128xf32>
    %get3A_118 = arith.constant 0 : index
    %get3A_119 = arith.constant 3712 : index
    %get3A_120 = vector.load %arg1[%get3A_118, %get3A_119] : memref<32x65536xf32, #tpu.memory_space<vmem>>, vector<32x128xf32>
    %get3A_121 = arith.constant 0 : index
    %get3A_122 = arith.constant 3840 : index
    %get3A_123 = vector.load %arg1[%get3A_121, %get3A_122] : memref<32x65536xf32, #tpu.memory_space<vmem>>, vector<32x128xf32>
    %get3A_124 = arith.constant 0 : index
    %get3A_125 = arith.constant 3968 : index
    %get3A_126 = vector.load %arg1[%get3A_124, %get3A_125] : memref<32x65536xf32, #tpu.memory_space<vmem>>, vector<32x128xf32>
    %concatenate3A_127 = tpu.concatenate %get3A_117, %get3A_120, %get3A_123, %get3A_126 in 0 : vector<32x128xf32>, vector<32x128xf32>, vector<32x128xf32>, vector<32x128xf32> -> vector<128x128xf32>
    %transpose3A_128 = tpu.transpose %concatenate3A_127, [1, 0] : vector<128x128xf32> -> vector<128x128xf32>
    %swap3A_129 = arith.constant 896 : index
    %swap3A_130 = arith.constant 0 : index
    %swap3A_131 = vector.load %arg2[%swap3A_129, %swap3A_130] : memref<16384x128xf32, #tpu.memory_space<vmem>>, vector<128x128xf32>
    tpu.vector_store %arg2[%swap3A_129, %swap3A_130], %transpose3A_128 {strides = array<i32>} : memref<16384x128xf32, #tpu.memory_space<vmem>>, vector<128x128xf32>,
    %get3A_132 = arith.constant 0 : index
    %get3A_133 = arith.constant 4096 : index
    %get3A_134 = vector.load %arg1[%get3A_132, %get3A_133] : memref<32x65536xf32, #tpu.memory_space<vmem>>, vector<32x128xf32>
    %get3A_135 = arith.constant 0 : index
    %get3A_136 = arith.constant 4224 : index
    %get3A_137 = vector.load %arg1[%get3A_135, %get3A_136] : memref<32x65536xf32, #tpu.memory_space<vmem>>, vector<32x128xf32>
    %get3A_138 = arith.constant 0 : index
    %get3A_139 = arith.constant 4352 : index
    %get3A_140 = vector.load %arg1[%get3A_138, %get3A_139] : memref<32x65536xf32, #tpu.memory_space<vmem>>, vector<32x128xf32>
    %get3A_141 = arith.constant 0 : index
    %get3A_142 = arith.constant 4480 : index
    %get3A_143 = vector.load %arg1[%get3A_141, %get3A_142] : memref<32x65536xf32, #tpu.memory_space<vmem>>, vector<32x128xf32>
    %concatenate3A_144 = tpu.concatenate %get3A_134, %get3A_137, %get3A_140, %get3A_143 in 0 : vector<32x128xf32>, vector<32x128xf32>, vector<32x128xf32>, vector<32x128xf32> -> vector<128x128xf32>
    %transpose3A_145 = tpu.transpose %concatenate3A_144, [1, 0] : vector<128x128xf32> -> vector<128x128xf32>
    %swap3A_146 = arith.constant 1024 : index
    %swap3A_147 = arith.constant 0 : index
    %swap3A_148 = vector.load %arg2[%swap3A_146, %swap3A_147] : memref<16384x128xf32, #tpu.memory_space<vmem>>, vector<128x128xf32>
    tpu.vector_store %arg2[%swap3A_146, %swap3A_147], %transpose3A_145 {strides = array<i32>} : memref<16384x128xf32, #tpu.memory_space<vmem>>, vector<128x128xf32>,
    %get3A_149 = arith.constant 0 : index
    %get3A_150 = arith.constant 4608 : index
    %get3A_151 = vector.load %arg1[%get3A_149, %get3A_150] : memref<32x65536xf32, #tpu.memory_space<vmem>>, vector<32x128xf32>
    %get3A_152 = arith.constant 0 : index
    %get3A_153 = arith.constant 4736 : index
    %get3A_154 = vector.load %arg1[%get3A_152, %get3A_153] : memref<32x65536xf32, #tpu.memory_space<vmem>>, vector<32x128xf32>
    %get3A_155 = arith.constant 0 : index
    %get3A_156 = arith.constant 4864 : index
    %get3A_157 = vector.load %arg1[%get3A_155, %get3A_156] : memref<32x65536xf32, #tpu.memory_space<vmem>>, vector<32x128xf32>
    %get3A_158 = arith.constant 0 : index
    %get3A_159 = arith.constant 4992 : index
    %get3A_160 = vector.load %arg1[%get3A_158, %get3A_159] : memref<32x65536xf32, #tpu.memory_space<vmem>>, vector<32x128xf32>
    %concatenate3A_161 = tpu.concatenate %get3A_151, %get3A_154, %get3A_157, %get3A_160 in 0 : vector<32x128xf32>, vector<32x128xf32>, vector<32x128xf32>, vector<32x128xf32> -> vector<128x128xf32>
    %transpose3A_162 = tpu.transpose %concatenate3A_161, [1, 0] : vector<128x128xf32> -> vector<128x128xf32>
    %swap3A_163 = arith.constant 1152 : index
    %swap3A_164 = arith.constant 0 : index
    %swap3A_165 = vector.load %arg2[%swap3A_163, %swap3A_164] : memref<16384x128xf32, #tpu.memory_space<vmem>>, vector<128x128xf32>
    tpu.vector_store %arg2[%swap3A_163, %swap3A_164], %transpose3A_162 {strides = array<i32>} : memref<16384x128xf32, #tpu.memory_space<vmem>>, vector<128x128xf32>,
    %get3A_166 = arith.constant 0 : index
    %get3A_167 = arith.constant 5120 : index
    %get3A_168 = vector.load %arg1[%get3A_166, %get3A_167] : memref<32x65536xf32, #tpu.memory_space<vmem>>, vector<32x128xf32>
    %get3A_169 = arith.constant 0 : index
    %get3A_170 = arith.constant 5248 : index
    %get3A_171 = vector.load %arg1[%get3A_169, %get3A_170] : memref<32x65536xf32, #tpu.memory_space<vmem>>, vector<32x128xf32>
    %get3A_172 = arith.constant 0 : index
    %get3A_173 = arith.constant 5376 : index
    %get3A_174 = vector.load %arg1[%get3A_172, %get3A_173] : memref<32x65536xf32, #tpu.memory_space<vmem>>, vector<32x128xf32>
    %get3A_175 = arith.constant 0 : index
    %get3A_176 = arith.constant 5504 : index
    %get3A_177 = vector.load %arg1[%get3A_175, %get3A_176] : memref<32x65536xf32, #tpu.memory_space<vmem>>, vector<32x128xf32>
    %concatenate3A_178 = tpu.concatenate %get3A_168, %get3A_171, %get3A_174, %get3A_177 in 0 : vector<32x128xf32>, vector<32x128xf32>, vector<32x128xf32>, vector<32x128xf32> -> vector<128x128xf32>
    %transpose3A_179 = tpu.transpose %concatenate3A_178, [1, 0] : vector<128x128xf32> -> vector<128x128xf32>
    %swap3A_180 = arith.constant 1280 : index
    %swap3A_181 = arith.constant 0 : index
    %swap3A_182 = vector.load %arg2[%swap3A_180, %swap3A_181] : memref<16384x128xf32, #tpu.memory_space<vmem>>, vector<128x128xf32>
    tpu.vector_store %arg2[%swap3A_180, %swap3A_181], %transpose3A_179 {strides = array<i32>} : memref<16384x128xf32, #tpu.memory_space<vmem>>, vector<128x128xf32>,
    %get3A_183 = arith.constant 0 : index
    %get3A_184 = arith.constant 5632 : index
    %get3A_185 = vector.load %arg1[%get3A_183, %get3A_184] : memref<32x65536xf32, #tpu.memory_space<vmem>>, vector<32x128xf32>
    %get3A_186 = arith.constant 0 : index
    %get3A_187 = arith.constant 5760 : index
    %get3A_188 = vector.load %arg1[%get3A_186, %get3A_187] : memref<32x65536xf32, #tpu.memory_space<vmem>>, vector<32x128xf32>
    %get3A_189 = arith.constant 0 : index
    %get3A_190 = arith.constant 5888 : index
    %get3A_191 = vector.load %arg1[%get3A_189, %get3A_190] : memref<32x65536xf32, #tpu.memory_space<vmem>>, vector<32x128xf32>
    %get3A_192 = arith.constant 0 : index
    %get3A_193 = arith.constant 6016 : index
    %get3A_194 = vector.load %arg1[%get3A_192, %get3A_193] : memref<32x65536xf32, #tpu.memory_space<vmem>>, vector<32x128xf32>
    %concatenate3A_195 = tpu.concatenate %get3A_185, %get3A_188, %get3A_191, %get3A_194 in 0 : vector<32x128xf32>, vector<32x128xf32>, vector<32x128xf32>, vector<32x128xf32> -> vector<128x128xf32>
    %transpose3A_196 = tpu.transpose %concatenate3A_195, [1, 0] : vector<128x128xf32> -> vector<128x128xf32>
    %swap3A_197 = arith.constant 1408 : index
    %swap3A_198 = arith.constant 0 : index
    %swap3A_199 = vector.load %arg2[%swap3A_197, %swap3A_198] : memref<16384x128xf32, #tpu.memory_space<vmem>>, vector<128x128xf32>
    tpu.vector_store %arg2[%swap3A_197, %swap3A_198], %transpose3A_196 {strides = array<i32>} : memref<16384x128xf32, #tpu.memory_space<vmem>>, vector<128x128xf32>,
    %get3A_200 = arith.constant 0 : index
    %get3A_201 = arith.constant 6144 : index
    %get3A_202 = vector.load %arg1[%get3A_200, %get3A_201] : memref<32x65536xf32, #tpu.memory_space<vmem>>, vector<32x128xf32>
    %get3A_203 = arith.constant 0 : index
    %get3A_204 = arith.constant 6272 : index
    %get3A_205 = vector.load %arg1[%get3A_203, %get3A_204] : memref<32x65536xf32, #tpu.memory_space<vmem>>, vector<32x128xf32>
    %get3A_206 = arith.constant 0 : index
    %get3A_207 = arith.constant 6400 : index
    %get3A_208 = vector.load %arg1[%get3A_206, %get3A_207] : memref<32x65536xf32, #tpu.memory_space<vmem>>, vector<32x128xf32>
    %get3A_209 = arith.constant 0 : index
    %get3A_210 = arith.constant 6528 : index
    %get3A_211 = vector.load %arg1[%get3A_209, %get3A_210] : memref<32x65536xf32, #tpu.memory_space<vmem>>, vector<32x128xf32>
    %concatenate3A_212 = tpu.concatenate %get3A_202, %get3A_205, %get3A_208, %get3A_211 in 0 : vector<32x128xf32>, vector<32x128xf32>, vector<32x128xf32>, vector<32x128xf32> -> vector<128x128xf32>
    %transpose3A_213 = tpu.transpose %concatenate3A_212, [1, 0] : vector<128x128xf32> -> vector<128x128xf32>
    %swap3A_214 = arith.constant 1536 : index
    %swap3A_215 = arith.constant 0 : index
    %swap3A_216 = vector.load %arg2[%swap3A_214, %swap3A_215] : memref<16384x128xf32, #tpu.memory_space<vmem>>, vector<128x128xf32>
    tpu.vector_store %arg2[%swap3A_214, %swap3A_215], %transpose3A_213 {strides = array<i32>} : memref<16384x128xf32, #tpu.memory_space<vmem>>, vector<128x128xf32>,
    %get3A_217 = arith.constant 0 : index
    %get3A_218 = arith.constant 6656 : index
    %get3A_219 = vector.load %arg1[%get3A_217, %get3A_218] : memref<32x65536xf32, #tpu.memory_space<vmem>>, vector<32x128xf32>
    %get3A_220 = arith.constant 0 : index
    %get3A_221 = arith.constant 6784 : index
    %get3A_222 = vector.load %arg1[%get3A_220, %get3A_221] : memref<32x65536xf32, #tpu.memory_space<vmem>>, vector<32x128xf32>
    %get3A_223 = arith.constant 0 : index
    %get3A_224 = arith.constant 6912 : index
    %get3A_225 = vector.load %arg1[%get3A_223, %get3A_224] : memref<32x65536xf32, #tpu.memory_space<vmem>>, vector<32x128xf32>
    %get3A_226 = arith.constant 0 : index
    %get3A_227 = arith.constant 7040 : index
    %get3A_228 = vector.load %arg1[%get3A_226, %get3A_227] : memref<32x65536xf32, #tpu.memory_space<vmem>>, vector<32x128xf32>
    %concatenate3A_229 = tpu.concatenate %get3A_219, %get3A_222, %get3A_225, %get3A_228 in 0 : vector<32x128xf32>, vector<32x128xf32>, vector<32x128xf32>, vector<32x128xf32> -> vector<128x128xf32>
    %transpose3A_230 = tpu.transpose %concatenate3A_229, [1, 0] : vector<128x128xf32> -> vector<128x128xf32>
    %swap3A_231 = arith.constant 1664 : index
    %swap3A_232 = arith.constant 0 : index
    %swap3A_233 = vector.load %arg2[%swap3A_231, %swap3A_232] : memref<16384x128xf32, #tpu.memory_space<vmem>>, vector<128x128xf32>
    tpu.vector_store %arg2[%swap3A_231, %swap3A_232], %transpose3A_230 {strides = array<i32>} : memref<16384x128xf32, #tpu.memory_space<vmem>>, vector<128x128xf32>,
    %get3A_234 = arith.constant 0 : index
    %get3A_235 = arith.constant 7168 : index
    %get3A_236 = vector.load %arg1[%get3A_234, %get3A_235] : memref<32x65536xf32, #tpu.memory_space<vmem>>, vector<32x128xf32>
    %get3A_237 = arith.constant 0 : index
    %get3A_238 = arith.constant 7296 : index
    %get3A_239 = vector.load %arg1[%get3A_237, %get3A_238] : memref<32x65536xf32, #tpu.memory_space<vmem>>, vector<32x128xf32>
    %get3A_240 = arith.constant 0 : index
    %get3A_241 = arith.constant 7424 : index
    %get3A_242 = vector.load %arg1[%get3A_240, %get3A_241] : memref<32x65536xf32, #tpu.memory_space<vmem>>, vector<32x128xf32>
    %get3A_243 = arith.constant 0 : index
    %get3A_244 = arith.constant 7552 : index
    %get3A_245 = vector.load %arg1[%get3A_243, %get3A_244] : memref<32x65536xf32, #tpu.memory_space<vmem>>, vector<32x128xf32>
    %concatenate3A_246 = tpu.concatenate %get3A_236, %get3A_239, %get3A_242, %get3A_245 in 0 : vector<32x128xf32>, vector<32x128xf32>, vector<32x128xf32>, vector<32x128xf32> -> vector<128x128xf32>
    %transpose3A_247 = tpu.transpose %concatenate3A_246, [1, 0] : vector<128x128xf32> -> vector<128x128xf32>
    %swap3A_248 = arith.constant 1792 : index
    %swap3A_249 = arith.constant 0 : index
    %swap3A_250 = vector.load %arg2[%swap3A_248, %swap3A_249] : memref<16384x128xf32, #tpu.memory_space<vmem>>, vector<128x128xf32>
    tpu.vector_store %arg2[%swap3A_248, %swap3A_249], %transpose3A_247 {strides = array<i32>} : memref<16384x128xf32, #tpu.memory_space<vmem>>, vector<128x128xf32>,
    %get3A_251 = arith.constant 0 : index
    %get3A_252 = arith.constant 7680 : index
    %get3A_253 = vector.load %arg1[%get3A_251, %get3A_252] : memref<32x65536xf32, #tpu.memory_space<vmem>>, vector<32x128xf32>
    %get3A_254 = arith.constant 0 : index
    %get3A_255 = arith.constant 7808 : index
    %get3A_256 = vector.load %arg1[%get3A_254, %get3A_255] : memref<32x65536xf32, #tpu.memory_space<vmem>>, vector<32x128xf32>
    %get3A_257 = arith.constant 0 : index
    %get3A_258 = arith.constant 7936 : index
    %get3A_259 = vector.load %arg1[%get3A_257, %get3A_258] : memref<32x65536xf32, #tpu.memory_space<vmem>>, vector<32x128xf32>
    %get3A_260 = arith.constant 0 : index
    %get3A_261 = arith.constant 8064 : index
    %get3A_262 = vector.load %arg1[%get3A_260, %get3A_261] : memref<32x65536xf32, #tpu.memory_space<vmem>>, vector<32x128xf32>
    %concatenate3A_263 = tpu.concatenate %get3A_253, %get3A_256, %get3A_259, %get3A_262 in 0 : vector<32x128xf32>, vector<32x128xf32>, vector<32x128xf32>, vector<32x128xf32> -> vector<128x128xf32>
    %transpose3A_264 = tpu.transpose %concatenate3A_263, [1, 0] : vector<128x128xf32> -> vector<128x128xf32>
    %swap3A_265 = arith.constant 1920 : index
    %swap3A_266 = arith.constant 0 : index
    %swap3A_267 = vector.load %arg2[%swap3A_265, %swap3A_266] : memref<16384x128xf32, #tpu.memory_space<vmem>>, vector<128x128xf32>
    tpu.vector_store %arg2[%swap3A_265, %swap3A_266], %transpose3A_264 {strides = array<i32>} : memref<16384x128xf32, #tpu.memory_space<vmem>>, vector<128x128xf32>,
    %get3A_268 = arith.constant 0 : index
    %get3A_269 = arith.constant 8192 : index
    %get3A_270 = vector.load %arg1[%get3A_268, %get3A_269] : memref<32x65536xf32, #tpu.memory_space<vmem>>, vector<32x128xf32>
    %get3A_271 = arith.constant 0 : index
    %get3A_272 = arith.constant 8320 : index
    %get3A_273 = vector.load %arg1[%get3A_271, %get3A_272] : memref<32x65536xf32, #tpu.memory_space<vmem>>, vector<32x128xf32>
    %get3A_274 = arith.constant 0 : index
    %get3A_275 = arith.constant 8448 : index
    %get3A_276 = vector.load %arg1[%get3A_274, %get3A_275] : memref<32x65536xf32, #tpu.memory_space<vmem>>, vector<32x128xf32>
    %get3A_277 = arith.constant 0 : index
    %get3A_278 = arith.constant 8576 : index
    %get3A_279 = vector.load %arg1[%get3A_277, %get3A_278] : memref<32x65536xf32, #tpu.memory_space<vmem>>, vector<32x128xf32>
    %concatenate3A_280 = tpu.concatenate %get3A_270, %get3A_273, %get3A_276, %get3A_279 in 0 : vector<32x128xf32>, vector<32x128xf32>, vector<32x128xf32>, vector<32x128xf32> -> vector<128x128xf32>
    %transpose3A_281 = tpu.transpose %concatenate3A_280, [1, 0] : vector<128x128xf32> -> vector<128x128xf32>
    %swap3A_282 = arith.constant 2048 : index
    %swap3A_283 = arith.constant 0 : index
    %swap3A_284 = vector.load %arg2[%swap3A_282, %swap3A_283] : memref<16384x128xf32, #tpu.memory_space<vmem>>, vector<128x128xf32>
    tpu.vector_store %arg2[%swap3A_282, %swap3A_283], %transpose3A_281 {strides = array<i32>} : memref<16384x128xf32, #tpu.memory_space<vmem>>, vector<128x128xf32>,
    %get3A_285 = arith.constant 0 : index
    %get3A_286 = arith.constant 8704 : index
    %get3A_287 = vector.load %arg1[%get3A_285, %get3A_286] : memref<32x65536xf32, #tpu.memory_space<vmem>>, vector<32x128xf32>
    %get3A_288 = arith.constant 0 : index
    %get3A_289 = arith.constant 8832 : index
    %get3A_290 = vector.load %arg1[%get3A_288, %get3A_289] : memref<32x65536xf32, #tpu.memory_space<vmem>>, vector<32x128xf32>
    %get3A_291 = arith.constant 0 : index
    %get3A_292 = arith.constant 8960 : index
    %get3A_293 = vector.load %arg1[%get3A_291, %get3A_292] : memref<32x65536xf32, #tpu.memory_space<vmem>>, vector<32x128xf32>
    %get3A_294 = arith.constant 0 : index
    %get3A_295 = arith.constant 9088 : index
    %get3A_296 = vector.load %arg1[%get3A_294, %get3A_295] : memref<32x65536xf32, #tpu.memory_space<vmem>>, vector<32x128xf32>
    %concatenate3A_297 = tpu.concatenate %get3A_287, %get3A_290, %get3A_293, %get3A_296 in 0 : vector<32x128xf32>, vector<32x128xf32>, vector<32x128xf32>, vector<32x128xf32> -> vector<128x128xf32>
    %transpose3A_298 = tpu.transpose %concatenate3A_297, [1, 0] : vector<128x128xf32> -> vector<128x128xf32>
    %swap3A_299 = arith.constant 2176 : index
    %swap3A_300 = arith.constant 0 : index
    %swap3A_301 = vector.load %arg2[%swap3A_299, %swap3A_300] : memref<16384x128xf32, #tpu.memory_space<vmem>>, vector<128x128xf32>
    tpu.vector_store %arg2[%swap3A_299, %swap3A_300], %transpose3A_298 {strides = array<i32>} : memref<16384x128xf32, #tpu.memory_space<vmem>>, vector<128x128xf32>,
    %get3A_302 = arith.constant 0 : index
    %get3A_303 = arith.constant 9216 : index
    %get3A_304 = vector.load %arg1[%get3A_302, %get3A_303] : memref<32x65536xf32, #tpu.memory_space<vmem>>, vector<32x128xf32>
    %get3A_305 = arith.constant 0 : index
    %get3A_306 = arith.constant 9344 : index
    %get3A_307 = vector.load %arg1[%get3A_305, %get3A_306] : memref<32x65536xf32, #tpu.memory_space<vmem>>, vector<32x128xf32>
    %get3A_308 = arith.constant 0 : index
    %get3A_309 = arith.constant 9472 : index
    %get3A_310 = vector.load %arg1[%get3A_308, %get3A_309] : memref<32x65536xf32, #tpu.memory_space<vmem>>, vector<32x128xf32>
    %get3A_311 = arith.constant 0 : index
    %get3A_312 = arith.constant 9600 : index
    %get3A_313 = vector.load %arg1[%get3A_311, %get3A_312] : memref<32x65536xf32, #tpu.memory_space<vmem>>, vector<32x128xf32>
    %concatenate3A_314 = tpu.concatenate %get3A_304, %get3A_307, %get3A_310, %get3A_313 in 0 : vector<32x128xf32>, vector<32x128xf32>, vector<32x128xf32>, vector<32x128xf32> -> vector<128x128xf32>
    %transpose3A_315 = tpu.transpose %concatenate3A_314, [1, 0] : vector<128x128xf32> -> vector<128x128xf32>
    %swap3A_316 = arith.constant 2304 : index
    %swap3A_317 = arith.constant 0 : index
    %swap3A_318 = vector.load %arg2[%swap3A_316, %swap3A_317] : memref<16384x128xf32, #tpu.memory_space<vmem>>, vector<128x128xf32>
    tpu.vector_store %arg2[%swap3A_316, %swap3A_317], %transpose3A_315 {strides = array<i32>} : memref<16384x128xf32, #tpu.memory_space<vmem>>, vector<128x128xf32>,
    %get3A_319 = arith.constant 0 : index
    %get3A_320 = arith.constant 9728 : index
    %get3A_321 = vector.load %arg1[%get3A_319, %get3A_320] : memref<32x65536xf32, #tpu.memory_space<vmem>>, vector<32x128xf32>
    %get3A_322 = arith.constant 0 : index
    %get3A_323 = arith.constant 9856 : index
    %get3A_324 = vector.load %arg1[%get3A_322, %get3A_323] : memref<32x65536xf32, #tpu.memory_space<vmem>>, vector<32x128xf32>
    %get3A_325 = arith.constant 0 : index
    %get3A_326 = arith.constant 9984 : index
    %get3A_327 = vector.load %arg1[%get3A_325, %get3A_326] : memref<32x65536xf32, #tpu.memory_space<vmem>>, vector<32x128xf32>
    %get3A_328 = arith.constant 0 : index
    %get3A_329 = arith.constant 10112 : index
    %get3A_330 = vector.load %arg1[%get3A_328, %get3A_329] : memref<32x65536xf32, #tpu.memory_space<vmem>>, vector<32x128xf32>
    %concatenate3A_331 = tpu.concatenate %get3A_321, %get3A_324, %get3A_327, %get3A_330 in 0 : vector<32x128xf32>, vector<32x128xf32>, vector<32x128xf32>, vector<32x128xf32> -> vector<128x128xf32>
    %transpose3A_332 = tpu.transpose %concatenate3A_331, [1, 0] : vector<128x128xf32> -> vector<128x128xf32>
    %swap3A_333 = arith.constant 2432 : index
    %swap3A_334 = arith.constant 0 : index
    %swap3A_335 = vector.load %arg2[%swap3A_333, %swap3A_334] : memref<16384x128xf32, #tpu.memory_space<vmem>>, vector<128x128xf32>
    tpu.vector_store %arg2[%swap3A_333, %swap3A_334], %transpose3A_332 {strides = array<i32>} : memref<16384x128xf32, #tpu.memory_space<vmem>>, vector<128x128xf32>,
    %get3A_336 = arith.constant 0 : index
    %get3A_337 = arith.constant 10240 : index
    %get3A_338 = vector.load %arg1[%get3A_336, %get3A_337] : memref<32x65536xf32, #tpu.memory_space<vmem>>, vector<32x128xf32>
    %get3A_339 = arith.constant 0 : index
    %get3A_340 = arith.constant 10368 : index
    %get3A_341 = vector.load %arg1[%get3A_339, %get3A_340] : memref<32x65536xf32, #tpu.memory_space<vmem>>, vector<32x128xf32>
    %get3A_342 = arith.constant 0 : index
    %get3A_343 = arith.constant 10496 : index
    %get3A_344 = vector.load %arg1[%get3A_342, %get3A_343] : memref<32x65536xf32, #tpu.memory_space<vmem>>, vector<32x128xf32>
    %get3A_345 = arith.constant 0 : index
    %get3A_346 = arith.constant 10624 : index
    %get3A_347 = vector.load %arg1[%get3A_345, %get3A_346] : memref<32x65536xf32, #tpu.memory_space<vmem>>, vector<32x128xf32>
    %concatenate3A_348 = tpu.concatenate %get3A_338, %get3A_341, %get3A_344, %get3A_347 in 0 : vector<32x128xf32>, vector<32x128xf32>, vector<32x128xf32>, vector<32x128xf32> -> vector<128x128xf32>
    %transpose3A_349 = tpu.transpose %concatenate3A_348, [1, 0] : vector<128x128xf32> -> vector<128x128xf32>
    %swap3A_350 = arith.constant 2560 : index
    %swap3A_351 = arith.constant 0 : index
    %swap3A_352 = vector.load %arg2[%swap3A_350, %swap3A_351] : memref<16384x128xf32, #tpu.memory_space<vmem>>, vector<128x128xf32>
    tpu.vector_store %arg2[%swap3A_350, %swap3A_351], %transpose3A_349 {strides = array<i32>} : memref<16384x128xf32, #tpu.memory_space<vmem>>, vector<128x128xf32>,
    %get3A_353 = arith.constant 0 : index
    %get3A_354 = arith.constant 10752 : index
    %get3A_355 = vector.load %arg1[%get3A_353, %get3A_354] : memref<32x65536xf32, #tpu.memory_space<vmem>>, vector<32x128xf32>
    %get3A_356 = arith.constant 0 : index
    %get3A_357 = arith.constant 10880 : index
    %get3A_358 = vector.load %arg1[%get3A_356, %get3A_357] : memref<32x65536xf32, #tpu.memory_space<vmem>>, vector<32x128xf32>
    %get3A_359 = arith.constant 0 : index
    %get3A_360 = arith.constant 11008 : index
    %get3A_361 = vector.load %arg1[%get3A_359, %get3A_360] : memref<32x65536xf32, #tpu.memory_space<vmem>>, vector<32x128xf32>
    %get3A_362 = arith.constant 0 : index
    %get3A_363 = arith.constant 11136 : index
    %get3A_364 = vector.load %arg1[%get3A_362, %get3A_363] : memref<32x65536xf32, #tpu.memory_space<vmem>>, vector<32x128xf32>
    %concatenate3A_365 = tpu.concatenate %get3A_355, %get3A_358, %get3A_361, %get3A_364 in 0 : vector<32x128xf32>, vector<32x128xf32>, vector<32x128xf32>, vector<32x128xf32> -> vector<128x128xf32>
    %transpose3A_366 = tpu.transpose %concatenate3A_365, [1, 0] : vector<128x128xf32> -> vector<128x128xf32>
    %swap3A_367 = arith.constant 2688 : index
    %swap3A_368 = arith.constant 0 : index
    %swap3A_369 = vector.load %arg2[%swap3A_367, %swap3A_368] : memref<16384x128xf32, #tpu.memory_space<vmem>>, vector<128x128xf32>
    tpu.vector_store %arg2[%swap3A_367, %swap3A_368], %transpose3A_366 {strides = array<i32>} : memref<16384x128xf32, #tpu.memory_space<vmem>>, vector<128x128xf32>,
    %get3A_370 = arith.constant 0 : index
    %get3A_371 = arith.constant 11264 : index
    %get3A_372 = vector.load %arg1[%get3A_370, %get3A_371] : memref<32x65536xf32, #tpu.memory_space<vmem>>, vector<32x128xf32>
    %get3A_373 = arith.constant 0 : index
    %get3A_374 = arith.constant 11392 : index
    %get3A_375 = vector.load %arg1[%get3A_373, %get3A_374] : memref<32x65536xf32, #tpu.memory_space<vmem>>, vector<32x128xf32>
    %get3A_376 = arith.constant 0 : index
    %get3A_377 = arith.constant 11520 : index
    %get3A_378 = vector.load %arg1[%get3A_376, %get3A_377] : memref<32x65536xf32, #tpu.memory_space<vmem>>, vector<32x128xf32>
    %get3A_379 = arith.constant 0 : index
    %get3A_380 = arith.constant 11648 : index
    %get3A_381 = vector.load %arg1[%get3A_379, %get3A_380] : memref<32x65536xf32, #tpu.memory_space<vmem>>, vector<32x128xf32>
    %concatenate3A_382 = tpu.concatenate %get3A_372, %get3A_375, %get3A_378, %get3A_381 in 0 : vector<32x128xf32>, vector<32x128xf32>, vector<32x128xf32>, vector<32x128xf32> -> vector<128x128xf32>
    %transpose3A_383 = tpu.transpose %concatenate3A_382, [1, 0] : vector<128x128xf32> -> vector<128x128xf32>
    %swap3A_384 = arith.constant 2816 : index
    %swap3A_385 = arith.constant 0 : index
    %swap3A_386 = vector.load %arg2[%swap3A_384, %swap3A_385] : memref<16384x128xf32, #tpu.memory_space<vmem>>, vector<128x128xf32>
    tpu.vector_store %arg2[%swap3A_384, %swap3A_385], %transpose3A_383 {strides = array<i32>} : memref<16384x128xf32, #tpu.memory_space<vmem>>, vector<128x128xf32>,
    %get3A_387 = arith.constant 0 : index
    %get3A_388 = arith.constant 11776 : index
    %get3A_389 = vector.load %arg1[%get3A_387, %get3A_388] : memref<32x65536xf32, #tpu.memory_space<vmem>>, vector<32x128xf32>
    %get3A_390 = arith.constant 0 : index
    %get3A_391 = arith.constant 11904 : index
    %get3A_392 = vector.load %arg1[%get3A_390, %get3A_391] : memref<32x65536xf32, #tpu.memory_space<vmem>>, vector<32x128xf32>
    %get3A_393 = arith.constant 0 : index
    %get3A_394 = arith.constant 12032 : index
    %get3A_395 = vector.load %arg1[%get3A_393, %get3A_394] : memref<32x65536xf32, #tpu.memory_space<vmem>>, vector<32x128xf32>
    %get3A_396 = arith.constant 0 : index
    %get3A_397 = arith.constant 12160 : index
    %get3A_398 = vector.load %arg1[%get3A_396, %get3A_397] : memref<32x65536xf32, #tpu.memory_space<vmem>>, vector<32x128xf32>
    %concatenate3A_399 = tpu.concatenate %get3A_389, %get3A_392, %get3A_395, %get3A_398 in 0 : vector<32x128xf32>, vector<32x128xf32>, vector<32x128xf32>, vector<32x128xf32> -> vector<128x128xf32>
    %transpose3A_400 = tpu.transpose %concatenate3A_399, [1, 0] : vector<128x128xf32> -> vector<128x128xf32>
    %swap3A_401 = arith.constant 2944 : index
    %swap3A_402 = arith.constant 0 : index
    %swap3A_403 = vector.load %arg2[%swap3A_401, %swap3A_402] : memref<16384x128xf32, #tpu.memory_space<vmem>>, vector<128x128xf32>
    tpu.vector_store %arg2[%swap3A_401, %swap3A_402], %transpose3A_400 {strides = array<i32>} : memref<16384x128xf32, #tpu.memory_space<vmem>>, vector<128x128xf32>,
    %get3A_404 = arith.constant 0 : index
    %get3A_405 = arith.constant 12288 : index
    %get3A_406 = vector.load %arg1[%get3A_404, %get3A_405] : memref<32x65536xf32, #tpu.memory_space<vmem>>, vector<32x128xf32>
    %get3A_407 = arith.constant 0 : index
    %get3A_408 = arith.constant 12416 : index
    %get3A_409 = vector.load %arg1[%get3A_407, %get3A_408] : memref<32x65536xf32, #tpu.memory_space<vmem>>, vector<32x128xf32>
    %get3A_410 = arith.constant 0 : index
    %get3A_411 = arith.constant 12544 : index
    %get3A_412 = vector.load %arg1[%get3A_410, %get3A_411] : memref<32x65536xf32, #tpu.memory_space<vmem>>, vector<32x128xf32>
    %get3A_413 = arith.constant 0 : index
    %get3A_414 = arith.constant 12672 : index
    %get3A_415 = vector.load %arg1[%get3A_413, %get3A_414] : memref<32x65536xf32, #tpu.memory_space<vmem>>, vector<32x128xf32>
    %concatenate3A_416 = tpu.concatenate %get3A_406, %get3A_409, %get3A_412, %get3A_415 in 0 : vector<32x128xf32>, vector<32x128xf32>, vector<32x128xf32>, vector<32x128xf32> -> vector<128x128xf32>
    %transpose3A_417 = tpu.transpose %concatenate3A_416, [1, 0] : vector<128x128xf32> -> vector<128x128xf32>
    %swap3A_418 = arith.constant 3072 : index
    %swap3A_419 = arith.constant 0 : index
    %swap3A_420 = vector.load %arg2[%swap3A_418, %swap3A_419] : memref<16384x128xf32, #tpu.memory_space<vmem>>, vector<128x128xf32>
    tpu.vector_store %arg2[%swap3A_418, %swap3A_419], %transpose3A_417 {strides = array<i32>} : memref<16384x128xf32, #tpu.memory_space<vmem>>, vector<128x128xf32>,
    %get3A_421 = arith.constant 0 : index
    %get3A_422 = arith.constant 12800 : index
    %get3A_423 = vector.load %arg1[%get3A_421, %get3A_422] : memref<32x65536xf32, #tpu.memory_space<vmem>>, vector<32x128xf32>
    %get3A_424 = arith.constant 0 : index
    %get3A_425 = arith.constant 12928 : index
    %get3A_426 = vector.load %arg1[%get3A_424, %get3A_425] : memref<32x65536xf32, #tpu.memory_space<vmem>>, vector<32x128xf32>
    %get3A_427 = arith.constant 0 : index
    %get3A_428 = arith.constant 13056 : index
    %get3A_429 = vector.load %arg1[%get3A_427, %get3A_428] : memref<32x65536xf32, #tpu.memory_space<vmem>>, vector<32x128xf32>
    %get3A_430 = arith.constant 0 : index
    %get3A_431 = arith.constant 13184 : index
    %get3A_432 = vector.load %arg1[%get3A_430, %get3A_431] : memref<32x65536xf32, #tpu.memory_space<vmem>>, vector<32x128xf32>
    %concatenate3A_433 = tpu.concatenate %get3A_423, %get3A_426, %get3A_429, %get3A_432 in 0 : vector<32x128xf32>, vector<32x128xf32>, vector<32x128xf32>, vector<32x128xf32> -> vector<128x128xf32>
    %transpose3A_434 = tpu.transpose %concatenate3A_433, [1, 0] : vector<128x128xf32> -> vector<128x128xf32>
    %swap3A_435 = arith.constant 3200 : index
    %swap3A_436 = arith.constant 0 : index
    %swap3A_437 = vector.load %arg2[%swap3A_435, %swap3A_436] : memref<16384x128xf32, #tpu.memory_space<vmem>>, vector<128x128xf32>
    tpu.vector_store %arg2[%swap3A_435, %swap3A_436], %transpose3A_434 {strides = array<i32>} : memref<16384x128xf32, #tpu.memory_space<vmem>>, vector<128x128xf32>,
    %get3A_438 = arith.constant 0 : index
    %get3A_439 = arith.constant 13312 : index
    %get3A_440 = vector.load %arg1[%get3A_438, %get3A_439] : memref<32x65536xf32, #tpu.memory_space<vmem>>, vector<32x128xf32>
    %get3A_441 = arith.constant 0 : index
    %get3A_442 = arith.constant 13440 : index
    %get3A_443 = vector.load %arg1[%get3A_441, %get3A_442] : memref<32x65536xf32, #tpu.memory_space<vmem>>, vector<32x128xf32>
    %get3A_444 = arith.constant 0 : index
    %get3A_445 = arith.constant 13568 : index
    %get3A_446 = vector.load %arg1[%get3A_444, %get3A_445] : memref<32x65536xf32, #tpu.memory_space<vmem>>, vector<32x128xf32>
    %get3A_447 = arith.constant 0 : index
    %get3A_448 = arith.constant 13696 : index
    %get3A_449 = vector.load %arg1[%get3A_447, %get3A_448] : memref<32x65536xf32, #tpu.memory_space<vmem>>, vector<32x128xf32>
    %concatenate3A_450 = tpu.concatenate %get3A_440, %get3A_443, %get3A_446, %get3A_449 in 0 : vector<32x128xf32>, vector<32x128xf32>, vector<32x128xf32>, vector<32x128xf32> -> vector<128x128xf32>
    %transpose3A_451 = tpu.transpose %concatenate3A_450, [1, 0] : vector<128x128xf32> -> vector<128x128xf32>
    %swap3A_452 = arith.constant 3328 : index
    %swap3A_453 = arith.constant 0 : index
    %swap3A_454 = vector.load %arg2[%swap3A_452, %swap3A_453] : memref<16384x128xf32, #tpu.memory_space<vmem>>, vector<128x128xf32>
    tpu.vector_store %arg2[%swap3A_452, %swap3A_453], %transpose3A_451 {strides = array<i32>} : memref<16384x128xf32, #tpu.memory_space<vmem>>, vector<128x128xf32>,
    %get3A_455 = arith.constant 0 : index
    %get3A_456 = arith.constant 13824 : index
    %get3A_457 = vector.load %arg1[%get3A_455, %get3A_456] : memref<32x65536xf32, #tpu.memory_space<vmem>>, vector<32x128xf32>
    %get3A_458 = arith.constant 0 : index
    %get3A_459 = arith.constant 13952 : index
    %get3A_460 = vector.load %arg1[%get3A_458, %get3A_459] : memref<32x65536xf32, #tpu.memory_space<vmem>>, vector<32x128xf32>
    %get3A_461 = arith.constant 0 : index
    %get3A_462 = arith.constant 14080 : index
    %get3A_463 = vector.load %arg1[%get3A_461, %get3A_462] : memref<32x65536xf32, #tpu.memory_space<vmem>>, vector<32x128xf32>
    %get3A_464 = arith.constant 0 : index
    %get3A_465 = arith.constant 14208 : index
    %get3A_466 = vector.load %arg1[%get3A_464, %get3A_465] : memref<32x65536xf32, #tpu.memory_space<vmem>>, vector<32x128xf32>
    %concatenate3A_467 = tpu.concatenate %get3A_457, %get3A_460, %get3A_463, %get3A_466 in 0 : vector<32x128xf32>, vector<32x128xf32>, vector<32x128xf32>, vector<32x128xf32> -> vector<128x128xf32>
    %transpose3A_468 = tpu.transpose %concatenate3A_467, [1, 0] : vector<128x128xf32> -> vector<128x128xf32>
    %swap3A_469 = arith.constant 3456 : index
    %swap3A_470 = arith.constant 0 : index
    %swap3A_471 = vector.load %arg2[%swap3A_469, %swap3A_470] : memref<16384x128xf32, #tpu.memory_space<vmem>>, vector<128x128xf32>
    tpu.vector_store %arg2[%swap3A_469, %swap3A_470], %transpose3A_468 {strides = array<i32>} : memref<16384x128xf32, #tpu.memory_space<vmem>>, vector<128x128xf32>,
    %get3A_472 = arith.constant 0 : index
    %get3A_473 = arith.constant 14336 : index
    %get3A_474 = vector.load %arg1[%get3A_472, %get3A_473] : memref<32x65536xf32, #tpu.memory_space<vmem>>, vector<32x128xf32>
    %get3A_475 = arith.constant 0 : index
    %get3A_476 = arith.constant 14464 : index
    %get3A_477 = vector.load %arg1[%get3A_475, %get3A_476] : memref<32x65536xf32, #tpu.memory_space<vmem>>, vector<32x128xf32>
    %get3A_478 = arith.constant 0 : index
    %get3A_479 = arith.constant 14592 : index
    %get3A_480 = vector.load %arg1[%get3A_478, %get3A_479] : memref<32x65536xf32, #tpu.memory_space<vmem>>, vector<32x128xf32>
    %get3A_481 = arith.constant 0 : index
    %get3A_482 = arith.constant 14720 : index
    %get3A_483 = vector.load %arg1[%get3A_481, %get3A_482] : memref<32x65536xf32, #tpu.memory_space<vmem>>, vector<32x128xf32>
    %concatenate3A_484 = tpu.concatenate %get3A_474, %get3A_477, %get3A_480, %get3A_483 in 0 : vector<32x128xf32>, vector<32x128xf32>, vector<32x128xf32>, vector<32x128xf32> -> vector<128x128xf32>
    %transpose3A_485 = tpu.transpose %concatenate3A_484, [1, 0] : vector<128x128xf32> -> vector<128x128xf32>
    %swap3A_486 = arith.constant 3584 : index
    %swap3A_487 = arith.constant 0 : index
    %swap3A_488 = vector.load %arg2[%swap3A_486, %swap3A_487] : memref<16384x128xf32, #tpu.memory_space<vmem>>, vector<128x128xf32>
    tpu.vector_store %arg2[%swap3A_486, %swap3A_487], %transpose3A_485 {strides = array<i32>} : memref<16384x128xf32, #tpu.memory_space<vmem>>, vector<128x128xf32>,
    %get3A_489 = arith.constant 0 : index
    %get3A_490 = arith.constant 14848 : index
    %get3A_491 = vector.load %arg1[%get3A_489, %get3A_490] : memref<32x65536xf32, #tpu.memory_space<vmem>>, vector<32x128xf32>
    %get3A_492 = arith.constant 0 : index
    %get3A_493 = arith.constant 14976 : index
    %get3A_494 = vector.load %arg1[%get3A_492, %get3A_493] : memref<32x65536xf32, #tpu.memory_space<vmem>>, vector<32x128xf32>
    %get3A_495 = arith.constant 0 : index
    %get3A_496 = arith.constant 15104 : index
    %get3A_497 = vector.load %arg1[%get3A_495, %get3A_496] : memref<32x65536xf32, #tpu.memory_space<vmem>>, vector<32x128xf32>
    %get3A_498 = arith.constant 0 : index
    %get3A_499 = arith.constant 15232 : index
    %get3A_500 = vector.load %arg1[%get3A_498, %get3A_499] : memref<32x65536xf32, #tpu.memory_space<vmem>>, vector<32x128xf32>
    %concatenate3A_501 = tpu.concatenate %get3A_491, %get3A_494, %get3A_497, %get3A_500 in 0 : vector<32x128xf32>, vector<32x128xf32>, vector<32x128xf32>, vector<32x128xf32> -> vector<128x128xf32>
    %transpose3A_502 = tpu.transpose %concatenate3A_501, [1, 0] : vector<128x128xf32> -> vector<128x128xf32>
    %swap3A_503 = arith.constant 3712 : index
    %swap3A_504 = arith.constant 0 : index
    %swap3A_505 = vector.load %arg2[%swap3A_503, %swap3A_504] : memref<16384x128xf32, #tpu.memory_space<vmem>>, vector<128x128xf32>
    tpu.vector_store %arg2[%swap3A_503, %swap3A_504], %transpose3A_502 {strides = array<i32>} : memref<16384x128xf32, #tpu.memory_space<vmem>>, vector<128x128xf32>,
    %get3A_506 = arith.constant 0 : index
    %get3A_507 = arith.constant 15360 : index
    %get3A_508 = vector.load %arg1[%get3A_506, %get3A_507] : memref<32x65536xf32, #tpu.memory_space<vmem>>, vector<32x128xf32>
    %get3A_509 = arith.constant 0 : index
    %get3A_510 = arith.constant 15488 : index
    %get3A_511 = vector.load %arg1[%get3A_509, %get3A_510] : memref<32x65536xf32, #tpu.memory_space<vmem>>, vector<32x128xf32>
    %get3A_512 = arith.constant 0 : index
    %get3A_513 = arith.constant 15616 : index
    %get3A_514 = vector.load %arg1[%get3A_512, %get3A_513] : memref<32x65536xf32, #tpu.memory_space<vmem>>, vector<32x128xf32>
    %get3A_515 = arith.constant 0 : index
    %get3A_516 = arith.constant 15744 : index
    %get3A_517 = vector.load %arg1[%get3A_515, %get3A_516] : memref<32x65536xf32, #tpu.memory_space<vmem>>, vector<32x128xf32>
    %concatenate3A_518 = tpu.concatenate %get3A_508, %get3A_511, %get3A_514, %get3A_517 in 0 : vector<32x128xf32>, vector<32x128xf32>, vector<32x128xf32>, vector<32x128xf32> -> vector<128x128xf32>
    %transpose3A_519 = tpu.transpose %concatenate3A_518, [1, 0] : vector<128x128xf32> -> vector<128x128xf32>
    %swap3A_520 = arith.constant 3840 : index
    %swap3A_521 = arith.constant 0 : index
    %swap3A_522 = vector.load %arg2[%swap3A_520, %swap3A_521] : memref<16384x128xf32, #tpu.memory_space<vmem>>, vector<128x128xf32>
    tpu.vector_store %arg2[%swap3A_520, %swap3A_521], %transpose3A_519 {strides = array<i32>} : memref<16384x128xf32, #tpu.memory_space<vmem>>, vector<128x128xf32>,
    %get3A_523 = arith.constant 0 : index
    %get3A_524 = arith.constant 15872 : index
    %get3A_525 = vector.load %arg1[%get3A_523, %get3A_524] : memref<32x65536xf32, #tpu.memory_space<vmem>>, vector<32x128xf32>
    %get3A_526 = arith.constant 0 : index
    %get3A_527 = arith.constant 16000 : index
    %get3A_528 = vector.load %arg1[%get3A_526, %get3A_527] : memref<32x65536xf32, #tpu.memory_space<vmem>>, vector<32x128xf32>
    %get3A_529 = arith.constant 0 : index
    %get3A_530 = arith.constant 16128 : index
    %get3A_531 = vector.load %arg1[%get3A_529, %get3A_530] : memref<32x65536xf32, #tpu.memory_space<vmem>>, vector<32x128xf32>
    %get3A_532 = arith.constant 0 : index
    %get3A_533 = arith.constant 16256 : index
    %get3A_534 = vector.load %arg1[%get3A_532, %get3A_533] : memref<32x65536xf32, #tpu.memory_space<vmem>>, vector<32x128xf32>
    %concatenate3A_535 = tpu.concatenate %get3A_525, %get3A_528, %get3A_531, %get3A_534 in 0 : vector<32x128xf32>, vector<32x128xf32>, vector<32x128xf32>, vector<32x128xf32> -> vector<128x128xf32>
    %transpose3A_536 = tpu.transpose %concatenate3A_535, [1, 0] : vector<128x128xf32> -> vector<128x128xf32>
    %swap3A_537 = arith.constant 3968 : index
    %swap3A_538 = arith.constant 0 : index
    %swap3A_539 = vector.load %arg2[%swap3A_537, %swap3A_538] : memref<16384x128xf32, #tpu.memory_space<vmem>>, vector<128x128xf32>
    tpu.vector_store %arg2[%swap3A_537, %swap3A_538], %transpose3A_536 {strides = array<i32>} : memref<16384x128xf32, #tpu.memory_space<vmem>>, vector<128x128xf32>,
    %get3A_540 = arith.constant 0 : index
    %get3A_541 = arith.constant 16384 : index
    %get3A_542 = vector.load %arg1[%get3A_540, %get3A_541] : memref<32x65536xf32, #tpu.memory_space<vmem>>, vector<32x128xf32>
    %get3A_543 = arith.constant 0 : index
    %get3A_544 = arith.constant 16512 : index
    %get3A_545 = vector.load %arg1[%get3A_543, %get3A_544] : memref<32x65536xf32, #tpu.memory_space<vmem>>, vector<32x128xf32>
    %get3A_546 = arith.constant 0 : index
    %get3A_547 = arith.constant 16640 : index
    %get3A_548 = vector.load %arg1[%get3A_546, %get3A_547] : memref<32x65536xf32, #tpu.memory_space<vmem>>, vector<32x128xf32>
    %get3A_549 = arith.constant 0 : index
    %get3A_550 = arith.constant 16768 : index
    %get3A_551 = vector.load %arg1[%get3A_549, %get3A_550] : memref<32x65536xf32, #tpu.memory_space<vmem>>, vector<32x128xf32>
    %concatenate3A_552 = tpu.concatenate %get3A_542, %get3A_545, %get3A_548, %get3A_551 in 0 : vector<32x128xf32>, vector<32x128xf32>, vector<32x128xf32>, vector<32x128xf32> -> vector<128x128xf32>
    %transpose3A_553 = tpu.transpose %concatenate3A_552, [1, 0] : vector<128x128xf32> -> vector<128x128xf32>
    %swap3A_554 = arith.constant 4096 : index
    %swap3A_555 = arith.constant 0 : index
    %swap3A_556 = vector.load %arg2[%swap3A_554, %swap3A_555] : memref<16384x128xf32, #tpu.memory_space<vmem>>, vector<128x128xf32>
    tpu.vector_store %arg2[%swap3A_554, %swap3A_555], %transpose3A_553 {strides = array<i32>} : memref<16384x128xf32, #tpu.memory_space<vmem>>, vector<128x128xf32>,
    %get3A_557 = arith.constant 0 : index
    %get3A_558 = arith.constant 16896 : index
    %get3A_559 = vector.load %arg1[%get3A_557, %get3A_558] : memref<32x65536xf32, #tpu.memory_space<vmem>>, vector<32x128xf32>
    %get3A_560 = arith.constant 0 : index
    %get3A_561 = arith.constant 17024 : index
    %get3A_562 = vector.load %arg1[%get3A_560, %get3A_561] : memref<32x65536xf32, #tpu.memory_space<vmem>>, vector<32x128xf32>
    %get3A_563 = arith.constant 0 : index
    %get3A_564 = arith.constant 17152 : index
    %get3A_565 = vector.load %arg1[%get3A_563, %get3A_564] : memref<32x65536xf32, #tpu.memory_space<vmem>>, vector<32x128xf32>
    %get3A_566 = arith.constant 0 : index
    %get3A_567 = arith.constant 17280 : index
    %get3A_568 = vector.load %arg1[%get3A_566, %get3A_567] : memref<32x65536xf32, #tpu.memory_space<vmem>>, vector<32x128xf32>
    %concatenate3A_569 = tpu.concatenate %get3A_559, %get3A_562, %get3A_565, %get3A_568 in 0 : vector<32x128xf32>, vector<32x128xf32>, vector<32x128xf32>, vector<32x128xf32> -> vector<128x128xf32>
    %transpose3A_570 = tpu.transpose %concatenate3A_569, [1, 0] : vector<128x128xf32> -> vector<128x128xf32>
    %swap3A_571 = arith.constant 4224 : index
    %swap3A_572 = arith.constant 0 : index
    %swap3A_573 = vector.load %arg2[%swap3A_571, %swap3A_572] : memref<16384x128xf32, #tpu.memory_space<vmem>>, vector<128x128xf32>
    tpu.vector_store %arg2[%swap3A_571, %swap3A_572], %transpose3A_570 {strides = array<i32>} : memref<16384x128xf32, #tpu.memory_space<vmem>>, vector<128x128xf32>,
    %get3A_574 = arith.constant 0 : index
    %get3A_575 = arith.constant 17408 : index
    %get3A_576 = vector.load %arg1[%get3A_574, %get3A_575] : memref<32x65536xf32, #tpu.memory_space<vmem>>, vector<32x128xf32>
    %get3A_577 = arith.constant 0 : index
    %get3A_578 = arith.constant 17536 : index
    %get3A_579 = vector.load %arg1[%get3A_577, %get3A_578] : memref<32x65536xf32, #tpu.memory_space<vmem>>, vector<32x128xf32>
    %get3A_580 = arith.constant 0 : index
    %get3A_581 = arith.constant 17664 : index
    %get3A_582 = vector.load %arg1[%get3A_580, %get3A_581] : memref<32x65536xf32, #tpu.memory_space<vmem>>, vector<32x128xf32>
    %get3A_583 = arith.constant 0 : index
    %get3A_584 = arith.constant 17792 : index
    %get3A_585 = vector.load %arg1[%get3A_583, %get3A_584] : memref<32x65536xf32, #tpu.memory_space<vmem>>, vector<32x128xf32>
    %concatenate3A_586 = tpu.concatenate %get3A_576, %get3A_579, %get3A_582, %get3A_585 in 0 : vector<32x128xf32>, vector<32x128xf32>, vector<32x128xf32>, vector<32x128xf32> -> vector<128x128xf32>
    %transpose3A_587 = tpu.transpose %concatenate3A_586, [1, 0] : vector<128x128xf32> -> vector<128x128xf32>
    %swap3A_588 = arith.constant 4352 : index
    %swap3A_589 = arith.constant 0 : index
    %swap3A_590 = vector.load %arg2[%swap3A_588, %swap3A_589] : memref<16384x128xf32, #tpu.memory_space<vmem>>, vector<128x128xf32>
    tpu.vector_store %arg2[%swap3A_588, %swap3A_589], %transpose3A_587 {strides = array<i32>} : memref<16384x128xf32, #tpu.memory_space<vmem>>, vector<128x128xf32>,
    %get3A_591 = arith.constant 0 : index
    %get3A_592 = arith.constant 17920 : index
    %get3A_593 = vector.load %arg1[%get3A_591, %get3A_592] : memref<32x65536xf32, #tpu.memory_space<vmem>>, vector<32x128xf32>
    %get3A_594 = arith.constant 0 : index
    %get3A_595 = arith.constant 18048 : index
    %get3A_596 = vector.load %arg1[%get3A_594, %get3A_595] : memref<32x65536xf32, #tpu.memory_space<vmem>>, vector<32x128xf32>
    %get3A_597 = arith.constant 0 : index
    %get3A_598 = arith.constant 18176 : index
    %get3A_599 = vector.load %arg1[%get3A_597, %get3A_598] : memref<32x65536xf32, #tpu.memory_space<vmem>>, vector<32x128xf32>
    %get3A_600 = arith.constant 0 : index
    %get3A_601 = arith.constant 18304 : index
    %get3A_602 = vector.load %arg1[%get3A_600, %get3A_601] : memref<32x65536xf32, #tpu.memory_space<vmem>>, vector<32x128xf32>
    %concatenate3A_603 = tpu.concatenate %get3A_593, %get3A_596, %get3A_599, %get3A_602 in 0 : vector<32x128xf32>, vector<32x128xf32>, vector<32x128xf32>, vector<32x128xf32> -> vector<128x128xf32>
    %transpose3A_604 = tpu.transpose %concatenate3A_603, [1, 0] : vector<128x128xf32> -> vector<128x128xf32>
    %swap3A_605 = arith.constant 4480 : index
    %swap3A_606 = arith.constant 0 : index
    %swap3A_607 = vector.load %arg2[%swap3A_605, %swap3A_606] : memref<16384x128xf32, #tpu.memory_space<vmem>>, vector<128x128xf32>
    tpu.vector_store %arg2[%swap3A_605, %swap3A_606], %transpose3A_604 {strides = array<i32>} : memref<16384x128xf32, #tpu.memory_space<vmem>>, vector<128x128xf32>,
    %get3A_608 = arith.constant 0 : index
    %get3A_609 = arith.constant 18432 : index
    %get3A_610 = vector.load %arg1[%get3A_608, %get3A_609] : memref<32x65536xf32, #tpu.memory_space<vmem>>, vector<32x128xf32>
    %get3A_611 = arith.constant 0 : index
    %get3A_612 = arith.constant 18560 : index
    %get3A_613 = vector.load %arg1[%get3A_611, %get3A_612] : memref<32x65536xf32, #tpu.memory_space<vmem>>, vector<32x128xf32>
    %get3A_614 = arith.constant 0 : index
    %get3A_615 = arith.constant 18688 : index
    %get3A_616 = vector.load %arg1[%get3A_614, %get3A_615] : memref<32x65536xf32, #tpu.memory_space<vmem>>, vector<32x128xf32>
    %get3A_617 = arith.constant 0 : index
    %get3A_618 = arith.constant 18816 : index
    %get3A_619 = vector.load %arg1[%get3A_617, %get3A_618] : memref<32x65536xf32, #tpu.memory_space<vmem>>, vector<32x128xf32>
    %concatenate3A_620 = tpu.concatenate %get3A_610, %get3A_613, %get3A_616, %get3A_619 in 0 : vector<32x128xf32>, vector<32x128xf32>, vector<32x128xf32>, vector<32x128xf32> -> vector<128x128xf32>
    %transpose3A_621 = tpu.transpose %concatenate3A_620, [1, 0] : vector<128x128xf32> -> vector<128x128xf32>
    %swap3A_622 = arith.constant 4608 : index
    %swap3A_623 = arith.constant 0 : index
    %swap3A_624 = vector.load %arg2[%swap3A_622, %swap3A_623] : memref<16384x128xf32, #tpu.memory_space<vmem>>, vector<128x128xf32>
    tpu.vector_store %arg2[%swap3A_622, %swap3A_623], %transpose3A_621 {strides = array<i32>} : memref<16384x128xf32, #tpu.memory_space<vmem>>, vector<128x128xf32>,
    %get3A_625 = arith.constant 0 : index
    %get3A_626 = arith.constant 18944 : index
    %get3A_627 = vector.load %arg1[%get3A_625, %get3A_626] : memref<32x65536xf32, #tpu.memory_space<vmem>>, vector<32x128xf32>
    %get3A_628 = arith.constant 0 : index
    %get3A_629 = arith.constant 19072 : index
    %get3A_630 = vector.load %arg1[%get3A_628, %get3A_629] : memref<32x65536xf32, #tpu.memory_space<vmem>>, vector<32x128xf32>
    %get3A_631 = arith.constant 0 : index
    %get3A_632 = arith.constant 19200 : index
    %get3A_633 = vector.load %arg1[%get3A_631, %get3A_632] : memref<32x65536xf32, #tpu.memory_space<vmem>>, vector<32x128xf32>
    %get3A_634 = arith.constant 0 : index
    %get3A_635 = arith.constant 19328 : index
    %get3A_636 = vector.load %arg1[%get3A_634, %get3A_635] : memref<32x65536xf32, #tpu.memory_space<vmem>>, vector<32x128xf32>
    %concatenate3A_637 = tpu.concatenate %get3A_627, %get3A_630, %get3A_633, %get3A_636 in 0 : vector<32x128xf32>, vector<32x128xf32>, vector<32x128xf32>, vector<32x128xf32> -> vector<128x128xf32>
    %transpose3A_638 = tpu.transpose %concatenate3A_637, [1, 0] : vector<128x128xf32> -> vector<128x128xf32>
    %swap3A_639 = arith.constant 4736 : index
    %swap3A_640 = arith.constant 0 : index
    %swap3A_641 = vector.load %arg2[%swap3A_639, %swap3A_640] : memref<16384x128xf32, #tpu.memory_space<vmem>>, vector<128x128xf32>
    tpu.vector_store %arg2[%swap3A_639, %swap3A_640], %transpose3A_638 {strides = array<i32>} : memref<16384x128xf32, #tpu.memory_space<vmem>>, vector<128x128xf32>,
    %get3A_642 = arith.constant 0 : index
    %get3A_643 = arith.constant 19456 : index
    %get3A_644 = vector.load %arg1[%get3A_642, %get3A_643] : memref<32x65536xf32, #tpu.memory_space<vmem>>, vector<32x128xf32>
    %get3A_645 = arith.constant 0 : index
    %get3A_646 = arith.constant 19584 : index
    %get3A_647 = vector.load %arg1[%get3A_645, %get3A_646] : memref<32x65536xf32, #tpu.memory_space<vmem>>, vector<32x128xf32>
    %get3A_648 = arith.constant 0 : index
    %get3A_649 = arith.constant 19712 : index
    %get3A_650 = vector.load %arg1[%get3A_648, %get3A_649] : memref<32x65536xf32, #tpu.memory_space<vmem>>, vector<32x128xf32>
    %get3A_651 = arith.constant 0 : index
    %get3A_652 = arith.constant 19840 : index
    %get3A_653 = vector.load %arg1[%get3A_651, %get3A_652] : memref<32x65536xf32, #tpu.memory_space<vmem>>, vector<32x128xf32>
    %concatenate3A_654 = tpu.concatenate %get3A_644, %get3A_647, %get3A_650, %get3A_653 in 0 : vector<32x128xf32>, vector<32x128xf32>, vector<32x128xf32>, vector<32x128xf32> -> vector<128x128xf32>
    %transpose3A_655 = tpu.transpose %concatenate3A_654, [1, 0] : vector<128x128xf32> -> vector<128x128xf32>
    %swap3A_656 = arith.constant 4864 : index
    %swap3A_657 = arith.constant 0 : index
    %swap3A_658 = vector.load %arg2[%swap3A_656, %swap3A_657] : memref<16384x128xf32, #tpu.memory_space<vmem>>, vector<128x128xf32>
    tpu.vector_store %arg2[%swap3A_656, %swap3A_657], %transpose3A_655 {strides = array<i32>} : memref<16384x128xf32, #tpu.memory_space<vmem>>, vector<128x128xf32>,
    %get3A_659 = arith.constant 0 : index
    %get3A_660 = arith.constant 19968 : index
    %get3A_661 = vector.load %arg1[%get3A_659, %get3A_660] : memref<32x65536xf32, #tpu.memory_space<vmem>>, vector<32x128xf32>
    %get3A_662 = arith.constant 0 : index
    %get3A_663 = arith.constant 20096 : index
    %get3A_664 = vector.load %arg1[%get3A_662, %get3A_663] : memref<32x65536xf32, #tpu.memory_space<vmem>>, vector<32x128xf32>
    %get3A_665 = arith.constant 0 : index
    %get3A_666 = arith.constant 20224 : index
    %get3A_667 = vector.load %arg1[%get3A_665, %get3A_666] : memref<32x65536xf32, #tpu.memory_space<vmem>>, vector<32x128xf32>
    %get3A_668 = arith.constant 0 : index
    %get3A_669 = arith.constant 20352 : index
    %get3A_670 = vector.load %arg1[%get3A_668, %get3A_669] : memref<32x65536xf32, #tpu.memory_space<vmem>>, vector<32x128xf32>
    %concatenate3A_671 = tpu.concatenate %get3A_661, %get3A_664, %get3A_667, %get3A_670 in 0 : vector<32x128xf32>, vector<32x128xf32>, vector<32x128xf32>, vector<32x128xf32> -> vector<128x128xf32>
    %transpose3A_672 = tpu.transpose %concatenate3A_671, [1, 0] : vector<128x128xf32> -> vector<128x128xf32>
    %swap3A_673 = arith.constant 4992 : index
    %swap3A_674 = arith.constant 0 : index
    %swap3A_675 = vector.load %arg2[%swap3A_673, %swap3A_674] : memref<16384x128xf32, #tpu.memory_space<vmem>>, vector<128x128xf32>
    tpu.vector_store %arg2[%swap3A_673, %swap3A_674], %transpose3A_672 {strides = array<i32>} : memref<16384x128xf32, #tpu.memory_space<vmem>>, vector<128x128xf32>,
    %get3A_676 = arith.constant 0 : index
    %get3A_677 = arith.constant 20480 : index
    %get3A_678 = vector.load %arg1[%get3A_676, %get3A_677] : memref<32x65536xf32, #tpu.memory_space<vmem>>, vector<32x128xf32>
    %get3A_679 = arith.constant 0 : index
    %get3A_680 = arith.constant 20608 : index
    %get3A_681 = vector.load %arg1[%get3A_679, %get3A_680] : memref<32x65536xf32, #tpu.memory_space<vmem>>, vector<32x128xf32>
    %get3A_682 = arith.constant 0 : index
    %get3A_683 = arith.constant 20736 : index
    %get3A_684 = vector.load %arg1[%get3A_682, %get3A_683] : memref<32x65536xf32, #tpu.memory_space<vmem>>, vector<32x128xf32>
    %get3A_685 = arith.constant 0 : index
    %get3A_686 = arith.constant 20864 : index
    %get3A_687 = vector.load %arg1[%get3A_685, %get3A_686] : memref<32x65536xf32, #tpu.memory_space<vmem>>, vector<32x128xf32>
    %concatenate3A_688 = tpu.concatenate %get3A_678, %get3A_681, %get3A_684, %get3A_687 in 0 : vector<32x128xf32>, vector<32x128xf32>, vector<32x128xf32>, vector<32x128xf32> -> vector<128x128xf32>
    %transpose3A_689 = tpu.transpose %concatenate3A_688, [1, 0] : vector<128x128xf32> -> vector<128x128xf32>
    %swap3A_690 = arith.constant 5120 : index
    %swap3A_691 = arith.constant 0 : index
    %swap3A_692 = vector.load %arg2[%swap3A_690, %swap3A_691] : memref<16384x128xf32, #tpu.memory_space<vmem>>, vector<128x128xf32>
    tpu.vector_store %arg2[%swap3A_690, %swap3A_691], %transpose3A_689 {strides = array<i32>} : memref<16384x128xf32, #tpu.memory_space<vmem>>, vector<128x128xf32>,
    %get3A_693 = arith.constant 0 : index
    %get3A_694 = arith.constant 20992 : index
    %get3A_695 = vector.load %arg1[%get3A_693, %get3A_694] : memref<32x65536xf32, #tpu.memory_space<vmem>>, vector<32x128xf32>
    %get3A_696 = arith.constant 0 : index
    %get3A_697 = arith.constant 21120 : index
    %get3A_698 = vector.load %arg1[%get3A_696, %get3A_697] : memref<32x65536xf32, #tpu.memory_space<vmem>>, vector<32x128xf32>
    %get3A_699 = arith.constant 0 : index
    %get3A_700 = arith.constant 21248 : index
    %get3A_701 = vector.load %arg1[%get3A_699, %get3A_700] : memref<32x65536xf32, #tpu.memory_space<vmem>>, vector<32x128xf32>
    %get3A_702 = arith.constant 0 : index
    %get3A_703 = arith.constant 21376 : index
    %get3A_704 = vector.load %arg1[%get3A_702, %get3A_703] : memref<32x65536xf32, #tpu.memory_space<vmem>>, vector<32x128xf32>
    %concatenate3A_705 = tpu.concatenate %get3A_695, %get3A_698, %get3A_701, %get3A_704 in 0 : vector<32x128xf32>, vector<32x128xf32>, vector<32x128xf32>, vector<32x128xf32> -> vector<128x128xf32>
    %transpose3A_706 = tpu.transpose %concatenate3A_705, [1, 0] : vector<128x128xf32> -> vector<128x128xf32>
    %swap3A_707 = arith.constant 5248 : index
    %swap3A_708 = arith.constant 0 : index
    %swap3A_709 = vector.load %arg2[%swap3A_707, %swap3A_708] : memref<16384x128xf32, #tpu.memory_space<vmem>>, vector<128x128xf32>
    tpu.vector_store %arg2[%swap3A_707, %swap3A_708], %transpose3A_706 {strides = array<i32>} : memref<16384x128xf32, #tpu.memory_space<vmem>>, vector<128x128xf32>,
    %get3A_710 = arith.constant 0 : index
    %get3A_711 = arith.constant 21504 : index
    %get3A_712 = vector.load %arg1[%get3A_710, %get3A_711] : memref<32x65536xf32, #tpu.memory_space<vmem>>, vector<32x128xf32>
    %get3A_713 = arith.constant 0 : index
    %get3A_714 = arith.constant 21632 : index
    %get3A_715 = vector.load %arg1[%get3A_713, %get3A_714] : memref<32x65536xf32, #tpu.memory_space<vmem>>, vector<32x128xf32>
    %get3A_716 = arith.constant 0 : index
    %get3A_717 = arith.constant 21760 : index
    %get3A_718 = vector.load %arg1[%get3A_716, %get3A_717] : memref<32x65536xf32, #tpu.memory_space<vmem>>, vector<32x128xf32>
    %get3A_719 = arith.constant 0 : index
    %get3A_720 = arith.constant 21888 : index
    %get3A_721 = vector.load %arg1[%get3A_719, %get3A_720] : memref<32x65536xf32, #tpu.memory_space<vmem>>, vector<32x128xf32>
    %concatenate3A_722 = tpu.concatenate %get3A_712, %get3A_715, %get3A_718, %get3A_721 in 0 : vector<32x128xf32>, vector<32x128xf32>, vector<32x128xf32>, vector<32x128xf32> -> vector<128x128xf32>
    %transpose3A_723 = tpu.transpose %concatenate3A_722, [1, 0] : vector<128x128xf32> -> vector<128x128xf32>
    %swap3A_724 = arith.constant 5376 : index
    %swap3A_725 = arith.constant 0 : index
    %swap3A_726 = vector.load %arg2[%swap3A_724, %swap3A_725] : memref<16384x128xf32, #tpu.memory_space<vmem>>, vector<128x128xf32>
    tpu.vector_store %arg2[%swap3A_724, %swap3A_725], %transpose3A_723 {strides = array<i32>} : memref<16384x128xf32, #tpu.memory_space<vmem>>, vector<128x128xf32>,
    %get3A_727 = arith.constant 0 : index
    %get3A_728 = arith.constant 22016 : index
    %get3A_729 = vector.load %arg1[%get3A_727, %get3A_728] : memref<32x65536xf32, #tpu.memory_space<vmem>>, vector<32x128xf32>
    %get3A_730 = arith.constant 0 : index
    %get3A_731 = arith.constant 22144 : index
    %get3A_732 = vector.load %arg1[%get3A_730, %get3A_731] : memref<32x65536xf32, #tpu.memory_space<vmem>>, vector<32x128xf32>
    %get3A_733 = arith.constant 0 : index
    %get3A_734 = arith.constant 22272 : index
    %get3A_735 = vector.load %arg1[%get3A_733, %get3A_734] : memref<32x65536xf32, #tpu.memory_space<vmem>>, vector<32x128xf32>
    %get3A_736 = arith.constant 0 : index
    %get3A_737 = arith.constant 22400 : index
    %get3A_738 = vector.load %arg1[%get3A_736, %get3A_737] : memref<32x65536xf32, #tpu.memory_space<vmem>>, vector<32x128xf32>
    %concatenate3A_739 = tpu.concatenate %get3A_729, %get3A_732, %get3A_735, %get3A_738 in 0 : vector<32x128xf32>, vector<32x128xf32>, vector<32x128xf32>, vector<32x128xf32> -> vector<128x128xf32>
    %transpose3A_740 = tpu.transpose %concatenate3A_739, [1, 0] : vector<128x128xf32> -> vector<128x128xf32>
    %swap3A_741 = arith.constant 5504 : index
    %swap3A_742 = arith.constant 0 : index
    %swap3A_743 = vector.load %arg2[%swap3A_741, %swap3A_742] : memref<16384x128xf32, #tpu.memory_space<vmem>>, vector<128x128xf32>
    tpu.vector_store %arg2[%swap3A_741, %swap3A_742], %transpose3A_740 {strides = array<i32>} : memref<16384x128xf32, #tpu.memory_space<vmem>>, vector<128x128xf32>,
    %get3A_744 = arith.constant 0 : index
    %get3A_745 = arith.constant 22528 : index
    %get3A_746 = vector.load %arg1[%get3A_744, %get3A_745] : memref<32x65536xf32, #tpu.memory_space<vmem>>, vector<32x128xf32>
    %get3A_747 = arith.constant 0 : index
    %get3A_748 = arith.constant 22656 : index
    %get3A_749 = vector.load %arg1[%get3A_747, %get3A_748] : memref<32x65536xf32, #tpu.memory_space<vmem>>, vector<32x128xf32>
    %get3A_750 = arith.constant 0 : index
    %get3A_751 = arith.constant 22784 : index
    %get3A_752 = vector.load %arg1[%get3A_750, %get3A_751] : memref<32x65536xf32, #tpu.memory_space<vmem>>, vector<32x128xf32>
    %get3A_753 = arith.constant 0 : index
    %get3A_754 = arith.constant 22912 : index
    %get3A_755 = vector.load %arg1[%get3A_753, %get3A_754] : memref<32x65536xf32, #tpu.memory_space<vmem>>, vector<32x128xf32>
    %concatenate3A_756 = tpu.concatenate %get3A_746, %get3A_749, %get3A_752, %get3A_755 in 0 : vector<32x128xf32>, vector<32x128xf32>, vector<32x128xf32>, vector<32x128xf32> -> vector<128x128xf32>
    %transpose3A_757 = tpu.transpose %concatenate3A_756, [1, 0] : vector<128x128xf32> -> vector<128x128xf32>
    %swap3A_758 = arith.constant 5632 : index
    %swap3A_759 = arith.constant 0 : index
    %swap3A_760 = vector.load %arg2[%swap3A_758, %swap3A_759] : memref<16384x128xf32, #tpu.memory_space<vmem>>, vector<128x128xf32>
    tpu.vector_store %arg2[%swap3A_758, %swap3A_759], %transpose3A_757 {strides = array<i32>} : memref<16384x128xf32, #tpu.memory_space<vmem>>, vector<128x128xf32>,
    %get3A_761 = arith.constant 0 : index
    %get3A_762 = arith.constant 23040 : index
    %get3A_763 = vector.load %arg1[%get3A_761, %get3A_762] : memref<32x65536xf32, #tpu.memory_space<vmem>>, vector<32x128xf32>
    %get3A_764 = arith.constant 0 : index
    %get3A_765 = arith.constant 23168 : index
    %get3A_766 = vector.load %arg1[%get3A_764, %get3A_765] : memref<32x65536xf32, #tpu.memory_space<vmem>>, vector<32x128xf32>
    %get3A_767 = arith.constant 0 : index
    %get3A_768 = arith.constant 23296 : index
    %get3A_769 = vector.load %arg1[%get3A_767, %get3A_768] : memref<32x65536xf32, #tpu.memory_space<vmem>>, vector<32x128xf32>
    %get3A_770 = arith.constant 0 : index
    %get3A_771 = arith.constant 23424 : index
    %get3A_772 = vector.load %arg1[%get3A_770, %get3A_771] : memref<32x65536xf32, #tpu.memory_space<vmem>>, vector<32x128xf32>
    %concatenate3A_773 = tpu.concatenate %get3A_763, %get3A_766, %get3A_769, %get3A_772 in 0 : vector<32x128xf32>, vector<32x128xf32>, vector<32x128xf32>, vector<32x128xf32> -> vector<128x128xf32>
    %transpose3A_774 = tpu.transpose %concatenate3A_773, [1, 0] : vector<128x128xf32> -> vector<128x128xf32>
    %swap3A_775 = arith.constant 5760 : index
    %swap3A_776 = arith.constant 0 : index
    %swap3A_777 = vector.load %arg2[%swap3A_775, %swap3A_776] : memref<16384x128xf32, #tpu.memory_space<vmem>>, vector<128x128xf32>
    tpu.vector_store %arg2[%swap3A_775, %swap3A_776], %transpose3A_774 {strides = array<i32>} : memref<16384x128xf32, #tpu.memory_space<vmem>>, vector<128x128xf32>,
    %get3A_778 = arith.constant 0 : index
    %get3A_779 = arith.constant 23552 : index
    %get3A_780 = vector.load %arg1[%get3A_778, %get3A_779] : memref<32x65536xf32, #tpu.memory_space<vmem>>, vector<32x128xf32>
    %get3A_781 = arith.constant 0 : index
    %get3A_782 = arith.constant 23680 : index
    %get3A_783 = vector.load %arg1[%get3A_781, %get3A_782] : memref<32x65536xf32, #tpu.memory_space<vmem>>, vector<32x128xf32>
    %get3A_784 = arith.constant 0 : index
    %get3A_785 = arith.constant 23808 : index
    %get3A_786 = vector.load %arg1[%get3A_784, %get3A_785] : memref<32x65536xf32, #tpu.memory_space<vmem>>, vector<32x128xf32>
    %get3A_787 = arith.constant 0 : index
    %get3A_788 = arith.constant 23936 : index
    %get3A_789 = vector.load %arg1[%get3A_787, %get3A_788] : memref<32x65536xf32, #tpu.memory_space<vmem>>, vector<32x128xf32>
    %concatenate3A_790 = tpu.concatenate %get3A_780, %get3A_783, %get3A_786, %get3A_789 in 0 : vector<32x128xf32>, vector<32x128xf32>, vector<32x128xf32>, vector<32x128xf32> -> vector<128x128xf32>
    %transpose3A_791 = tpu.transpose %concatenate3A_790, [1, 0] : vector<128x128xf32> -> vector<128x128xf32>
    %swap3A_792 = arith.constant 5888 : index
    %swap3A_793 = arith.constant 0 : index
    %swap3A_794 = vector.load %arg2[%swap3A_792, %swap3A_793] : memref<16384x128xf32, #tpu.memory_space<vmem>>, vector<128x128xf32>
    tpu.vector_store %arg2[%swap3A_792, %swap3A_793], %transpose3A_791 {strides = array<i32>} : memref<16384x128xf32, #tpu.memory_space<vmem>>, vector<128x128xf32>,
    %get3A_795 = arith.constant 0 : index
    %get3A_796 = arith.constant 24064 : index
    %get3A_797 = vector.load %arg1[%get3A_795, %get3A_796] : memref<32x65536xf32, #tpu.memory_space<vmem>>, vector<32x128xf32>
    %get3A_798 = arith.constant 0 : index
    %get3A_799 = arith.constant 24192 : index
    %get3A_800 = vector.load %arg1[%get3A_798, %get3A_799] : memref<32x65536xf32, #tpu.memory_space<vmem>>, vector<32x128xf32>
    %get3A_801 = arith.constant 0 : index
    %get3A_802 = arith.constant 24320 : index
    %get3A_803 = vector.load %arg1[%get3A_801, %get3A_802] : memref<32x65536xf32, #tpu.memory_space<vmem>>, vector<32x128xf32>
    %get3A_804 = arith.constant 0 : index
    %get3A_805 = arith.constant 24448 : index
    %get3A_806 = vector.load %arg1[%get3A_804, %get3A_805] : memref<32x65536xf32, #tpu.memory_space<vmem>>, vector<32x128xf32>
    %concatenate3A_807 = tpu.concatenate %get3A_797, %get3A_800, %get3A_803, %get3A_806 in 0 : vector<32x128xf32>, vector<32x128xf32>, vector<32x128xf32>, vector<32x128xf32> -> vector<128x128xf32>
    %transpose3A_808 = tpu.transpose %concatenate3A_807, [1, 0] : vector<128x128xf32> -> vector<128x128xf32>
    %swap3A_809 = arith.constant 6016 : index
    %swap3A_810 = arith.constant 0 : index
    %swap3A_811 = vector.load %arg2[%swap3A_809, %swap3A_810] : memref<16384x128xf32, #tpu.memory_space<vmem>>, vector<128x128xf32>
    tpu.vector_store %arg2[%swap3A_809, %swap3A_810], %transpose3A_808 {strides = array<i32>} : memref<16384x128xf32, #tpu.memory_space<vmem>>, vector<128x128xf32>,
    %get3A_812 = arith.constant 0 : index
    %get3A_813 = arith.constant 24576 : index
    %get3A_814 = vector.load %arg1[%get3A_812, %get3A_813] : memref<32x65536xf32, #tpu.memory_space<vmem>>, vector<32x128xf32>
    %get3A_815 = arith.constant 0 : index
    %get3A_816 = arith.constant 24704 : index
    %get3A_817 = vector.load %arg1[%get3A_815, %get3A_816] : memref<32x65536xf32, #tpu.memory_space<vmem>>, vector<32x128xf32>
    %get3A_818 = arith.constant 0 : index
    %get3A_819 = arith.constant 24832 : index
    %get3A_820 = vector.load %arg1[%get3A_818, %get3A_819] : memref<32x65536xf32, #tpu.memory_space<vmem>>, vector<32x128xf32>
    %get3A_821 = arith.constant 0 : index
    %get3A_822 = arith.constant 24960 : index
    %get3A_823 = vector.load %arg1[%get3A_821, %get3A_822] : memref<32x65536xf32, #tpu.memory_space<vmem>>, vector<32x128xf32>
    %concatenate3A_824 = tpu.concatenate %get3A_814, %get3A_817, %get3A_820, %get3A_823 in 0 : vector<32x128xf32>, vector<32x128xf32>, vector<32x128xf32>, vector<32x128xf32> -> vector<128x128xf32>
    %transpose3A_825 = tpu.transpose %concatenate3A_824, [1, 0] : vector<128x128xf32> -> vector<128x128xf32>
    %swap3A_826 = arith.constant 6144 : index
    %swap3A_827 = arith.constant 0 : index
    %swap3A_828 = vector.load %arg2[%swap3A_826, %swap3A_827] : memref<16384x128xf32, #tpu.memory_space<vmem>>, vector<128x128xf32>
    tpu.vector_store %arg2[%swap3A_826, %swap3A_827], %transpose3A_825 {strides = array<i32>} : memref<16384x128xf32, #tpu.memory_space<vmem>>, vector<128x128xf32>,
    %get3A_829 = arith.constant 0 : index
    %get3A_830 = arith.constant 25088 : index
    %get3A_831 = vector.load %arg1[%get3A_829, %get3A_830] : memref<32x65536xf32, #tpu.memory_space<vmem>>, vector<32x128xf32>
    %get3A_832 = arith.constant 0 : index
    %get3A_833 = arith.constant 25216 : index
    %get3A_834 = vector.load %arg1[%get3A_832, %get3A_833] : memref<32x65536xf32, #tpu.memory_space<vmem>>, vector<32x128xf32>
    %get3A_835 = arith.constant 0 : index
    %get3A_836 = arith.constant 25344 : index
    %get3A_837 = vector.load %arg1[%get3A_835, %get3A_836] : memref<32x65536xf32, #tpu.memory_space<vmem>>, vector<32x128xf32>
    %get3A_838 = arith.constant 0 : index
    %get3A_839 = arith.constant 25472 : index
    %get3A_840 = vector.load %arg1[%get3A_838, %get3A_839] : memref<32x65536xf32, #tpu.memory_space<vmem>>, vector<32x128xf32>
    %concatenate3A_841 = tpu.concatenate %get3A_831, %get3A_834, %get3A_837, %get3A_840 in 0 : vector<32x128xf32>, vector<32x128xf32>, vector<32x128xf32>, vector<32x128xf32> -> vector<128x128xf32>
    %transpose3A_842 = tpu.transpose %concatenate3A_841, [1, 0] : vector<128x128xf32> -> vector<128x128xf32>
    %swap3A_843 = arith.constant 6272 : index
    %swap3A_844 = arith.constant 0 : index
    %swap3A_845 = vector.load %arg2[%swap3A_843, %swap3A_844] : memref<16384x128xf32, #tpu.memory_space<vmem>>, vector<128x128xf32>
    tpu.vector_store %arg2[%swap3A_843, %swap3A_844], %transpose3A_842 {strides = array<i32>} : memref<16384x128xf32, #tpu.memory_space<vmem>>, vector<128x128xf32>,
    %get3A_846 = arith.constant 0 : index
    %get3A_847 = arith.constant 25600 : index
    %get3A_848 = vector.load %arg1[%get3A_846, %get3A_847] : memref<32x65536xf32, #tpu.memory_space<vmem>>, vector<32x128xf32>
    %get3A_849 = arith.constant 0 : index
    %get3A_850 = arith.constant 25728 : index
    %get3A_851 = vector.load %arg1[%get3A_849, %get3A_850] : memref<32x65536xf32, #tpu.memory_space<vmem>>, vector<32x128xf32>
    %get3A_852 = arith.constant 0 : index
    %get3A_853 = arith.constant 25856 : index
    %get3A_854 = vector.load %arg1[%get3A_852, %get3A_853] : memref<32x65536xf32, #tpu.memory_space<vmem>>, vector<32x128xf32>
    %get3A_855 = arith.constant 0 : index
    %get3A_856 = arith.constant 25984 : index
    %get3A_857 = vector.load %arg1[%get3A_855, %get3A_856] : memref<32x65536xf32, #tpu.memory_space<vmem>>, vector<32x128xf32>
    %concatenate3A_858 = tpu.concatenate %get3A_848, %get3A_851, %get3A_854, %get3A_857 in 0 : vector<32x128xf32>, vector<32x128xf32>, vector<32x128xf32>, vector<32x128xf32> -> vector<128x128xf32>
    %transpose3A_859 = tpu.transpose %concatenate3A_858, [1, 0] : vector<128x128xf32> -> vector<128x128xf32>
    %swap3A_860 = arith.constant 6400 : index
    %swap3A_861 = arith.constant 0 : index
    %swap3A_862 = vector.load %arg2[%swap3A_860, %swap3A_861] : memref<16384x128xf32, #tpu.memory_space<vmem>>, vector<128x128xf32>
    tpu.vector_store %arg2[%swap3A_860, %swap3A_861], %transpose3A_859 {strides = array<i32>} : memref<16384x128xf32, #tpu.memory_space<vmem>>, vector<128x128xf32>,
    %get3A_863 = arith.constant 0 : index
    %get3A_864 = arith.constant 26112 : index
    %get3A_865 = vector.load %arg1[%get3A_863, %get3A_864] : memref<32x65536xf32, #tpu.memory_space<vmem>>, vector<32x128xf32>
    %get3A_866 = arith.constant 0 : index
    %get3A_867 = arith.constant 26240 : index
    %get3A_868 = vector.load %arg1[%get3A_866, %get3A_867] : memref<32x65536xf32, #tpu.memory_space<vmem>>, vector<32x128xf32>
    %get3A_869 = arith.constant 0 : index
    %get3A_870 = arith.constant 26368 : index
    %get3A_871 = vector.load %arg1[%get3A_869, %get3A_870] : memref<32x65536xf32, #tpu.memory_space<vmem>>, vector<32x128xf32>
    %get3A_872 = arith.constant 0 : index
    %get3A_873 = arith.constant 26496 : index
    %get3A_874 = vector.load %arg1[%get3A_872, %get3A_873] : memref<32x65536xf32, #tpu.memory_space<vmem>>, vector<32x128xf32>
    %concatenate3A_875 = tpu.concatenate %get3A_865, %get3A_868, %get3A_871, %get3A_874 in 0 : vector<32x128xf32>, vector<32x128xf32>, vector<32x128xf32>, vector<32x128xf32> -> vector<128x128xf32>
    %transpose3A_876 = tpu.transpose %concatenate3A_875, [1, 0] : vector<128x128xf32> -> vector<128x128xf32>
    %swap3A_877 = arith.constant 6528 : index
    %swap3A_878 = arith.constant 0 : index
    %swap3A_879 = vector.load %arg2[%swap3A_877, %swap3A_878] : memref<16384x128xf32, #tpu.memory_space<vmem>>, vector<128x128xf32>
    tpu.vector_store %arg2[%swap3A_877, %swap3A_878], %transpose3A_876 {strides = array<i32>} : memref<16384x128xf32, #tpu.memory_space<vmem>>, vector<128x128xf32>,
    %get3A_880 = arith.constant 0 : index
    %get3A_881 = arith.constant 26624 : index
    %get3A_882 = vector.load %arg1[%get3A_880, %get3A_881] : memref<32x65536xf32, #tpu.memory_space<vmem>>, vector<32x128xf32>
    %get3A_883 = arith.constant 0 : index
    %get3A_884 = arith.constant 26752 : index
    %get3A_885 = vector.load %arg1[%get3A_883, %get3A_884] : memref<32x65536xf32, #tpu.memory_space<vmem>>, vector<32x128xf32>
    %get3A_886 = arith.constant 0 : index
    %get3A_887 = arith.constant 26880 : index
    %get3A_888 = vector.load %arg1[%get3A_886, %get3A_887] : memref<32x65536xf32, #tpu.memory_space<vmem>>, vector<32x128xf32>
    %get3A_889 = arith.constant 0 : index
    %get3A_890 = arith.constant 27008 : index
    %get3A_891 = vector.load %arg1[%get3A_889, %get3A_890] : memref<32x65536xf32, #tpu.memory_space<vmem>>, vector<32x128xf32>
    %concatenate3A_892 = tpu.concatenate %get3A_882, %get3A_885, %get3A_888, %get3A_891 in 0 : vector<32x128xf32>, vector<32x128xf32>, vector<32x128xf32>, vector<32x128xf32> -> vector<128x128xf32>
    %transpose3A_893 = tpu.transpose %concatenate3A_892, [1, 0] : vector<128x128xf32> -> vector<128x128xf32>
    %swap3A_894 = arith.constant 6656 : index
    %swap3A_895 = arith.constant 0 : index
    %swap3A_896 = vector.load %arg2[%swap3A_894, %swap3A_895] : memref<16384x128xf32, #tpu.memory_space<vmem>>, vector<128x128xf32>
    tpu.vector_store %arg2[%swap3A_894, %swap3A_895], %transpose3A_893 {strides = array<i32>} : memref<16384x128xf32, #tpu.memory_space<vmem>>, vector<128x128xf32>,
    %get3A_897 = arith.constant 0 : index
    %get3A_898 = arith.constant 27136 : index
    %get3A_899 = vector.load %arg1[%get3A_897, %get3A_898] : memref<32x65536xf32, #tpu.memory_space<vmem>>, vector<32x128xf32>
    %get3A_900 = arith.constant 0 : index
    %get3A_901 = arith.constant 27264 : index
    %get3A_902 = vector.load %arg1[%get3A_900, %get3A_901] : memref<32x65536xf32, #tpu.memory_space<vmem>>, vector<32x128xf32>
    %get3A_903 = arith.constant 0 : index
    %get3A_904 = arith.constant 27392 : index
    %get3A_905 = vector.load %arg1[%get3A_903, %get3A_904] : memref<32x65536xf32, #tpu.memory_space<vmem>>, vector<32x128xf32>
    %get3A_906 = arith.constant 0 : index
    %get3A_907 = arith.constant 27520 : index
    %get3A_908 = vector.load %arg1[%get3A_906, %get3A_907] : memref<32x65536xf32, #tpu.memory_space<vmem>>, vector<32x128xf32>
    %concatenate3A_909 = tpu.concatenate %get3A_899, %get3A_902, %get3A_905, %get3A_908 in 0 : vector<32x128xf32>, vector<32x128xf32>, vector<32x128xf32>, vector<32x128xf32> -> vector<128x128xf32>
    %transpose3A_910 = tpu.transpose %concatenate3A_909, [1, 0] : vector<128x128xf32> -> vector<128x128xf32>
    %swap3A_911 = arith.constant 6784 : index
    %swap3A_912 = arith.constant 0 : index
    %swap3A_913 = vector.load %arg2[%swap3A_911, %swap3A_912] : memref<16384x128xf32, #tpu.memory_space<vmem>>, vector<128x128xf32>
    tpu.vector_store %arg2[%swap3A_911, %swap3A_912], %transpose3A_910 {strides = array<i32>} : memref<16384x128xf32, #tpu.memory_space<vmem>>, vector<128x128xf32>,
    %get3A_914 = arith.constant 0 : index
    %get3A_915 = arith.constant 27648 : index
    %get3A_916 = vector.load %arg1[%get3A_914, %get3A_915] : memref<32x65536xf32, #tpu.memory_space<vmem>>, vector<32x128xf32>
    %get3A_917 = arith.constant 0 : index
    %get3A_918 = arith.constant 27776 : index
    %get3A_919 = vector.load %arg1[%get3A_917, %get3A_918] : memref<32x65536xf32, #tpu.memory_space<vmem>>, vector<32x128xf32>
    %get3A_920 = arith.constant 0 : index
    %get3A_921 = arith.constant 27904 : index
    %get3A_922 = vector.load %arg1[%get3A_920, %get3A_921] : memref<32x65536xf32, #tpu.memory_space<vmem>>, vector<32x128xf32>
    %get3A_923 = arith.constant 0 : index
    %get3A_924 = arith.constant 28032 : index
    %get3A_925 = vector.load %arg1[%get3A_923, %get3A_924] : memref<32x65536xf32, #tpu.memory_space<vmem>>, vector<32x128xf32>
    %concatenate3A_926 = tpu.concatenate %get3A_916, %get3A_919, %get3A_922, %get3A_925 in 0 : vector<32x128xf32>, vector<32x128xf32>, vector<32x128xf32>, vector<32x128xf32> -> vector<128x128xf32>
    %transpose3A_927 = tpu.transpose %concatenate3A_926, [1, 0] : vector<128x128xf32> -> vector<128x128xf32>
    %swap3A_928 = arith.constant 6912 : index
    %swap3A_929 = arith.constant 0 : index
    %swap3A_930 = vector.load %arg2[%swap3A_928, %swap3A_929] : memref<16384x128xf32, #tpu.memory_space<vmem>>, vector<128x128xf32>
    tpu.vector_store %arg2[%swap3A_928, %swap3A_929], %transpose3A_927 {strides = array<i32>} : memref<16384x128xf32, #tpu.memory_space<vmem>>, vector<128x128xf32>,
    %get3A_931 = arith.constant 0 : index
    %get3A_932 = arith.constant 28160 : index
    %get3A_933 = vector.load %arg1[%get3A_931, %get3A_932] : memref<32x65536xf32, #tpu.memory_space<vmem>>, vector<32x128xf32>
    %get3A_934 = arith.constant 0 : index
    %get3A_935 = arith.constant 28288 : index
    %get3A_936 = vector.load %arg1[%get3A_934, %get3A_935] : memref<32x65536xf32, #tpu.memory_space<vmem>>, vector<32x128xf32>
    %get3A_937 = arith.constant 0 : index
    %get3A_938 = arith.constant 28416 : index
    %get3A_939 = vector.load %arg1[%get3A_937, %get3A_938] : memref<32x65536xf32, #tpu.memory_space<vmem>>, vector<32x128xf32>
    %get3A_940 = arith.constant 0 : index
    %get3A_941 = arith.constant 28544 : index
    %get3A_942 = vector.load %arg1[%get3A_940, %get3A_941] : memref<32x65536xf32, #tpu.memory_space<vmem>>, vector<32x128xf32>
    %concatenate3A_943 = tpu.concatenate %get3A_933, %get3A_936, %get3A_939, %get3A_942 in 0 : vector<32x128xf32>, vector<32x128xf32>, vector<32x128xf32>, vector<32x128xf32> -> vector<128x128xf32>
    %transpose3A_944 = tpu.transpose %concatenate3A_943, [1, 0] : vector<128x128xf32> -> vector<128x128xf32>
    %swap3A_945 = arith.constant 7040 : index
    %swap3A_946 = arith.constant 0 : index
    %swap3A_947 = vector.load %arg2[%swap3A_945, %swap3A_946] : memref<16384x128xf32, #tpu.memory_space<vmem>>, vector<128x128xf32>
    tpu.vector_store %arg2[%swap3A_945, %swap3A_946], %transpose3A_944 {strides = array<i32>} : memref<16384x128xf32, #tpu.memory_space<vmem>>, vector<128x128xf32>,
    %get3A_948 = arith.constant 0 : index
    %get3A_949 = arith.constant 28672 : index
    %get3A_950 = vector.load %arg1[%get3A_948, %get3A_949] : memref<32x65536xf32, #tpu.memory_space<vmem>>, vector<32x128xf32>
    %get3A_951 = arith.constant 0 : index
    %get3A_952 = arith.constant 28800 : index
    %get3A_953 = vector.load %arg1[%get3A_951, %get3A_952] : memref<32x65536xf32, #tpu.memory_space<vmem>>, vector<32x128xf32>
    %get3A_954 = arith.constant 0 : index
    %get3A_955 = arith.constant 28928 : index
    %get3A_956 = vector.load %arg1[%get3A_954, %get3A_955] : memref<32x65536xf32, #tpu.memory_space<vmem>>, vector<32x128xf32>
    %get3A_957 = arith.constant 0 : index
    %get3A_958 = arith.constant 29056 : index
    %get3A_959 = vector.load %arg1[%get3A_957, %get3A_958] : memref<32x65536xf32, #tpu.memory_space<vmem>>, vector<32x128xf32>
    %concatenate3A_960 = tpu.concatenate %get3A_950, %get3A_953, %get3A_956, %get3A_959 in 0 : vector<32x128xf32>, vector<32x128xf32>, vector<32x128xf32>, vector<32x128xf32> -> vector<128x128xf32>
    %transpose3A_961 = tpu.transpose %concatenate3A_960, [1, 0] : vector<128x128xf32> -> vector<128x128xf32>
    %swap3A_962 = arith.constant 7168 : index
    %swap3A_963 = arith.constant 0 : index
    %swap3A_964 = vector.load %arg2[%swap3A_962, %swap3A_963] : memref<16384x128xf32, #tpu.memory_space<vmem>>, vector<128x128xf32>
    tpu.vector_store %arg2[%swap3A_962, %swap3A_963], %transpose3A_961 {strides = array<i32>} : memref<16384x128xf32, #tpu.memory_space<vmem>>, vector<128x128xf32>,
    %get3A_965 = arith.constant 0 : index
    %get3A_966 = arith.constant 29184 : index
    %get3A_967 = vector.load %arg1[%get3A_965, %get3A_966] : memref<32x65536xf32, #tpu.memory_space<vmem>>, vector<32x128xf32>
    %get3A_968 = arith.constant 0 : index
    %get3A_969 = arith.constant 29312 : index
    %get3A_970 = vector.load %arg1[%get3A_968, %get3A_969] : memref<32x65536xf32, #tpu.memory_space<vmem>>, vector<32x128xf32>
    %get3A_971 = arith.constant 0 : index
    %get3A_972 = arith.constant 29440 : index
    %get3A_973 = vector.load %arg1[%get3A_971, %get3A_972] : memref<32x65536xf32, #tpu.memory_space<vmem>>, vector<32x128xf32>
    %get3A_974 = arith.constant 0 : index
    %get3A_975 = arith.constant 29568 : index
    %get3A_976 = vector.load %arg1[%get3A_974, %get3A_975] : memref<32x65536xf32, #tpu.memory_space<vmem>>, vector<32x128xf32>
    %concatenate3A_977 = tpu.concatenate %get3A_967, %get3A_970, %get3A_973, %get3A_976 in 0 : vector<32x128xf32>, vector<32x128xf32>, vector<32x128xf32>, vector<32x128xf32> -> vector<128x128xf32>
    %transpose3A_978 = tpu.transpose %concatenate3A_977, [1, 0] : vector<128x128xf32> -> vector<128x128xf32>
    %swap3A_979 = arith.constant 7296 : index
    %swap3A_980 = arith.constant 0 : index
    %swap3A_981 = vector.load %arg2[%swap3A_979, %swap3A_980] : memref<16384x128xf32, #tpu.memory_space<vmem>>, vector<128x128xf32>
    tpu.vector_store %arg2[%swap3A_979, %swap3A_980], %transpose3A_978 {strides = array<i32>} : memref<16384x128xf32, #tpu.memory_space<vmem>>, vector<128x128xf32>,
    %get3A_982 = arith.constant 0 : index
    %get3A_983 = arith.constant 29696 : index
    %get3A_984 = vector.load %arg1[%get3A_982, %get3A_983] : memref<32x65536xf32, #tpu.memory_space<vmem>>, vector<32x128xf32>
    %get3A_985 = arith.constant 0 : index
    %get3A_986 = arith.constant 29824 : index
    %get3A_987 = vector.load %arg1[%get3A_985, %get3A_986] : memref<32x65536xf32, #tpu.memory_space<vmem>>, vector<32x128xf32>
    %get3A_988 = arith.constant 0 : index
    %get3A_989 = arith.constant 29952 : index
    %get3A_990 = vector.load %arg1[%get3A_988, %get3A_989] : memref<32x65536xf32, #tpu.memory_space<vmem>>, vector<32x128xf32>
    %get3A_991 = arith.constant 0 : index
    %get3A_992 = arith.constant 30080 : index
    %get3A_993 = vector.load %arg1[%get3A_991, %get3A_992] : memref<32x65536xf32, #tpu.memory_space<vmem>>, vector<32x128xf32>
    %concatenate3A_994 = tpu.concatenate %get3A_984, %get3A_987, %get3A_990, %get3A_993 in 0 : vector<32x128xf32>, vector<32x128xf32>, vector<32x128xf32>, vector<32x128xf32> -> vector<128x128xf32>
    %transpose3A_995 = tpu.transpose %concatenate3A_994, [1, 0] : vector<128x128xf32> -> vector<128x128xf32>
    %swap3A_996 = arith.constant 7424 : index
    %swap3A_997 = arith.constant 0 : index
    %swap3A_998 = vector.load %arg2[%swap3A_996, %swap3A_997] : memref<16384x128xf32, #tpu.memory_space<vmem>>, vector<128x128xf32>
    tpu.vector_store %arg2[%swap3A_996, %swap3A_997], %transpose3A_995 {strides = array<i32>} : memref<16384x128xf32, #tpu.memory_space<vmem>>, vector<128x128xf32>,
    %get3A_999 = arith.constant 0 : index
    %get3A_1000 = arith.constant 30208 : index
    %get3A_1001 = vector.load %arg1[%get3A_999, %get3A_1000] : memref<32x65536xf32, #tpu.memory_space<vmem>>, vector<32x128xf32>
    %get3A_1002 = arith.constant 0 : index
    %get3A_1003 = arith.constant 30336 : index
    %get3A_1004 = vector.load %arg1[%get3A_1002, %get3A_1003] : memref<32x65536xf32, #tpu.memory_space<vmem>>, vector<32x128xf32>
    %get3A_1005 = arith.constant 0 : index
    %get3A_1006 = arith.constant 30464 : index
    %get3A_1007 = vector.load %arg1[%get3A_1005, %get3A_1006] : memref<32x65536xf32, #tpu.memory_space<vmem>>, vector<32x128xf32>
    %get3A_1008 = arith.constant 0 : index
    %get3A_1009 = arith.constant 30592 : index
    %get3A_1010 = vector.load %arg1[%get3A_1008, %get3A_1009] : memref<32x65536xf32, #tpu.memory_space<vmem>>, vector<32x128xf32>
    %concatenate3A_1011 = tpu.concatenate %get3A_1001, %get3A_1004, %get3A_1007, %get3A_1010 in 0 : vector<32x128xf32>, vector<32x128xf32>, vector<32x128xf32>, vector<32x128xf32> -> vector<128x128xf32>
    %transpose3A_1012 = tpu.transpose %concatenate3A_1011, [1, 0] : vector<128x128xf32> -> vector<128x128xf32>
    %swap3A_1013 = arith.constant 7552 : index
    %swap3A_1014 = arith.constant 0 : index
    %swap3A_1015 = vector.load %arg2[%swap3A_1013, %swap3A_1014] : memref<16384x128xf32, #tpu.memory_space<vmem>>, vector<128x128xf32>
    tpu.vector_store %arg2[%swap3A_1013, %swap3A_1014], %transpose3A_1012 {strides = array<i32>} : memref<16384x128xf32, #tpu.memory_space<vmem>>, vector<128x128xf32>,
    %get3A_1016 = arith.constant 0 : index
    %get3A_1017 = arith.constant 30720 : index
    %get3A_1018 = vector.load %arg1[%get3A_1016, %get3A_1017] : memref<32x65536xf32, #tpu.memory_space<vmem>>, vector<32x128xf32>
    %get3A_1019 = arith.constant 0 : index
    %get3A_1020 = arith.constant 30848 : index
    %get3A_1021 = vector.load %arg1[%get3A_1019, %get3A_1020] : memref<32x65536xf32, #tpu.memory_space<vmem>>, vector<32x128xf32>
    %get3A_1022 = arith.constant 0 : index
    %get3A_1023 = arith.constant 30976 : index
    %get3A_1024 = vector.load %arg1[%get3A_1022, %get3A_1023] : memref<32x65536xf32, #tpu.memory_space<vmem>>, vector<32x128xf32>
    %get3A_1025 = arith.constant 0 : index
    %get3A_1026 = arith.constant 31104 : index
    %get3A_1027 = vector.load %arg1[%get3A_1025, %get3A_1026] : memref<32x65536xf32, #tpu.memory_space<vmem>>, vector<32x128xf32>
    %concatenate3A_1028 = tpu.concatenate %get3A_1018, %get3A_1021, %get3A_1024, %get3A_1027 in 0 : vector<32x128xf32>, vector<32x128xf32>, vector<32x128xf32>, vector<32x128xf32> -> vector<128x128xf32>
    %transpose3A_1029 = tpu.transpose %concatenate3A_1028, [1, 0] : vector<128x128xf32> -> vector<128x128xf32>
    %swap3A_1030 = arith.constant 7680 : index
    %swap3A_1031 = arith.constant 0 : index
    %swap3A_1032 = vector.load %arg2[%swap3A_1030, %swap3A_1031] : memref<16384x128xf32, #tpu.memory_space<vmem>>, vector<128x128xf32>
    tpu.vector_store %arg2[%swap3A_1030, %swap3A_1031], %transpose3A_1029 {strides = array<i32>} : memref<16384x128xf32, #tpu.memory_space<vmem>>, vector<128x128xf32>,
    %get3A_1033 = arith.constant 0 : index
    %get3A_1034 = arith.constant 31232 : index
    %get3A_1035 = vector.load %arg1[%get3A_1033, %get3A_1034] : memref<32x65536xf32, #tpu.memory_space<vmem>>, vector<32x128xf32>
    %get3A_1036 = arith.constant 0 : index
    %get3A_1037 = arith.constant 31360 : index
    %get3A_1038 = vector.load %arg1[%get3A_1036, %get3A_1037] : memref<32x65536xf32, #tpu.memory_space<vmem>>, vector<32x128xf32>
    %get3A_1039 = arith.constant 0 : index
    %get3A_1040 = arith.constant 31488 : index
    %get3A_1041 = vector.load %arg1[%get3A_1039, %get3A_1040] : memref<32x65536xf32, #tpu.memory_space<vmem>>, vector<32x128xf32>
    %get3A_1042 = arith.constant 0 : index
    %get3A_1043 = arith.constant 31616 : index
    %get3A_1044 = vector.load %arg1[%get3A_1042, %get3A_1043] : memref<32x65536xf32, #tpu.memory_space<vmem>>, vector<32x128xf32>
    %concatenate3A_1045 = tpu.concatenate %get3A_1035, %get3A_1038, %get3A_1041, %get3A_1044 in 0 : vector<32x128xf32>, vector<32x128xf32>, vector<32x128xf32>, vector<32x128xf32> -> vector<128x128xf32>
    %transpose3A_1046 = tpu.transpose %concatenate3A_1045, [1, 0] : vector<128x128xf32> -> vector<128x128xf32>
    %swap3A_1047 = arith.constant 7808 : index
    %swap3A_1048 = arith.constant 0 : index
    %swap3A_1049 = vector.load %arg2[%swap3A_1047, %swap3A_1048] : memref<16384x128xf32, #tpu.memory_space<vmem>>, vector<128x128xf32>
    tpu.vector_store %arg2[%swap3A_1047, %swap3A_1048], %transpose3A_1046 {strides = array<i32>} : memref<16384x128xf32, #tpu.memory_space<vmem>>, vector<128x128xf32>,
    %get3A_1050 = arith.constant 0 : index
    %get3A_1051 = arith.constant 31744 : index
    %get3A_1052 = vector.load %arg1[%get3A_1050, %get3A_1051] : memref<32x65536xf32, #tpu.memory_space<vmem>>, vector<32x128xf32>
    %get3A_1053 = arith.constant 0 : index
    %get3A_1054 = arith.constant 31872 : index
    %get3A_1055 = vector.load %arg1[%get3A_1053, %get3A_1054] : memref<32x65536xf32, #tpu.memory_space<vmem>>, vector<32x128xf32>
    %get3A_1056 = arith.constant 0 : index
    %get3A_1057 = arith.constant 32000 : index
    %get3A_1058 = vector.load %arg1[%get3A_1056, %get3A_1057] : memref<32x65536xf32, #tpu.memory_space<vmem>>, vector<32x128xf32>
    %get3A_1059 = arith.constant 0 : index
    %get3A_1060 = arith.constant 32128 : index
    %get3A_1061 = vector.load %arg1[%get3A_1059, %get3A_1060] : memref<32x65536xf32, #tpu.memory_space<vmem>>, vector<32x128xf32>
    %concatenate3A_1062 = tpu.concatenate %get3A_1052, %get3A_1055, %get3A_1058, %get3A_1061 in 0 : vector<32x128xf32>, vector<32x128xf32>, vector<32x128xf32>, vector<32x128xf32> -> vector<128x128xf32>
    %transpose3A_1063 = tpu.transpose %concatenate3A_1062, [1, 0] : vector<128x128xf32> -> vector<128x128xf32>
    %swap3A_1064 = arith.constant 7936 : index
    %swap3A_1065 = arith.constant 0 : index
    %swap3A_1066 = vector.load %arg2[%swap3A_1064, %swap3A_1065] : memref<16384x128xf32, #tpu.memory_space<vmem>>, vector<128x128xf32>
    tpu.vector_store %arg2[%swap3A_1064, %swap3A_1065], %transpose3A_1063 {strides = array<i32>} : memref<16384x128xf32, #tpu.memory_space<vmem>>, vector<128x128xf32>,
    %get3A_1067 = arith.constant 0 : index
    %get3A_1068 = arith.constant 32256 : index
    %get3A_1069 = vector.load %arg1[%get3A_1067, %get3A_1068] : memref<32x65536xf32, #tpu.memory_space<vmem>>, vector<32x128xf32>
    %get3A_1070 = arith.constant 0 : index
    %get3A_1071 = arith.constant 32384 : index
    %get3A_1072 = vector.load %arg1[%get3A_1070, %get3A_1071] : memref<32x65536xf32, #tpu.memory_space<vmem>>, vector<32x128xf32>
    %get3A_1073 = arith.constant 0 : index
    %get3A_1074 = arith.constant 32512 : index
    %get3A_1075 = vector.load %arg1[%get3A_1073, %get3A_1074] : memref<32x65536xf32, #tpu.memory_space<vmem>>, vector<32x128xf32>
    %get3A_1076 = arith.constant 0 : index
    %get3A_1077 = arith.constant 32640 : index
    %get3A_1078 = vector.load %arg1[%get3A_1076, %get3A_1077] : memref<32x65536xf32, #tpu.memory_space<vmem>>, vector<32x128xf32>
    %concatenate3A_1079 = tpu.concatenate %get3A_1069, %get3A_1072, %get3A_1075, %get3A_1078 in 0 : vector<32x128xf32>, vector<32x128xf32>, vector<32x128xf32>, vector<32x128xf32> -> vector<128x128xf32>
    %transpose3A_1080 = tpu.transpose %concatenate3A_1079, [1, 0] : vector<128x128xf32> -> vector<128x128xf32>
    %swap3A_1081 = arith.constant 8064 : index
    %swap3A_1082 = arith.constant 0 : index
    %swap3A_1083 = vector.load %arg2[%swap3A_1081, %swap3A_1082] : memref<16384x128xf32, #tpu.memory_space<vmem>>, vector<128x128xf32>
    tpu.vector_store %arg2[%swap3A_1081, %swap3A_1082], %transpose3A_1080 {strides = array<i32>} : memref<16384x128xf32, #tpu.memory_space<vmem>>, vector<128x128xf32>,
    %get3A_1084 = arith.constant 0 : index
    %get3A_1085 = arith.constant 32768 : index
    %get3A_1086 = vector.load %arg1[%get3A_1084, %get3A_1085] : memref<32x65536xf32, #tpu.memory_space<vmem>>, vector<32x128xf32>
    %get3A_1087 = arith.constant 0 : index
    %get3A_1088 = arith.constant 32896 : index
    %get3A_1089 = vector.load %arg1[%get3A_1087, %get3A_1088] : memref<32x65536xf32, #tpu.memory_space<vmem>>, vector<32x128xf32>
    %get3A_1090 = arith.constant 0 : index
    %get3A_1091 = arith.constant 33024 : index
    %get3A_1092 = vector.load %arg1[%get3A_1090, %get3A_1091] : memref<32x65536xf32, #tpu.memory_space<vmem>>, vector<32x128xf32>
    %get3A_1093 = arith.constant 0 : index
    %get3A_1094 = arith.constant 33152 : index
    %get3A_1095 = vector.load %arg1[%get3A_1093, %get3A_1094] : memref<32x65536xf32, #tpu.memory_space<vmem>>, vector<32x128xf32>
    %concatenate3A_1096 = tpu.concatenate %get3A_1086, %get3A_1089, %get3A_1092, %get3A_1095 in 0 : vector<32x128xf32>, vector<32x128xf32>, vector<32x128xf32>, vector<32x128xf32> -> vector<128x128xf32>
    %transpose3A_1097 = tpu.transpose %concatenate3A_1096, [1, 0] : vector<128x128xf32> -> vector<128x128xf32>
    %swap3A_1098 = arith.constant 8192 : index
    %swap3A_1099 = arith.constant 0 : index
    %swap3A_1100 = vector.load %arg2[%swap3A_1098, %swap3A_1099] : memref<16384x128xf32, #tpu.memory_space<vmem>>, vector<128x128xf32>
    tpu.vector_store %arg2[%swap3A_1098, %swap3A_1099], %transpose3A_1097 {strides = array<i32>} : memref<16384x128xf32, #tpu.memory_space<vmem>>, vector<128x128xf32>,
    %get3A_1101 = arith.constant 0 : index
    %get3A_1102 = arith.constant 33280 : index
    %get3A_1103 = vector.load %arg1[%get3A_1101, %get3A_1102] : memref<32x65536xf32, #tpu.memory_space<vmem>>, vector<32x128xf32>
    %get3A_1104 = arith.constant 0 : index
    %get3A_1105 = arith.constant 33408 : index
    %get3A_1106 = vector.load %arg1[%get3A_1104, %get3A_1105] : memref<32x65536xf32, #tpu.memory_space<vmem>>, vector<32x128xf32>
    %get3A_1107 = arith.constant 0 : index
    %get3A_1108 = arith.constant 33536 : index
    %get3A_1109 = vector.load %arg1[%get3A_1107, %get3A_1108] : memref<32x65536xf32, #tpu.memory_space<vmem>>, vector<32x128xf32>
    %get3A_1110 = arith.constant 0 : index
    %get3A_1111 = arith.constant 33664 : index
    %get3A_1112 = vector.load %arg1[%get3A_1110, %get3A_1111] : memref<32x65536xf32, #tpu.memory_space<vmem>>, vector<32x128xf32>
    %concatenate3A_1113 = tpu.concatenate %get3A_1103, %get3A_1106, %get3A_1109, %get3A_1112 in 0 : vector<32x128xf32>, vector<32x128xf32>, vector<32x128xf32>, vector<32x128xf32> -> vector<128x128xf32>
    %transpose3A_1114 = tpu.transpose %concatenate3A_1113, [1, 0] : vector<128x128xf32> -> vector<128x128xf32>
    %swap3A_1115 = arith.constant 8320 : index
    %swap3A_1116 = arith.constant 0 : index
    %swap3A_1117 = vector.load %arg2[%swap3A_1115, %swap3A_1116] : memref<16384x128xf32, #tpu.memory_space<vmem>>, vector<128x128xf32>
    tpu.vector_store %arg2[%swap3A_1115, %swap3A_1116], %transpose3A_1114 {strides = array<i32>} : memref<16384x128xf32, #tpu.memory_space<vmem>>, vector<128x128xf32>,
    %get3A_1118 = arith.constant 0 : index
    %get3A_1119 = arith.constant 33792 : index
    %get3A_1120 = vector.load %arg1[%get3A_1118, %get3A_1119] : memref<32x65536xf32, #tpu.memory_space<vmem>>, vector<32x128xf32>
    %get3A_1121 = arith.constant 0 : index
    %get3A_1122 = arith.constant 33920 : index
    %get3A_1123 = vector.load %arg1[%get3A_1121, %get3A_1122] : memref<32x65536xf32, #tpu.memory_space<vmem>>, vector<32x128xf32>
    %get3A_1124 = arith.constant 0 : index
    %get3A_1125 = arith.constant 34048 : index
    %get3A_1126 = vector.load %arg1[%get3A_1124, %get3A_1125] : memref<32x65536xf32, #tpu.memory_space<vmem>>, vector<32x128xf32>
    %get3A_1127 = arith.constant 0 : index
    %get3A_1128 = arith.constant 34176 : index
    %get3A_1129 = vector.load %arg1[%get3A_1127, %get3A_1128] : memref<32x65536xf32, #tpu.memory_space<vmem>>, vector<32x128xf32>
    %concatenate3A_1130 = tpu.concatenate %get3A_1120, %get3A_1123, %get3A_1126, %get3A_1129 in 0 : vector<32x128xf32>, vector<32x128xf32>, vector<32x128xf32>, vector<32x128xf32> -> vector<128x128xf32>
    %transpose3A_1131 = tpu.transpose %concatenate3A_1130, [1, 0] : vector<128x128xf32> -> vector<128x128xf32>
    %swap3A_1132 = arith.constant 8448 : index
    %swap3A_1133 = arith.constant 0 : index
    %swap3A_1134 = vector.load %arg2[%swap3A_1132, %swap3A_1133] : memref<16384x128xf32, #tpu.memory_space<vmem>>, vector<128x128xf32>
    tpu.vector_store %arg2[%swap3A_1132, %swap3A_1133], %transpose3A_1131 {strides = array<i32>} : memref<16384x128xf32, #tpu.memory_space<vmem>>, vector<128x128xf32>,
    %get3A_1135 = arith.constant 0 : index
    %get3A_1136 = arith.constant 34304 : index
    %get3A_1137 = vector.load %arg1[%get3A_1135, %get3A_1136] : memref<32x65536xf32, #tpu.memory_space<vmem>>, vector<32x128xf32>
    %get3A_1138 = arith.constant 0 : index
    %get3A_1139 = arith.constant 34432 : index
    %get3A_1140 = vector.load %arg1[%get3A_1138, %get3A_1139] : memref<32x65536xf32, #tpu.memory_space<vmem>>, vector<32x128xf32>
    %get3A_1141 = arith.constant 0 : index
    %get3A_1142 = arith.constant 34560 : index
    %get3A_1143 = vector.load %arg1[%get3A_1141, %get3A_1142] : memref<32x65536xf32, #tpu.memory_space<vmem>>, vector<32x128xf32>
    %get3A_1144 = arith.constant 0 : index
    %get3A_1145 = arith.constant 34688 : index
    %get3A_1146 = vector.load %arg1[%get3A_1144, %get3A_1145] : memref<32x65536xf32, #tpu.memory_space<vmem>>, vector<32x128xf32>
    %concatenate3A_1147 = tpu.concatenate %get3A_1137, %get3A_1140, %get3A_1143, %get3A_1146 in 0 : vector<32x128xf32>, vector<32x128xf32>, vector<32x128xf32>, vector<32x128xf32> -> vector<128x128xf32>
    %transpose3A_1148 = tpu.transpose %concatenate3A_1147, [1, 0] : vector<128x128xf32> -> vector<128x128xf32>
    %swap3A_1149 = arith.constant 8576 : index
    %swap3A_1150 = arith.constant 0 : index
    %swap3A_1151 = vector.load %arg2[%swap3A_1149, %swap3A_1150] : memref<16384x128xf32, #tpu.memory_space<vmem>>, vector<128x128xf32>
    tpu.vector_store %arg2[%swap3A_1149, %swap3A_1150], %transpose3A_1148 {strides = array<i32>} : memref<16384x128xf32, #tpu.memory_space<vmem>>, vector<128x128xf32>,
    %get3A_1152 = arith.constant 0 : index
    %get3A_1153 = arith.constant 34816 : index
    %get3A_1154 = vector.load %arg1[%get3A_1152, %get3A_1153] : memref<32x65536xf32, #tpu.memory_space<vmem>>, vector<32x128xf32>
    %get3A_1155 = arith.constant 0 : index
    %get3A_1156 = arith.constant 34944 : index
    %get3A_1157 = vector.load %arg1[%get3A_1155, %get3A_1156] : memref<32x65536xf32, #tpu.memory_space<vmem>>, vector<32x128xf32>
    %get3A_1158 = arith.constant 0 : index
    %get3A_1159 = arith.constant 35072 : index
    %get3A_1160 = vector.load %arg1[%get3A_1158, %get3A_1159] : memref<32x65536xf32, #tpu.memory_space<vmem>>, vector<32x128xf32>
    %get3A_1161 = arith.constant 0 : index
    %get3A_1162 = arith.constant 35200 : index
    %get3A_1163 = vector.load %arg1[%get3A_1161, %get3A_1162] : memref<32x65536xf32, #tpu.memory_space<vmem>>, vector<32x128xf32>
    %concatenate3A_1164 = tpu.concatenate %get3A_1154, %get3A_1157, %get3A_1160, %get3A_1163 in 0 : vector<32x128xf32>, vector<32x128xf32>, vector<32x128xf32>, vector<32x128xf32> -> vector<128x128xf32>
    %transpose3A_1165 = tpu.transpose %concatenate3A_1164, [1, 0] : vector<128x128xf32> -> vector<128x128xf32>
    %swap3A_1166 = arith.constant 8704 : index
    %swap3A_1167 = arith.constant 0 : index
    %swap3A_1168 = vector.load %arg2[%swap3A_1166, %swap3A_1167] : memref<16384x128xf32, #tpu.memory_space<vmem>>, vector<128x128xf32>
    tpu.vector_store %arg2[%swap3A_1166, %swap3A_1167], %transpose3A_1165 {strides = array<i32>} : memref<16384x128xf32, #tpu.memory_space<vmem>>, vector<128x128xf32>,
    %get3A_1169 = arith.constant 0 : index
    %get3A_1170 = arith.constant 35328 : index
    %get3A_1171 = vector.load %arg1[%get3A_1169, %get3A_1170] : memref<32x65536xf32, #tpu.memory_space<vmem>>, vector<32x128xf32>
    %get3A_1172 = arith.constant 0 : index
    %get3A_1173 = arith.constant 35456 : index
    %get3A_1174 = vector.load %arg1[%get3A_1172, %get3A_1173] : memref<32x65536xf32, #tpu.memory_space<vmem>>, vector<32x128xf32>
    %get3A_1175 = arith.constant 0 : index
    %get3A_1176 = arith.constant 35584 : index
    %get3A_1177 = vector.load %arg1[%get3A_1175, %get3A_1176] : memref<32x65536xf32, #tpu.memory_space<vmem>>, vector<32x128xf32>
    %get3A_1178 = arith.constant 0 : index
    %get3A_1179 = arith.constant 35712 : index
    %get3A_1180 = vector.load %arg1[%get3A_1178, %get3A_1179] : memref<32x65536xf32, #tpu.memory_space<vmem>>, vector<32x128xf32>
    %concatenate3A_1181 = tpu.concatenate %get3A_1171, %get3A_1174, %get3A_1177, %get3A_1180 in 0 : vector<32x128xf32>, vector<32x128xf32>, vector<32x128xf32>, vector<32x128xf32> -> vector<128x128xf32>
    %transpose3A_1182 = tpu.transpose %concatenate3A_1181, [1, 0] : vector<128x128xf32> -> vector<128x128xf32>
    %swap3A_1183 = arith.constant 8832 : index
    %swap3A_1184 = arith.constant 0 : index
    %swap3A_1185 = vector.load %arg2[%swap3A_1183, %swap3A_1184] : memref<16384x128xf32, #tpu.memory_space<vmem>>, vector<128x128xf32>
    tpu.vector_store %arg2[%swap3A_1183, %swap3A_1184], %transpose3A_1182 {strides = array<i32>} : memref<16384x128xf32, #tpu.memory_space<vmem>>, vector<128x128xf32>,
    %get3A_1186 = arith.constant 0 : index
    %get3A_1187 = arith.constant 35840 : index
    %get3A_1188 = vector.load %arg1[%get3A_1186, %get3A_1187] : memref<32x65536xf32, #tpu.memory_space<vmem>>, vector<32x128xf32>
    %get3A_1189 = arith.constant 0 : index
    %get3A_1190 = arith.constant 35968 : index
    %get3A_1191 = vector.load %arg1[%get3A_1189, %get3A_1190] : memref<32x65536xf32, #tpu.memory_space<vmem>>, vector<32x128xf32>
    %get3A_1192 = arith.constant 0 : index
    %get3A_1193 = arith.constant 36096 : index
    %get3A_1194 = vector.load %arg1[%get3A_1192, %get3A_1193] : memref<32x65536xf32, #tpu.memory_space<vmem>>, vector<32x128xf32>
    %get3A_1195 = arith.constant 0 : index
    %get3A_1196 = arith.constant 36224 : index
    %get3A_1197 = vector.load %arg1[%get3A_1195, %get3A_1196] : memref<32x65536xf32, #tpu.memory_space<vmem>>, vector<32x128xf32>
    %concatenate3A_1198 = tpu.concatenate %get3A_1188, %get3A_1191, %get3A_1194, %get3A_1197 in 0 : vector<32x128xf32>, vector<32x128xf32>, vector<32x128xf32>, vector<32x128xf32> -> vector<128x128xf32>
    %transpose3A_1199 = tpu.transpose %concatenate3A_1198, [1, 0] : vector<128x128xf32> -> vector<128x128xf32>
    %swap3A_1200 = arith.constant 8960 : index
    %swap3A_1201 = arith.constant 0 : index
    %swap3A_1202 = vector.load %arg2[%swap3A_1200, %swap3A_1201] : memref<16384x128xf32, #tpu.memory_space<vmem>>, vector<128x128xf32>
    tpu.vector_store %arg2[%swap3A_1200, %swap3A_1201], %transpose3A_1199 {strides = array<i32>} : memref<16384x128xf32, #tpu.memory_space<vmem>>, vector<128x128xf32>,
    %get3A_1203 = arith.constant 0 : index
    %get3A_1204 = arith.constant 36352 : index
    %get3A_1205 = vector.load %arg1[%get3A_1203, %get3A_1204] : memref<32x65536xf32, #tpu.memory_space<vmem>>, vector<32x128xf32>
    %get3A_1206 = arith.constant 0 : index
    %get3A_1207 = arith.constant 36480 : index
    %get3A_1208 = vector.load %arg1[%get3A_1206, %get3A_1207] : memref<32x65536xf32, #tpu.memory_space<vmem>>, vector<32x128xf32>
    %get3A_1209 = arith.constant 0 : index
    %get3A_1210 = arith.constant 36608 : index
    %get3A_1211 = vector.load %arg1[%get3A_1209, %get3A_1210] : memref<32x65536xf32, #tpu.memory_space<vmem>>, vector<32x128xf32>
    %get3A_1212 = arith.constant 0 : index
    %get3A_1213 = arith.constant 36736 : index
    %get3A_1214 = vector.load %arg1[%get3A_1212, %get3A_1213] : memref<32x65536xf32, #tpu.memory_space<vmem>>, vector<32x128xf32>
    %concatenate3A_1215 = tpu.concatenate %get3A_1205, %get3A_1208, %get3A_1211, %get3A_1214 in 0 : vector<32x128xf32>, vector<32x128xf32>, vector<32x128xf32>, vector<32x128xf32> -> vector<128x128xf32>
    %transpose3A_1216 = tpu.transpose %concatenate3A_1215, [1, 0] : vector<128x128xf32> -> vector<128x128xf32>
    %swap3A_1217 = arith.constant 9088 : index
    %swap3A_1218 = arith.constant 0 : index
    %swap3A_1219 = vector.load %arg2[%swap3A_1217, %swap3A_1218] : memref<16384x128xf32, #tpu.memory_space<vmem>>, vector<128x128xf32>
    tpu.vector_store %arg2[%swap3A_1217, %swap3A_1218], %transpose3A_1216 {strides = array<i32>} : memref<16384x128xf32, #tpu.memory_space<vmem>>, vector<128x128xf32>,
    %get3A_1220 = arith.constant 0 : index
    %get3A_1221 = arith.constant 36864 : index
    %get3A_1222 = vector.load %arg1[%get3A_1220, %get3A_1221] : memref<32x65536xf32, #tpu.memory_space<vmem>>, vector<32x128xf32>
    %get3A_1223 = arith.constant 0 : index
    %get3A_1224 = arith.constant 36992 : index
    %get3A_1225 = vector.load %arg1[%get3A_1223, %get3A_1224] : memref<32x65536xf32, #tpu.memory_space<vmem>>, vector<32x128xf32>
    %get3A_1226 = arith.constant 0 : index
    %get3A_1227 = arith.constant 37120 : index
    %get3A_1228 = vector.load %arg1[%get3A_1226, %get3A_1227] : memref<32x65536xf32, #tpu.memory_space<vmem>>, vector<32x128xf32>
    %get3A_1229 = arith.constant 0 : index
    %get3A_1230 = arith.constant 37248 : index
    %get3A_1231 = vector.load %arg1[%get3A_1229, %get3A_1230] : memref<32x65536xf32, #tpu.memory_space<vmem>>, vector<32x128xf32>
    %concatenate3A_1232 = tpu.concatenate %get3A_1222, %get3A_1225, %get3A_1228, %get3A_1231 in 0 : vector<32x128xf32>, vector<32x128xf32>, vector<32x128xf32>, vector<32x128xf32> -> vector<128x128xf32>
    %transpose3A_1233 = tpu.transpose %concatenate3A_1232, [1, 0] : vector<128x128xf32> -> vector<128x128xf32>
    %swap3A_1234 = arith.constant 9216 : index
    %swap3A_1235 = arith.constant 0 : index
    %swap3A_1236 = vector.load %arg2[%swap3A_1234, %swap3A_1235] : memref<16384x128xf32, #tpu.memory_space<vmem>>, vector<128x128xf32>
    tpu.vector_store %arg2[%swap3A_1234, %swap3A_1235], %transpose3A_1233 {strides = array<i32>} : memref<16384x128xf32, #tpu.memory_space<vmem>>, vector<128x128xf32>,
    %get3A_1237 = arith.constant 0 : index
    %get3A_1238 = arith.constant 37376 : index
    %get3A_1239 = vector.load %arg1[%get3A_1237, %get3A_1238] : memref<32x65536xf32, #tpu.memory_space<vmem>>, vector<32x128xf32>
    %get3A_1240 = arith.constant 0 : index
    %get3A_1241 = arith.constant 37504 : index
    %get3A_1242 = vector.load %arg1[%get3A_1240, %get3A_1241] : memref<32x65536xf32, #tpu.memory_space<vmem>>, vector<32x128xf32>
    %get3A_1243 = arith.constant 0 : index
    %get3A_1244 = arith.constant 37632 : index
    %get3A_1245 = vector.load %arg1[%get3A_1243, %get3A_1244] : memref<32x65536xf32, #tpu.memory_space<vmem>>, vector<32x128xf32>
    %get3A_1246 = arith.constant 0 : index
    %get3A_1247 = arith.constant 37760 : index
    %get3A_1248 = vector.load %arg1[%get3A_1246, %get3A_1247] : memref<32x65536xf32, #tpu.memory_space<vmem>>, vector<32x128xf32>
    %concatenate3A_1249 = tpu.concatenate %get3A_1239, %get3A_1242, %get3A_1245, %get3A_1248 in 0 : vector<32x128xf32>, vector<32x128xf32>, vector<32x128xf32>, vector<32x128xf32> -> vector<128x128xf32>
    %transpose3A_1250 = tpu.transpose %concatenate3A_1249, [1, 0] : vector<128x128xf32> -> vector<128x128xf32>
    %swap3A_1251 = arith.constant 9344 : index
    %swap3A_1252 = arith.constant 0 : index
    %swap3A_1253 = vector.load %arg2[%swap3A_1251, %swap3A_1252] : memref<16384x128xf32, #tpu.memory_space<vmem>>, vector<128x128xf32>
    tpu.vector_store %arg2[%swap3A_1251, %swap3A_1252], %transpose3A_1250 {strides = array<i32>} : memref<16384x128xf32, #tpu.memory_space<vmem>>, vector<128x128xf32>,
    %get3A_1254 = arith.constant 0 : index
    %get3A_1255 = arith.constant 37888 : index
    %get3A_1256 = vector.load %arg1[%get3A_1254, %get3A_1255] : memref<32x65536xf32, #tpu.memory_space<vmem>>, vector<32x128xf32>
    %get3A_1257 = arith.constant 0 : index
    %get3A_1258 = arith.constant 38016 : index
    %get3A_1259 = vector.load %arg1[%get3A_1257, %get3A_1258] : memref<32x65536xf32, #tpu.memory_space<vmem>>, vector<32x128xf32>
    %get3A_1260 = arith.constant 0 : index
    %get3A_1261 = arith.constant 38144 : index
    %get3A_1262 = vector.load %arg1[%get3A_1260, %get3A_1261] : memref<32x65536xf32, #tpu.memory_space<vmem>>, vector<32x128xf32>
    %get3A_1263 = arith.constant 0 : index
    %get3A_1264 = arith.constant 38272 : index
    %get3A_1265 = vector.load %arg1[%get3A_1263, %get3A_1264] : memref<32x65536xf32, #tpu.memory_space<vmem>>, vector<32x128xf32>
    %concatenate3A_1266 = tpu.concatenate %get3A_1256, %get3A_1259, %get3A_1262, %get3A_1265 in 0 : vector<32x128xf32>, vector<32x128xf32>, vector<32x128xf32>, vector<32x128xf32> -> vector<128x128xf32>
    %transpose3A_1267 = tpu.transpose %concatenate3A_1266, [1, 0] : vector<128x128xf32> -> vector<128x128xf32>
    %swap3A_1268 = arith.constant 9472 : index
    %swap3A_1269 = arith.constant 0 : index
    %swap3A_1270 = vector.load %arg2[%swap3A_1268, %swap3A_1269] : memref<16384x128xf32, #tpu.memory_space<vmem>>, vector<128x128xf32>
    tpu.vector_store %arg2[%swap3A_1268, %swap3A_1269], %transpose3A_1267 {strides = array<i32>} : memref<16384x128xf32, #tpu.memory_space<vmem>>, vector<128x128xf32>,
    %get3A_1271 = arith.constant 0 : index
    %get3A_1272 = arith.constant 38400 : index
    %get3A_1273 = vector.load %arg1[%get3A_1271, %get3A_1272] : memref<32x65536xf32, #tpu.memory_space<vmem>>, vector<32x128xf32>
    %get3A_1274 = arith.constant 0 : index
    %get3A_1275 = arith.constant 38528 : index
    %get3A_1276 = vector.load %arg1[%get3A_1274, %get3A_1275] : memref<32x65536xf32, #tpu.memory_space<vmem>>, vector<32x128xf32>
    %get3A_1277 = arith.constant 0 : index
    %get3A_1278 = arith.constant 38656 : index
    %get3A_1279 = vector.load %arg1[%get3A_1277, %get3A_1278] : memref<32x65536xf32, #tpu.memory_space<vmem>>, vector<32x128xf32>
    %get3A_1280 = arith.constant 0 : index
    %get3A_1281 = arith.constant 38784 : index
    %get3A_1282 = vector.load %arg1[%get3A_1280, %get3A_1281] : memref<32x65536xf32, #tpu.memory_space<vmem>>, vector<32x128xf32>
    %concatenate3A_1283 = tpu.concatenate %get3A_1273, %get3A_1276, %get3A_1279, %get3A_1282 in 0 : vector<32x128xf32>, vector<32x128xf32>, vector<32x128xf32>, vector<32x128xf32> -> vector<128x128xf32>
    %transpose3A_1284 = tpu.transpose %concatenate3A_1283, [1, 0] : vector<128x128xf32> -> vector<128x128xf32>
    %swap3A_1285 = arith.constant 9600 : index
    %swap3A_1286 = arith.constant 0 : index
    %swap3A_1287 = vector.load %arg2[%swap3A_1285, %swap3A_1286] : memref<16384x128xf32, #tpu.memory_space<vmem>>, vector<128x128xf32>
    tpu.vector_store %arg2[%swap3A_1285, %swap3A_1286], %transpose3A_1284 {strides = array<i32>} : memref<16384x128xf32, #tpu.memory_space<vmem>>, vector<128x128xf32>,
    %get3A_1288 = arith.constant 0 : index
    %get3A_1289 = arith.constant 38912 : index
    %get3A_1290 = vector.load %arg1[%get3A_1288, %get3A_1289] : memref<32x65536xf32, #tpu.memory_space<vmem>>, vector<32x128xf32>
    %get3A_1291 = arith.constant 0 : index
    %get3A_1292 = arith.constant 39040 : index
    %get3A_1293 = vector.load %arg1[%get3A_1291, %get3A_1292] : memref<32x65536xf32, #tpu.memory_space<vmem>>, vector<32x128xf32>
    %get3A_1294 = arith.constant 0 : index
    %get3A_1295 = arith.constant 39168 : index
    %get3A_1296 = vector.load %arg1[%get3A_1294, %get3A_1295] : memref<32x65536xf32, #tpu.memory_space<vmem>>, vector<32x128xf32>
    %get3A_1297 = arith.constant 0 : index
    %get3A_1298 = arith.constant 39296 : index
    %get3A_1299 = vector.load %arg1[%get3A_1297, %get3A_1298] : memref<32x65536xf32, #tpu.memory_space<vmem>>, vector<32x128xf32>
    %concatenate3A_1300 = tpu.concatenate %get3A_1290, %get3A_1293, %get3A_1296, %get3A_1299 in 0 : vector<32x128xf32>, vector<32x128xf32>, vector<32x128xf32>, vector<32x128xf32> -> vector<128x128xf32>
    %transpose3A_1301 = tpu.transpose %concatenate3A_1300, [1, 0] : vector<128x128xf32> -> vector<128x128xf32>
    %swap3A_1302 = arith.constant 9728 : index
    %swap3A_1303 = arith.constant 0 : index
    %swap3A_1304 = vector.load %arg2[%swap3A_1302, %swap3A_1303] : memref<16384x128xf32, #tpu.memory_space<vmem>>, vector<128x128xf32>
    tpu.vector_store %arg2[%swap3A_1302, %swap3A_1303], %transpose3A_1301 {strides = array<i32>} : memref<16384x128xf32, #tpu.memory_space<vmem>>, vector<128x128xf32>,
    %get3A_1305 = arith.constant 0 : index
    %get3A_1306 = arith.constant 39424 : index
    %get3A_1307 = vector.load %arg1[%get3A_1305, %get3A_1306] : memref<32x65536xf32, #tpu.memory_space<vmem>>, vector<32x128xf32>
    %get3A_1308 = arith.constant 0 : index
    %get3A_1309 = arith.constant 39552 : index
    %get3A_1310 = vector.load %arg1[%get3A_1308, %get3A_1309] : memref<32x65536xf32, #tpu.memory_space<vmem>>, vector<32x128xf32>
    %get3A_1311 = arith.constant 0 : index
    %get3A_1312 = arith.constant 39680 : index
    %get3A_1313 = vector.load %arg1[%get3A_1311, %get3A_1312] : memref<32x65536xf32, #tpu.memory_space<vmem>>, vector<32x128xf32>
    %get3A_1314 = arith.constant 0 : index
    %get3A_1315 = arith.constant 39808 : index
    %get3A_1316 = vector.load %arg1[%get3A_1314, %get3A_1315] : memref<32x65536xf32, #tpu.memory_space<vmem>>, vector<32x128xf32>
    %concatenate3A_1317 = tpu.concatenate %get3A_1307, %get3A_1310, %get3A_1313, %get3A_1316 in 0 : vector<32x128xf32>, vector<32x128xf32>, vector<32x128xf32>, vector<32x128xf32> -> vector<128x128xf32>
    %transpose3A_1318 = tpu.transpose %concatenate3A_1317, [1, 0] : vector<128x128xf32> -> vector<128x128xf32>
    %swap3A_1319 = arith.constant 9856 : index
    %swap3A_1320 = arith.constant 0 : index
    %swap3A_1321 = vector.load %arg2[%swap3A_1319, %swap3A_1320] : memref<16384x128xf32, #tpu.memory_space<vmem>>, vector<128x128xf32>
    tpu.vector_store %arg2[%swap3A_1319, %swap3A_1320], %transpose3A_1318 {strides = array<i32>} : memref<16384x128xf32, #tpu.memory_space<vmem>>, vector<128x128xf32>,
    %get3A_1322 = arith.constant 0 : index
    %get3A_1323 = arith.constant 39936 : index
    %get3A_1324 = vector.load %arg1[%get3A_1322, %get3A_1323] : memref<32x65536xf32, #tpu.memory_space<vmem>>, vector<32x128xf32>
    %get3A_1325 = arith.constant 0 : index
    %get3A_1326 = arith.constant 40064 : index
    %get3A_1327 = vector.load %arg1[%get3A_1325, %get3A_1326] : memref<32x65536xf32, #tpu.memory_space<vmem>>, vector<32x128xf32>
    %get3A_1328 = arith.constant 0 : index
    %get3A_1329 = arith.constant 40192 : index
    %get3A_1330 = vector.load %arg1[%get3A_1328, %get3A_1329] : memref<32x65536xf32, #tpu.memory_space<vmem>>, vector<32x128xf32>
    %get3A_1331 = arith.constant 0 : index
    %get3A_1332 = arith.constant 40320 : index
    %get3A_1333 = vector.load %arg1[%get3A_1331, %get3A_1332] : memref<32x65536xf32, #tpu.memory_space<vmem>>, vector<32x128xf32>
    %concatenate3A_1334 = tpu.concatenate %get3A_1324, %get3A_1327, %get3A_1330, %get3A_1333 in 0 : vector<32x128xf32>, vector<32x128xf32>, vector<32x128xf32>, vector<32x128xf32> -> vector<128x128xf32>
    %transpose3A_1335 = tpu.transpose %concatenate3A_1334, [1, 0] : vector<128x128xf32> -> vector<128x128xf32>
    %swap3A_1336 = arith.constant 9984 : index
    %swap3A_1337 = arith.constant 0 : index
    %swap3A_1338 = vector.load %arg2[%swap3A_1336, %swap3A_1337] : memref<16384x128xf32, #tpu.memory_space<vmem>>, vector<128x128xf32>
    tpu.vector_store %arg2[%swap3A_1336, %swap3A_1337], %transpose3A_1335 {strides = array<i32>} : memref<16384x128xf32, #tpu.memory_space<vmem>>, vector<128x128xf32>,
    %get3A_1339 = arith.constant 0 : index
    %get3A_1340 = arith.constant 40448 : index
    %get3A_1341 = vector.load %arg1[%get3A_1339, %get3A_1340] : memref<32x65536xf32, #tpu.memory_space<vmem>>, vector<32x128xf32>
    %get3A_1342 = arith.constant 0 : index
    %get3A_1343 = arith.constant 40576 : index
    %get3A_1344 = vector.load %arg1[%get3A_1342, %get3A_1343] : memref<32x65536xf32, #tpu.memory_space<vmem>>, vector<32x128xf32>
    %get3A_1345 = arith.constant 0 : index
    %get3A_1346 = arith.constant 40704 : index
    %get3A_1347 = vector.load %arg1[%get3A_1345, %get3A_1346] : memref<32x65536xf32, #tpu.memory_space<vmem>>, vector<32x128xf32>
    %get3A_1348 = arith.constant 0 : index
    %get3A_1349 = arith.constant 40832 : index
    %get3A_1350 = vector.load %arg1[%get3A_1348, %get3A_1349] : memref<32x65536xf32, #tpu.memory_space<vmem>>, vector<32x128xf32>
    %concatenate3A_1351 = tpu.concatenate %get3A_1341, %get3A_1344, %get3A_1347, %get3A_1350 in 0 : vector<32x128xf32>, vector<32x128xf32>, vector<32x128xf32>, vector<32x128xf32> -> vector<128x128xf32>
    %transpose3A_1352 = tpu.transpose %concatenate3A_1351, [1, 0] : vector<128x128xf32> -> vector<128x128xf32>
    %swap3A_1353 = arith.constant 10112 : index
    %swap3A_1354 = arith.constant 0 : index
    %swap3A_1355 = vector.load %arg2[%swap3A_1353, %swap3A_1354] : memref<16384x128xf32, #tpu.memory_space<vmem>>, vector<128x128xf32>
    tpu.vector_store %arg2[%swap3A_1353, %swap3A_1354], %transpose3A_1352 {strides = array<i32>} : memref<16384x128xf32, #tpu.memory_space<vmem>>, vector<128x128xf32>,
    %get3A_1356 = arith.constant 0 : index
    %get3A_1357 = arith.constant 40960 : index
    %get3A_1358 = vector.load %arg1[%get3A_1356, %get3A_1357] : memref<32x65536xf32, #tpu.memory_space<vmem>>, vector<32x128xf32>
    %get3A_1359 = arith.constant 0 : index
    %get3A_1360 = arith.constant 41088 : index
    %get3A_1361 = vector.load %arg1[%get3A_1359, %get3A_1360] : memref<32x65536xf32, #tpu.memory_space<vmem>>, vector<32x128xf32>
    %get3A_1362 = arith.constant 0 : index
    %get3A_1363 = arith.constant 41216 : index
    %get3A_1364 = vector.load %arg1[%get3A_1362, %get3A_1363] : memref<32x65536xf32, #tpu.memory_space<vmem>>, vector<32x128xf32>
    %get3A_1365 = arith.constant 0 : index
    %get3A_1366 = arith.constant 41344 : index
    %get3A_1367 = vector.load %arg1[%get3A_1365, %get3A_1366] : memref<32x65536xf32, #tpu.memory_space<vmem>>, vector<32x128xf32>
    %concatenate3A_1368 = tpu.concatenate %get3A_1358, %get3A_1361, %get3A_1364, %get3A_1367 in 0 : vector<32x128xf32>, vector<32x128xf32>, vector<32x128xf32>, vector<32x128xf32> -> vector<128x128xf32>
    %transpose3A_1369 = tpu.transpose %concatenate3A_1368, [1, 0] : vector<128x128xf32> -> vector<128x128xf32>
    %swap3A_1370 = arith.constant 10240 : index
    %swap3A_1371 = arith.constant 0 : index
    %swap3A_1372 = vector.load %arg2[%swap3A_1370, %swap3A_1371] : memref<16384x128xf32, #tpu.memory_space<vmem>>, vector<128x128xf32>
    tpu.vector_store %arg2[%swap3A_1370, %swap3A_1371], %transpose3A_1369 {strides = array<i32>} : memref<16384x128xf32, #tpu.memory_space<vmem>>, vector<128x128xf32>,
    %get3A_1373 = arith.constant 0 : index
    %get3A_1374 = arith.constant 41472 : index
    %get3A_1375 = vector.load %arg1[%get3A_1373, %get3A_1374] : memref<32x65536xf32, #tpu.memory_space<vmem>>, vector<32x128xf32>
    %get3A_1376 = arith.constant 0 : index
    %get3A_1377 = arith.constant 41600 : index
    %get3A_1378 = vector.load %arg1[%get3A_1376, %get3A_1377] : memref<32x65536xf32, #tpu.memory_space<vmem>>, vector<32x128xf32>
    %get3A_1379 = arith.constant 0 : index
    %get3A_1380 = arith.constant 41728 : index
    %get3A_1381 = vector.load %arg1[%get3A_1379, %get3A_1380] : memref<32x65536xf32, #tpu.memory_space<vmem>>, vector<32x128xf32>
    %get3A_1382 = arith.constant 0 : index
    %get3A_1383 = arith.constant 41856 : index
    %get3A_1384 = vector.load %arg1[%get3A_1382, %get3A_1383] : memref<32x65536xf32, #tpu.memory_space<vmem>>, vector<32x128xf32>
    %concatenate3A_1385 = tpu.concatenate %get3A_1375, %get3A_1378, %get3A_1381, %get3A_1384 in 0 : vector<32x128xf32>, vector<32x128xf32>, vector<32x128xf32>, vector<32x128xf32> -> vector<128x128xf32>
    %transpose3A_1386 = tpu.transpose %concatenate3A_1385, [1, 0] : vector<128x128xf32> -> vector<128x128xf32>
    %swap3A_1387 = arith.constant 10368 : index
    %swap3A_1388 = arith.constant 0 : index
    %swap3A_1389 = vector.load %arg2[%swap3A_1387, %swap3A_1388] : memref<16384x128xf32, #tpu.memory_space<vmem>>, vector<128x128xf32>
    tpu.vector_store %arg2[%swap3A_1387, %swap3A_1388], %transpose3A_1386 {strides = array<i32>} : memref<16384x128xf32, #tpu.memory_space<vmem>>, vector<128x128xf32>,
    %get3A_1390 = arith.constant 0 : index
    %get3A_1391 = arith.constant 41984 : index
    %get3A_1392 = vector.load %arg1[%get3A_1390, %get3A_1391] : memref<32x65536xf32, #tpu.memory_space<vmem>>, vector<32x128xf32>
    %get3A_1393 = arith.constant 0 : index
    %get3A_1394 = arith.constant 42112 : index
    %get3A_1395 = vector.load %arg1[%get3A_1393, %get3A_1394] : memref<32x65536xf32, #tpu.memory_space<vmem>>, vector<32x128xf32>
    %get3A_1396 = arith.constant 0 : index
    %get3A_1397 = arith.constant 42240 : index
    %get3A_1398 = vector.load %arg1[%get3A_1396, %get3A_1397] : memref<32x65536xf32, #tpu.memory_space<vmem>>, vector<32x128xf32>
    %get3A_1399 = arith.constant 0 : index
    %get3A_1400 = arith.constant 42368 : index
    %get3A_1401 = vector.load %arg1[%get3A_1399, %get3A_1400] : memref<32x65536xf32, #tpu.memory_space<vmem>>, vector<32x128xf32>
    %concatenate3A_1402 = tpu.concatenate %get3A_1392, %get3A_1395, %get3A_1398, %get3A_1401 in 0 : vector<32x128xf32>, vector<32x128xf32>, vector<32x128xf32>, vector<32x128xf32> -> vector<128x128xf32>
    %transpose3A_1403 = tpu.transpose %concatenate3A_1402, [1, 0] : vector<128x128xf32> -> vector<128x128xf32>
    %swap3A_1404 = arith.constant 10496 : index
    %swap3A_1405 = arith.constant 0 : index
    %swap3A_1406 = vector.load %arg2[%swap3A_1404, %swap3A_1405] : memref<16384x128xf32, #tpu.memory_space<vmem>>, vector<128x128xf32>
    tpu.vector_store %arg2[%swap3A_1404, %swap3A_1405], %transpose3A_1403 {strides = array<i32>} : memref<16384x128xf32, #tpu.memory_space<vmem>>, vector<128x128xf32>,
    %get3A_1407 = arith.constant 0 : index
    %get3A_1408 = arith.constant 42496 : index
    %get3A_1409 = vector.load %arg1[%get3A_1407, %get3A_1408] : memref<32x65536xf32, #tpu.memory_space<vmem>>, vector<32x128xf32>
    %get3A_1410 = arith.constant 0 : index
    %get3A_1411 = arith.constant 42624 : index
    %get3A_1412 = vector.load %arg1[%get3A_1410, %get3A_1411] : memref<32x65536xf32, #tpu.memory_space<vmem>>, vector<32x128xf32>
    %get3A_1413 = arith.constant 0 : index
    %get3A_1414 = arith.constant 42752 : index
    %get3A_1415 = vector.load %arg1[%get3A_1413, %get3A_1414] : memref<32x65536xf32, #tpu.memory_space<vmem>>, vector<32x128xf32>
    %get3A_1416 = arith.constant 0 : index
    %get3A_1417 = arith.constant 42880 : index
    %get3A_1418 = vector.load %arg1[%get3A_1416, %get3A_1417] : memref<32x65536xf32, #tpu.memory_space<vmem>>, vector<32x128xf32>
    %concatenate3A_1419 = tpu.concatenate %get3A_1409, %get3A_1412, %get3A_1415, %get3A_1418 in 0 : vector<32x128xf32>, vector<32x128xf32>, vector<32x128xf32>, vector<32x128xf32> -> vector<128x128xf32>
    %transpose3A_1420 = tpu.transpose %concatenate3A_1419, [1, 0] : vector<128x128xf32> -> vector<128x128xf32>
    %swap3A_1421 = arith.constant 10624 : index
    %swap3A_1422 = arith.constant 0 : index
    %swap3A_1423 = vector.load %arg2[%swap3A_1421, %swap3A_1422] : memref<16384x128xf32, #tpu.memory_space<vmem>>, vector<128x128xf32>
    tpu.vector_store %arg2[%swap3A_1421, %swap3A_1422], %transpose3A_1420 {strides = array<i32>} : memref<16384x128xf32, #tpu.memory_space<vmem>>, vector<128x128xf32>,
    %get3A_1424 = arith.constant 0 : index
    %get3A_1425 = arith.constant 43008 : index
    %get3A_1426 = vector.load %arg1[%get3A_1424, %get3A_1425] : memref<32x65536xf32, #tpu.memory_space<vmem>>, vector<32x128xf32>
    %get3A_1427 = arith.constant 0 : index
    %get3A_1428 = arith.constant 43136 : index
    %get3A_1429 = vector.load %arg1[%get3A_1427, %get3A_1428] : memref<32x65536xf32, #tpu.memory_space<vmem>>, vector<32x128xf32>
    %get3A_1430 = arith.constant 0 : index
    %get3A_1431 = arith.constant 43264 : index
    %get3A_1432 = vector.load %arg1[%get3A_1430, %get3A_1431] : memref<32x65536xf32, #tpu.memory_space<vmem>>, vector<32x128xf32>
    %get3A_1433 = arith.constant 0 : index
    %get3A_1434 = arith.constant 43392 : index
    %get3A_1435 = vector.load %arg1[%get3A_1433, %get3A_1434] : memref<32x65536xf32, #tpu.memory_space<vmem>>, vector<32x128xf32>
    %concatenate3A_1436 = tpu.concatenate %get3A_1426, %get3A_1429, %get3A_1432, %get3A_1435 in 0 : vector<32x128xf32>, vector<32x128xf32>, vector<32x128xf32>, vector<32x128xf32> -> vector<128x128xf32>
    %transpose3A_1437 = tpu.transpose %concatenate3A_1436, [1, 0] : vector<128x128xf32> -> vector<128x128xf32>
    %swap3A_1438 = arith.constant 10752 : index
    %swap3A_1439 = arith.constant 0 : index
    %swap3A_1440 = vector.load %arg2[%swap3A_1438, %swap3A_1439] : memref<16384x128xf32, #tpu.memory_space<vmem>>, vector<128x128xf32>
    tpu.vector_store %arg2[%swap3A_1438, %swap3A_1439], %transpose3A_1437 {strides = array<i32>} : memref<16384x128xf32, #tpu.memory_space<vmem>>, vector<128x128xf32>,
    %get3A_1441 = arith.constant 0 : index
    %get3A_1442 = arith.constant 43520 : index
    %get3A_1443 = vector.load %arg1[%get3A_1441, %get3A_1442] : memref<32x65536xf32, #tpu.memory_space<vmem>>, vector<32x128xf32>
    %get3A_1444 = arith.constant 0 : index
    %get3A_1445 = arith.constant 43648 : index
    %get3A_1446 = vector.load %arg1[%get3A_1444, %get3A_1445] : memref<32x65536xf32, #tpu.memory_space<vmem>>, vector<32x128xf32>
    %get3A_1447 = arith.constant 0 : index
    %get3A_1448 = arith.constant 43776 : index
    %get3A_1449 = vector.load %arg1[%get3A_1447, %get3A_1448] : memref<32x65536xf32, #tpu.memory_space<vmem>>, vector<32x128xf32>
    %get3A_1450 = arith.constant 0 : index
    %get3A_1451 = arith.constant 43904 : index
    %get3A_1452 = vector.load %arg1[%get3A_1450, %get3A_1451] : memref<32x65536xf32, #tpu.memory_space<vmem>>, vector<32x128xf32>
    %concatenate3A_1453 = tpu.concatenate %get3A_1443, %get3A_1446, %get3A_1449, %get3A_1452 in 0 : vector<32x128xf32>, vector<32x128xf32>, vector<32x128xf32>, vector<32x128xf32> -> vector<128x128xf32>
    %transpose3A_1454 = tpu.transpose %concatenate3A_1453, [1, 0] : vector<128x128xf32> -> vector<128x128xf32>
    %swap3A_1455 = arith.constant 10880 : index
    %swap3A_1456 = arith.constant 0 : index
    %swap3A_1457 = vector.load %arg2[%swap3A_1455, %swap3A_1456] : memref<16384x128xf32, #tpu.memory_space<vmem>>, vector<128x128xf32>
    tpu.vector_store %arg2[%swap3A_1455, %swap3A_1456], %transpose3A_1454 {strides = array<i32>} : memref<16384x128xf32, #tpu.memory_space<vmem>>, vector<128x128xf32>,
    %get3A_1458 = arith.constant 0 : index
    %get3A_1459 = arith.constant 44032 : index
    %get3A_1460 = vector.load %arg1[%get3A_1458, %get3A_1459] : memref<32x65536xf32, #tpu.memory_space<vmem>>, vector<32x128xf32>
    %get3A_1461 = arith.constant 0 : index
    %get3A_1462 = arith.constant 44160 : index
    %get3A_1463 = vector.load %arg1[%get3A_1461, %get3A_1462] : memref<32x65536xf32, #tpu.memory_space<vmem>>, vector<32x128xf32>
    %get3A_1464 = arith.constant 0 : index
    %get3A_1465 = arith.constant 44288 : index
    %get3A_1466 = vector.load %arg1[%get3A_1464, %get3A_1465] : memref<32x65536xf32, #tpu.memory_space<vmem>>, vector<32x128xf32>
    %get3A_1467 = arith.constant 0 : index
    %get3A_1468 = arith.constant 44416 : index
    %get3A_1469 = vector.load %arg1[%get3A_1467, %get3A_1468] : memref<32x65536xf32, #tpu.memory_space<vmem>>, vector<32x128xf32>
    %concatenate3A_1470 = tpu.concatenate %get3A_1460, %get3A_1463, %get3A_1466, %get3A_1469 in 0 : vector<32x128xf32>, vector<32x128xf32>, vector<32x128xf32>, vector<32x128xf32> -> vector<128x128xf32>
    %transpose3A_1471 = tpu.transpose %concatenate3A_1470, [1, 0] : vector<128x128xf32> -> vector<128x128xf32>
    %swap3A_1472 = arith.constant 11008 : index
    %swap3A_1473 = arith.constant 0 : index
    %swap3A_1474 = vector.load %arg2[%swap3A_1472, %swap3A_1473] : memref<16384x128xf32, #tpu.memory_space<vmem>>, vector<128x128xf32>
    tpu.vector_store %arg2[%swap3A_1472, %swap3A_1473], %transpose3A_1471 {strides = array<i32>} : memref<16384x128xf32, #tpu.memory_space<vmem>>, vector<128x128xf32>,
    %get3A_1475 = arith.constant 0 : index
    %get3A_1476 = arith.constant 44544 : index
    %get3A_1477 = vector.load %arg1[%get3A_1475, %get3A_1476] : memref<32x65536xf32, #tpu.memory_space<vmem>>, vector<32x128xf32>
    %get3A_1478 = arith.constant 0 : index
    %get3A_1479 = arith.constant 44672 : index
    %get3A_1480 = vector.load %arg1[%get3A_1478, %get3A_1479] : memref<32x65536xf32, #tpu.memory_space<vmem>>, vector<32x128xf32>
    %get3A_1481 = arith.constant 0 : index
    %get3A_1482 = arith.constant 44800 : index
    %get3A_1483 = vector.load %arg1[%get3A_1481, %get3A_1482] : memref<32x65536xf32, #tpu.memory_space<vmem>>, vector<32x128xf32>
    %get3A_1484 = arith.constant 0 : index
    %get3A_1485 = arith.constant 44928 : index
    %get3A_1486 = vector.load %arg1[%get3A_1484, %get3A_1485] : memref<32x65536xf32, #tpu.memory_space<vmem>>, vector<32x128xf32>
    %concatenate3A_1487 = tpu.concatenate %get3A_1477, %get3A_1480, %get3A_1483, %get3A_1486 in 0 : vector<32x128xf32>, vector<32x128xf32>, vector<32x128xf32>, vector<32x128xf32> -> vector<128x128xf32>
    %transpose3A_1488 = tpu.transpose %concatenate3A_1487, [1, 0] : vector<128x128xf32> -> vector<128x128xf32>
    %swap3A_1489 = arith.constant 11136 : index
    %swap3A_1490 = arith.constant 0 : index
    %swap3A_1491 = vector.load %arg2[%swap3A_1489, %swap3A_1490] : memref<16384x128xf32, #tpu.memory_space<vmem>>, vector<128x128xf32>
    tpu.vector_store %arg2[%swap3A_1489, %swap3A_1490], %transpose3A_1488 {strides = array<i32>} : memref<16384x128xf32, #tpu.memory_space<vmem>>, vector<128x128xf32>,
    %get3A_1492 = arith.constant 0 : index
    %get3A_1493 = arith.constant 45056 : index
    %get3A_1494 = vector.load %arg1[%get3A_1492, %get3A_1493] : memref<32x65536xf32, #tpu.memory_space<vmem>>, vector<32x128xf32>
    %get3A_1495 = arith.constant 0 : index
    %get3A_1496 = arith.constant 45184 : index
    %get3A_1497 = vector.load %arg1[%get3A_1495, %get3A_1496] : memref<32x65536xf32, #tpu.memory_space<vmem>>, vector<32x128xf32>
    %get3A_1498 = arith.constant 0 : index
    %get3A_1499 = arith.constant 45312 : index
    %get3A_1500 = vector.load %arg1[%get3A_1498, %get3A_1499] : memref<32x65536xf32, #tpu.memory_space<vmem>>, vector<32x128xf32>
    %get3A_1501 = arith.constant 0 : index
    %get3A_1502 = arith.constant 45440 : index
    %get3A_1503 = vector.load %arg1[%get3A_1501, %get3A_1502] : memref<32x65536xf32, #tpu.memory_space<vmem>>, vector<32x128xf32>
    %concatenate3A_1504 = tpu.concatenate %get3A_1494, %get3A_1497, %get3A_1500, %get3A_1503 in 0 : vector<32x128xf32>, vector<32x128xf32>, vector<32x128xf32>, vector<32x128xf32> -> vector<128x128xf32>
    %transpose3A_1505 = tpu.transpose %concatenate3A_1504, [1, 0] : vector<128x128xf32> -> vector<128x128xf32>
    %swap3A_1506 = arith.constant 11264 : index
    %swap3A_1507 = arith.constant 0 : index
    %swap3A_1508 = vector.load %arg2[%swap3A_1506, %swap3A_1507] : memref<16384x128xf32, #tpu.memory_space<vmem>>, vector<128x128xf32>
    tpu.vector_store %arg2[%swap3A_1506, %swap3A_1507], %transpose3A_1505 {strides = array<i32>} : memref<16384x128xf32, #tpu.memory_space<vmem>>, vector<128x128xf32>,
    %get3A_1509 = arith.constant 0 : index
    %get3A_1510 = arith.constant 45568 : index
    %get3A_1511 = vector.load %arg1[%get3A_1509, %get3A_1510] : memref<32x65536xf32, #tpu.memory_space<vmem>>, vector<32x128xf32>
    %get3A_1512 = arith.constant 0 : index
    %get3A_1513 = arith.constant 45696 : index
    %get3A_1514 = vector.load %arg1[%get3A_1512, %get3A_1513] : memref<32x65536xf32, #tpu.memory_space<vmem>>, vector<32x128xf32>
    %get3A_1515 = arith.constant 0 : index
    %get3A_1516 = arith.constant 45824 : index
    %get3A_1517 = vector.load %arg1[%get3A_1515, %get3A_1516] : memref<32x65536xf32, #tpu.memory_space<vmem>>, vector<32x128xf32>
    %get3A_1518 = arith.constant 0 : index
    %get3A_1519 = arith.constant 45952 : index
    %get3A_1520 = vector.load %arg1[%get3A_1518, %get3A_1519] : memref<32x65536xf32, #tpu.memory_space<vmem>>, vector<32x128xf32>
    %concatenate3A_1521 = tpu.concatenate %get3A_1511, %get3A_1514, %get3A_1517, %get3A_1520 in 0 : vector<32x128xf32>, vector<32x128xf32>, vector<32x128xf32>, vector<32x128xf32> -> vector<128x128xf32>
    %transpose3A_1522 = tpu.transpose %concatenate3A_1521, [1, 0] : vector<128x128xf32> -> vector<128x128xf32>
    %swap3A_1523 = arith.constant 11392 : index
    %swap3A_1524 = arith.constant 0 : index
    %swap3A_1525 = vector.load %arg2[%swap3A_1523, %swap3A_1524] : memref<16384x128xf32, #tpu.memory_space<vmem>>, vector<128x128xf32>
    tpu.vector_store %arg2[%swap3A_1523, %swap3A_1524], %transpose3A_1522 {strides = array<i32>} : memref<16384x128xf32, #tpu.memory_space<vmem>>, vector<128x128xf32>,
    %get3A_1526 = arith.constant 0 : index
    %get3A_1527 = arith.constant 46080 : index
    %get3A_1528 = vector.load %arg1[%get3A_1526, %get3A_1527] : memref<32x65536xf32, #tpu.memory_space<vmem>>, vector<32x128xf32>
    %get3A_1529 = arith.constant 0 : index
    %get3A_1530 = arith.constant 46208 : index
    %get3A_1531 = vector.load %arg1[%get3A_1529, %get3A_1530] : memref<32x65536xf32, #tpu.memory_space<vmem>>, vector<32x128xf32>
    %get3A_1532 = arith.constant 0 : index
    %get3A_1533 = arith.constant 46336 : index
    %get3A_1534 = vector.load %arg1[%get3A_1532, %get3A_1533] : memref<32x65536xf32, #tpu.memory_space<vmem>>, vector<32x128xf32>
    %get3A_1535 = arith.constant 0 : index
    %get3A_1536 = arith.constant 46464 : index
    %get3A_1537 = vector.load %arg1[%get3A_1535, %get3A_1536] : memref<32x65536xf32, #tpu.memory_space<vmem>>, vector<32x128xf32>
    %concatenate3A_1538 = tpu.concatenate %get3A_1528, %get3A_1531, %get3A_1534, %get3A_1537 in 0 : vector<32x128xf32>, vector<32x128xf32>, vector<32x128xf32>, vector<32x128xf32> -> vector<128x128xf32>
    %transpose3A_1539 = tpu.transpose %concatenate3A_1538, [1, 0] : vector<128x128xf32> -> vector<128x128xf32>
    %swap3A_1540 = arith.constant 11520 : index
    %swap3A_1541 = arith.constant 0 : index
    %swap3A_1542 = vector.load %arg2[%swap3A_1540, %swap3A_1541] : memref<16384x128xf32, #tpu.memory_space<vmem>>, vector<128x128xf32>
    tpu.vector_store %arg2[%swap3A_1540, %swap3A_1541], %transpose3A_1539 {strides = array<i32>} : memref<16384x128xf32, #tpu.memory_space<vmem>>, vector<128x128xf32>,
    %get3A_1543 = arith.constant 0 : index
    %get3A_1544 = arith.constant 46592 : index
    %get3A_1545 = vector.load %arg1[%get3A_1543, %get3A_1544] : memref<32x65536xf32, #tpu.memory_space<vmem>>, vector<32x128xf32>
    %get3A_1546 = arith.constant 0 : index
    %get3A_1547 = arith.constant 46720 : index
    %get3A_1548 = vector.load %arg1[%get3A_1546, %get3A_1547] : memref<32x65536xf32, #tpu.memory_space<vmem>>, vector<32x128xf32>
    %get3A_1549 = arith.constant 0 : index
    %get3A_1550 = arith.constant 46848 : index
    %get3A_1551 = vector.load %arg1[%get3A_1549, %get3A_1550] : memref<32x65536xf32, #tpu.memory_space<vmem>>, vector<32x128xf32>
    %get3A_1552 = arith.constant 0 : index
    %get3A_1553 = arith.constant 46976 : index
    %get3A_1554 = vector.load %arg1[%get3A_1552, %get3A_1553] : memref<32x65536xf32, #tpu.memory_space<vmem>>, vector<32x128xf32>
    %concatenate3A_1555 = tpu.concatenate %get3A_1545, %get3A_1548, %get3A_1551, %get3A_1554 in 0 : vector<32x128xf32>, vector<32x128xf32>, vector<32x128xf32>, vector<32x128xf32> -> vector<128x128xf32>
    %transpose3A_1556 = tpu.transpose %concatenate3A_1555, [1, 0] : vector<128x128xf32> -> vector<128x128xf32>
    %swap3A_1557 = arith.constant 11648 : index
    %swap3A_1558 = arith.constant 0 : index
    %swap3A_1559 = vector.load %arg2[%swap3A_1557, %swap3A_1558] : memref<16384x128xf32, #tpu.memory_space<vmem>>, vector<128x128xf32>
    tpu.vector_store %arg2[%swap3A_1557, %swap3A_1558], %transpose3A_1556 {strides = array<i32>} : memref<16384x128xf32, #tpu.memory_space<vmem>>, vector<128x128xf32>,
    %get3A_1560 = arith.constant 0 : index
    %get3A_1561 = arith.constant 47104 : index
    %get3A_1562 = vector.load %arg1[%get3A_1560, %get3A_1561] : memref<32x65536xf32, #tpu.memory_space<vmem>>, vector<32x128xf32>
    %get3A_1563 = arith.constant 0 : index
    %get3A_1564 = arith.constant 47232 : index
    %get3A_1565 = vector.load %arg1[%get3A_1563, %get3A_1564] : memref<32x65536xf32, #tpu.memory_space<vmem>>, vector<32x128xf32>
    %get3A_1566 = arith.constant 0 : index
    %get3A_1567 = arith.constant 47360 : index
    %get3A_1568 = vector.load %arg1[%get3A_1566, %get3A_1567] : memref<32x65536xf32, #tpu.memory_space<vmem>>, vector<32x128xf32>
    %get3A_1569 = arith.constant 0 : index
    %get3A_1570 = arith.constant 47488 : index
    %get3A_1571 = vector.load %arg1[%get3A_1569, %get3A_1570] : memref<32x65536xf32, #tpu.memory_space<vmem>>, vector<32x128xf32>
    %concatenate3A_1572 = tpu.concatenate %get3A_1562, %get3A_1565, %get3A_1568, %get3A_1571 in 0 : vector<32x128xf32>, vector<32x128xf32>, vector<32x128xf32>, vector<32x128xf32> -> vector<128x128xf32>
    %transpose3A_1573 = tpu.transpose %concatenate3A_1572, [1, 0] : vector<128x128xf32> -> vector<128x128xf32>
    %swap3A_1574 = arith.constant 11776 : index
    %swap3A_1575 = arith.constant 0 : index
    %swap3A_1576 = vector.load %arg2[%swap3A_1574, %swap3A_1575] : memref<16384x128xf32, #tpu.memory_space<vmem>>, vector<128x128xf32>
    tpu.vector_store %arg2[%swap3A_1574, %swap3A_1575], %transpose3A_1573 {strides = array<i32>} : memref<16384x128xf32, #tpu.memory_space<vmem>>, vector<128x128xf32>,
    %get3A_1577 = arith.constant 0 : index
    %get3A_1578 = arith.constant 47616 : index
    %get3A_1579 = vector.load %arg1[%get3A_1577, %get3A_1578] : memref<32x65536xf32, #tpu.memory_space<vmem>>, vector<32x128xf32>
    %get3A_1580 = arith.constant 0 : index
    %get3A_1581 = arith.constant 47744 : index
    %get3A_1582 = vector.load %arg1[%get3A_1580, %get3A_1581] : memref<32x65536xf32, #tpu.memory_space<vmem>>, vector<32x128xf32>
    %get3A_1583 = arith.constant 0 : index
    %get3A_1584 = arith.constant 47872 : index
    %get3A_1585 = vector.load %arg1[%get3A_1583, %get3A_1584] : memref<32x65536xf32, #tpu.memory_space<vmem>>, vector<32x128xf32>
    %get3A_1586 = arith.constant 0 : index
    %get3A_1587 = arith.constant 48000 : index
    %get3A_1588 = vector.load %arg1[%get3A_1586, %get3A_1587] : memref<32x65536xf32, #tpu.memory_space<vmem>>, vector<32x128xf32>
    %concatenate3A_1589 = tpu.concatenate %get3A_1579, %get3A_1582, %get3A_1585, %get3A_1588 in 0 : vector<32x128xf32>, vector<32x128xf32>, vector<32x128xf32>, vector<32x128xf32> -> vector<128x128xf32>
    %transpose3A_1590 = tpu.transpose %concatenate3A_1589, [1, 0] : vector<128x128xf32> -> vector<128x128xf32>
    %swap3A_1591 = arith.constant 11904 : index
    %swap3A_1592 = arith.constant 0 : index
    %swap3A_1593 = vector.load %arg2[%swap3A_1591, %swap3A_1592] : memref<16384x128xf32, #tpu.memory_space<vmem>>, vector<128x128xf32>
    tpu.vector_store %arg2[%swap3A_1591, %swap3A_1592], %transpose3A_1590 {strides = array<i32>} : memref<16384x128xf32, #tpu.memory_space<vmem>>, vector<128x128xf32>,
    %get3A_1594 = arith.constant 0 : index
    %get3A_1595 = arith.constant 48128 : index
    %get3A_1596 = vector.load %arg1[%get3A_1594, %get3A_1595] : memref<32x65536xf32, #tpu.memory_space<vmem>>, vector<32x128xf32>
    %get3A_1597 = arith.constant 0 : index
    %get3A_1598 = arith.constant 48256 : index
    %get3A_1599 = vector.load %arg1[%get3A_1597, %get3A_1598] : memref<32x65536xf32, #tpu.memory_space<vmem>>, vector<32x128xf32>
    %get3A_1600 = arith.constant 0 : index
    %get3A_1601 = arith.constant 48384 : index
    %get3A_1602 = vector.load %arg1[%get3A_1600, %get3A_1601] : memref<32x65536xf32, #tpu.memory_space<vmem>>, vector<32x128xf32>
    %get3A_1603 = arith.constant 0 : index
    %get3A_1604 = arith.constant 48512 : index
    %get3A_1605 = vector.load %arg1[%get3A_1603, %get3A_1604] : memref<32x65536xf32, #tpu.memory_space<vmem>>, vector<32x128xf32>
    %concatenate3A_1606 = tpu.concatenate %get3A_1596, %get3A_1599, %get3A_1602, %get3A_1605 in 0 : vector<32x128xf32>, vector<32x128xf32>, vector<32x128xf32>, vector<32x128xf32> -> vector<128x128xf32>
    %transpose3A_1607 = tpu.transpose %concatenate3A_1606, [1, 0] : vector<128x128xf32> -> vector<128x128xf32>
    %swap3A_1608 = arith.constant 12032 : index
    %swap3A_1609 = arith.constant 0 : index
    %swap3A_1610 = vector.load %arg2[%swap3A_1608, %swap3A_1609] : memref<16384x128xf32, #tpu.memory_space<vmem>>, vector<128x128xf32>
    tpu.vector_store %arg2[%swap3A_1608, %swap3A_1609], %transpose3A_1607 {strides = array<i32>} : memref<16384x128xf32, #tpu.memory_space<vmem>>, vector<128x128xf32>,
    %get3A_1611 = arith.constant 0 : index
    %get3A_1612 = arith.constant 48640 : index
    %get3A_1613 = vector.load %arg1[%get3A_1611, %get3A_1612] : memref<32x65536xf32, #tpu.memory_space<vmem>>, vector<32x128xf32>
    %get3A_1614 = arith.constant 0 : index
    %get3A_1615 = arith.constant 48768 : index
    %get3A_1616 = vector.load %arg1[%get3A_1614, %get3A_1615] : memref<32x65536xf32, #tpu.memory_space<vmem>>, vector<32x128xf32>
    %get3A_1617 = arith.constant 0 : index
    %get3A_1618 = arith.constant 48896 : index
    %get3A_1619 = vector.load %arg1[%get3A_1617, %get3A_1618] : memref<32x65536xf32, #tpu.memory_space<vmem>>, vector<32x128xf32>
    %get3A_1620 = arith.constant 0 : index
    %get3A_1621 = arith.constant 49024 : index
    %get3A_1622 = vector.load %arg1[%get3A_1620, %get3A_1621] : memref<32x65536xf32, #tpu.memory_space<vmem>>, vector<32x128xf32>
    %concatenate3A_1623 = tpu.concatenate %get3A_1613, %get3A_1616, %get3A_1619, %get3A_1622 in 0 : vector<32x128xf32>, vector<32x128xf32>, vector<32x128xf32>, vector<32x128xf32> -> vector<128x128xf32>
    %transpose3A_1624 = tpu.transpose %concatenate3A_1623, [1, 0] : vector<128x128xf32> -> vector<128x128xf32>
    %swap3A_1625 = arith.constant 12160 : index
    %swap3A_1626 = arith.constant 0 : index
    %swap3A_1627 = vector.load %arg2[%swap3A_1625, %swap3A_1626] : memref<16384x128xf32, #tpu.memory_space<vmem>>, vector<128x128xf32>
    tpu.vector_store %arg2[%swap3A_1625, %swap3A_1626], %transpose3A_1624 {strides = array<i32>} : memref<16384x128xf32, #tpu.memory_space<vmem>>, vector<128x128xf32>,
    %get3A_1628 = arith.constant 0 : index
    %get3A_1629 = arith.constant 49152 : index
    %get3A_1630 = vector.load %arg1[%get3A_1628, %get3A_1629] : memref<32x65536xf32, #tpu.memory_space<vmem>>, vector<32x128xf32>
    %get3A_1631 = arith.constant 0 : index
    %get3A_1632 = arith.constant 49280 : index
    %get3A_1633 = vector.load %arg1[%get3A_1631, %get3A_1632] : memref<32x65536xf32, #tpu.memory_space<vmem>>, vector<32x128xf32>
    %get3A_1634 = arith.constant 0 : index
    %get3A_1635 = arith.constant 49408 : index
    %get3A_1636 = vector.load %arg1[%get3A_1634, %get3A_1635] : memref<32x65536xf32, #tpu.memory_space<vmem>>, vector<32x128xf32>
    %get3A_1637 = arith.constant 0 : index
    %get3A_1638 = arith.constant 49536 : index
    %get3A_1639 = vector.load %arg1[%get3A_1637, %get3A_1638] : memref<32x65536xf32, #tpu.memory_space<vmem>>, vector<32x128xf32>
    %concatenate3A_1640 = tpu.concatenate %get3A_1630, %get3A_1633, %get3A_1636, %get3A_1639 in 0 : vector<32x128xf32>, vector<32x128xf32>, vector<32x128xf32>, vector<32x128xf32> -> vector<128x128xf32>
    %transpose3A_1641 = tpu.transpose %concatenate3A_1640, [1, 0] : vector<128x128xf32> -> vector<128x128xf32>
    %swap3A_1642 = arith.constant 12288 : index
    %swap3A_1643 = arith.constant 0 : index
    %swap3A_1644 = vector.load %arg2[%swap3A_1642, %swap3A_1643] : memref<16384x128xf32, #tpu.memory_space<vmem>>, vector<128x128xf32>
    tpu.vector_store %arg2[%swap3A_1642, %swap3A_1643], %transpose3A_1641 {strides = array<i32>} : memref<16384x128xf32, #tpu.memory_space<vmem>>, vector<128x128xf32>,
    %get3A_1645 = arith.constant 0 : index
    %get3A_1646 = arith.constant 49664 : index
    %get3A_1647 = vector.load %arg1[%get3A_1645, %get3A_1646] : memref<32x65536xf32, #tpu.memory_space<vmem>>, vector<32x128xf32>
    %get3A_1648 = arith.constant 0 : index
    %get3A_1649 = arith.constant 49792 : index
    %get3A_1650 = vector.load %arg1[%get3A_1648, %get3A_1649] : memref<32x65536xf32, #tpu.memory_space<vmem>>, vector<32x128xf32>
    %get3A_1651 = arith.constant 0 : index
    %get3A_1652 = arith.constant 49920 : index
    %get3A_1653 = vector.load %arg1[%get3A_1651, %get3A_1652] : memref<32x65536xf32, #tpu.memory_space<vmem>>, vector<32x128xf32>
    %get3A_1654 = arith.constant 0 : index
    %get3A_1655 = arith.constant 50048 : index
    %get3A_1656 = vector.load %arg1[%get3A_1654, %get3A_1655] : memref<32x65536xf32, #tpu.memory_space<vmem>>, vector<32x128xf32>
    %concatenate3A_1657 = tpu.concatenate %get3A_1647, %get3A_1650, %get3A_1653, %get3A_1656 in 0 : vector<32x128xf32>, vector<32x128xf32>, vector<32x128xf32>, vector<32x128xf32> -> vector<128x128xf32>
    %transpose3A_1658 = tpu.transpose %concatenate3A_1657, [1, 0] : vector<128x128xf32> -> vector<128x128xf32>
    %swap3A_1659 = arith.constant 12416 : index
    %swap3A_1660 = arith.constant 0 : index
    %swap3A_1661 = vector.load %arg2[%swap3A_1659, %swap3A_1660] : memref<16384x128xf32, #tpu.memory_space<vmem>>, vector<128x128xf32>
    tpu.vector_store %arg2[%swap3A_1659, %swap3A_1660], %transpose3A_1658 {strides = array<i32>} : memref<16384x128xf32, #tpu.memory_space<vmem>>, vector<128x128xf32>,
    %get3A_1662 = arith.constant 0 : index
    %get3A_1663 = arith.constant 50176 : index
    %get3A_1664 = vector.load %arg1[%get3A_1662, %get3A_1663] : memref<32x65536xf32, #tpu.memory_space<vmem>>, vector<32x128xf32>
    %get3A_1665 = arith.constant 0 : index
    %get3A_1666 = arith.constant 50304 : index
    %get3A_1667 = vector.load %arg1[%get3A_1665, %get3A_1666] : memref<32x65536xf32, #tpu.memory_space<vmem>>, vector<32x128xf32>
    %get3A_1668 = arith.constant 0 : index
    %get3A_1669 = arith.constant 50432 : index
    %get3A_1670 = vector.load %arg1[%get3A_1668, %get3A_1669] : memref<32x65536xf32, #tpu.memory_space<vmem>>, vector<32x128xf32>
    %get3A_1671 = arith.constant 0 : index
    %get3A_1672 = arith.constant 50560 : index
    %get3A_1673 = vector.load %arg1[%get3A_1671, %get3A_1672] : memref<32x65536xf32, #tpu.memory_space<vmem>>, vector<32x128xf32>
    %concatenate3A_1674 = tpu.concatenate %get3A_1664, %get3A_1667, %get3A_1670, %get3A_1673 in 0 : vector<32x128xf32>, vector<32x128xf32>, vector<32x128xf32>, vector<32x128xf32> -> vector<128x128xf32>
    %transpose3A_1675 = tpu.transpose %concatenate3A_1674, [1, 0] : vector<128x128xf32> -> vector<128x128xf32>
    %swap3A_1676 = arith.constant 12544 : index
    %swap3A_1677 = arith.constant 0 : index
    %swap3A_1678 = vector.load %arg2[%swap3A_1676, %swap3A_1677] : memref<16384x128xf32, #tpu.memory_space<vmem>>, vector<128x128xf32>
    tpu.vector_store %arg2[%swap3A_1676, %swap3A_1677], %transpose3A_1675 {strides = array<i32>} : memref<16384x128xf32, #tpu.memory_space<vmem>>, vector<128x128xf32>,
    %get3A_1679 = arith.constant 0 : index
    %get3A_1680 = arith.constant 50688 : index
    %get3A_1681 = vector.load %arg1[%get3A_1679, %get3A_1680] : memref<32x65536xf32, #tpu.memory_space<vmem>>, vector<32x128xf32>
    %get3A_1682 = arith.constant 0 : index
    %get3A_1683 = arith.constant 50816 : index
    %get3A_1684 = vector.load %arg1[%get3A_1682, %get3A_1683] : memref<32x65536xf32, #tpu.memory_space<vmem>>, vector<32x128xf32>
    %get3A_1685 = arith.constant 0 : index
    %get3A_1686 = arith.constant 50944 : index
    %get3A_1687 = vector.load %arg1[%get3A_1685, %get3A_1686] : memref<32x65536xf32, #tpu.memory_space<vmem>>, vector<32x128xf32>
    %get3A_1688 = arith.constant 0 : index
    %get3A_1689 = arith.constant 51072 : index
    %get3A_1690 = vector.load %arg1[%get3A_1688, %get3A_1689] : memref<32x65536xf32, #tpu.memory_space<vmem>>, vector<32x128xf32>
    %concatenate3A_1691 = tpu.concatenate %get3A_1681, %get3A_1684, %get3A_1687, %get3A_1690 in 0 : vector<32x128xf32>, vector<32x128xf32>, vector<32x128xf32>, vector<32x128xf32> -> vector<128x128xf32>
    %transpose3A_1692 = tpu.transpose %concatenate3A_1691, [1, 0] : vector<128x128xf32> -> vector<128x128xf32>
    %swap3A_1693 = arith.constant 12672 : index
    %swap3A_1694 = arith.constant 0 : index
    %swap3A_1695 = vector.load %arg2[%swap3A_1693, %swap3A_1694] : memref<16384x128xf32, #tpu.memory_space<vmem>>, vector<128x128xf32>
    tpu.vector_store %arg2[%swap3A_1693, %swap3A_1694], %transpose3A_1692 {strides = array<i32>} : memref<16384x128xf32, #tpu.memory_space<vmem>>, vector<128x128xf32>,
    %get3A_1696 = arith.constant 0 : index
    %get3A_1697 = arith.constant 51200 : index
    %get3A_1698 = vector.load %arg1[%get3A_1696, %get3A_1697] : memref<32x65536xf32, #tpu.memory_space<vmem>>, vector<32x128xf32>
    %get3A_1699 = arith.constant 0 : index
    %get3A_1700 = arith.constant 51328 : index
    %get3A_1701 = vector.load %arg1[%get3A_1699, %get3A_1700] : memref<32x65536xf32, #tpu.memory_space<vmem>>, vector<32x128xf32>
    %get3A_1702 = arith.constant 0 : index
    %get3A_1703 = arith.constant 51456 : index
    %get3A_1704 = vector.load %arg1[%get3A_1702, %get3A_1703] : memref<32x65536xf32, #tpu.memory_space<vmem>>, vector<32x128xf32>
    %get3A_1705 = arith.constant 0 : index
    %get3A_1706 = arith.constant 51584 : index
    %get3A_1707 = vector.load %arg1[%get3A_1705, %get3A_1706] : memref<32x65536xf32, #tpu.memory_space<vmem>>, vector<32x128xf32>
    %concatenate3A_1708 = tpu.concatenate %get3A_1698, %get3A_1701, %get3A_1704, %get3A_1707 in 0 : vector<32x128xf32>, vector<32x128xf32>, vector<32x128xf32>, vector<32x128xf32> -> vector<128x128xf32>
    %transpose3A_1709 = tpu.transpose %concatenate3A_1708, [1, 0] : vector<128x128xf32> -> vector<128x128xf32>
    %swap3A_1710 = arith.constant 12800 : index
    %swap3A_1711 = arith.constant 0 : index
    %swap3A_1712 = vector.load %arg2[%swap3A_1710, %swap3A_1711] : memref<16384x128xf32, #tpu.memory_space<vmem>>, vector<128x128xf32>
    tpu.vector_store %arg2[%swap3A_1710, %swap3A_1711], %transpose3A_1709 {strides = array<i32>} : memref<16384x128xf32, #tpu.memory_space<vmem>>, vector<128x128xf32>,
    %get3A_1713 = arith.constant 0 : index
    %get3A_1714 = arith.constant 51712 : index
    %get3A_1715 = vector.load %arg1[%get3A_1713, %get3A_1714] : memref<32x65536xf32, #tpu.memory_space<vmem>>, vector<32x128xf32>
    %get3A_1716 = arith.constant 0 : index
    %get3A_1717 = arith.constant 51840 : index
    %get3A_1718 = vector.load %arg1[%get3A_1716, %get3A_1717] : memref<32x65536xf32, #tpu.memory_space<vmem>>, vector<32x128xf32>
    %get3A_1719 = arith.constant 0 : index
    %get3A_1720 = arith.constant 51968 : index
    %get3A_1721 = vector.load %arg1[%get3A_1719, %get3A_1720] : memref<32x65536xf32, #tpu.memory_space<vmem>>, vector<32x128xf32>
    %get3A_1722 = arith.constant 0 : index
    %get3A_1723 = arith.constant 52096 : index
    %get3A_1724 = vector.load %arg1[%get3A_1722, %get3A_1723] : memref<32x65536xf32, #tpu.memory_space<vmem>>, vector<32x128xf32>
    %concatenate3A_1725 = tpu.concatenate %get3A_1715, %get3A_1718, %get3A_1721, %get3A_1724 in 0 : vector<32x128xf32>, vector<32x128xf32>, vector<32x128xf32>, vector<32x128xf32> -> vector<128x128xf32>
    %transpose3A_1726 = tpu.transpose %concatenate3A_1725, [1, 0] : vector<128x128xf32> -> vector<128x128xf32>
    %swap3A_1727 = arith.constant 12928 : index
    %swap3A_1728 = arith.constant 0 : index
    %swap3A_1729 = vector.load %arg2[%swap3A_1727, %swap3A_1728] : memref<16384x128xf32, #tpu.memory_space<vmem>>, vector<128x128xf32>
    tpu.vector_store %arg2[%swap3A_1727, %swap3A_1728], %transpose3A_1726 {strides = array<i32>} : memref<16384x128xf32, #tpu.memory_space<vmem>>, vector<128x128xf32>,
    %get3A_1730 = arith.constant 0 : index
    %get3A_1731 = arith.constant 52224 : index
    %get3A_1732 = vector.load %arg1[%get3A_1730, %get3A_1731] : memref<32x65536xf32, #tpu.memory_space<vmem>>, vector<32x128xf32>
    %get3A_1733 = arith.constant 0 : index
    %get3A_1734 = arith.constant 52352 : index
    %get3A_1735 = vector.load %arg1[%get3A_1733, %get3A_1734] : memref<32x65536xf32, #tpu.memory_space<vmem>>, vector<32x128xf32>
    %get3A_1736 = arith.constant 0 : index
    %get3A_1737 = arith.constant 52480 : index
    %get3A_1738 = vector.load %arg1[%get3A_1736, %get3A_1737] : memref<32x65536xf32, #tpu.memory_space<vmem>>, vector<32x128xf32>
    %get3A_1739 = arith.constant 0 : index
    %get3A_1740 = arith.constant 52608 : index
    %get3A_1741 = vector.load %arg1[%get3A_1739, %get3A_1740] : memref<32x65536xf32, #tpu.memory_space<vmem>>, vector<32x128xf32>
    %concatenate3A_1742 = tpu.concatenate %get3A_1732, %get3A_1735, %get3A_1738, %get3A_1741 in 0 : vector<32x128xf32>, vector<32x128xf32>, vector<32x128xf32>, vector<32x128xf32> -> vector<128x128xf32>
    %transpose3A_1743 = tpu.transpose %concatenate3A_1742, [1, 0] : vector<128x128xf32> -> vector<128x128xf32>
    %swap3A_1744 = arith.constant 13056 : index
    %swap3A_1745 = arith.constant 0 : index
    %swap3A_1746 = vector.load %arg2[%swap3A_1744, %swap3A_1745] : memref<16384x128xf32, #tpu.memory_space<vmem>>, vector<128x128xf32>
    tpu.vector_store %arg2[%swap3A_1744, %swap3A_1745], %transpose3A_1743 {strides = array<i32>} : memref<16384x128xf32, #tpu.memory_space<vmem>>, vector<128x128xf32>,
    %get3A_1747 = arith.constant 0 : index
    %get3A_1748 = arith.constant 52736 : index
    %get3A_1749 = vector.load %arg1[%get3A_1747, %get3A_1748] : memref<32x65536xf32, #tpu.memory_space<vmem>>, vector<32x128xf32>
    %get3A_1750 = arith.constant 0 : index
    %get3A_1751 = arith.constant 52864 : index
    %get3A_1752 = vector.load %arg1[%get3A_1750, %get3A_1751] : memref<32x65536xf32, #tpu.memory_space<vmem>>, vector<32x128xf32>
    %get3A_1753 = arith.constant 0 : index
    %get3A_1754 = arith.constant 52992 : index
    %get3A_1755 = vector.load %arg1[%get3A_1753, %get3A_1754] : memref<32x65536xf32, #tpu.memory_space<vmem>>, vector<32x128xf32>
    %get3A_1756 = arith.constant 0 : index
    %get3A_1757 = arith.constant 53120 : index
    %get3A_1758 = vector.load %arg1[%get3A_1756, %get3A_1757] : memref<32x65536xf32, #tpu.memory_space<vmem>>, vector<32x128xf32>
    %concatenate3A_1759 = tpu.concatenate %get3A_1749, %get3A_1752, %get3A_1755, %get3A_1758 in 0 : vector<32x128xf32>, vector<32x128xf32>, vector<32x128xf32>, vector<32x128xf32> -> vector<128x128xf32>
    %transpose3A_1760 = tpu.transpose %concatenate3A_1759, [1, 0] : vector<128x128xf32> -> vector<128x128xf32>
    %swap3A_1761 = arith.constant 13184 : index
    %swap3A_1762 = arith.constant 0 : index
    %swap3A_1763 = vector.load %arg2[%swap3A_1761, %swap3A_1762] : memref<16384x128xf32, #tpu.memory_space<vmem>>, vector<128x128xf32>
    tpu.vector_store %arg2[%swap3A_1761, %swap3A_1762], %transpose3A_1760 {strides = array<i32>} : memref<16384x128xf32, #tpu.memory_space<vmem>>, vector<128x128xf32>,
    %get3A_1764 = arith.constant 0 : index
    %get3A_1765 = arith.constant 53248 : index
    %get3A_1766 = vector.load %arg1[%get3A_1764, %get3A_1765] : memref<32x65536xf32, #tpu.memory_space<vmem>>, vector<32x128xf32>
    %get3A_1767 = arith.constant 0 : index
    %get3A_1768 = arith.constant 53376 : index
    %get3A_1769 = vector.load %arg1[%get3A_1767, %get3A_1768] : memref<32x65536xf32, #tpu.memory_space<vmem>>, vector<32x128xf32>
    %get3A_1770 = arith.constant 0 : index
    %get3A_1771 = arith.constant 53504 : index
    %get3A_1772 = vector.load %arg1[%get3A_1770, %get3A_1771] : memref<32x65536xf32, #tpu.memory_space<vmem>>, vector<32x128xf32>
    %get3A_1773 = arith.constant 0 : index
    %get3A_1774 = arith.constant 53632 : index
    %get3A_1775 = vector.load %arg1[%get3A_1773, %get3A_1774] : memref<32x65536xf32, #tpu.memory_space<vmem>>, vector<32x128xf32>
    %concatenate3A_1776 = tpu.concatenate %get3A_1766, %get3A_1769, %get3A_1772, %get3A_1775 in 0 : vector<32x128xf32>, vector<32x128xf32>, vector<32x128xf32>, vector<32x128xf32> -> vector<128x128xf32>
    %transpose3A_1777 = tpu.transpose %concatenate3A_1776, [1, 0] : vector<128x128xf32> -> vector<128x128xf32>
    %swap3A_1778 = arith.constant 13312 : index
    %swap3A_1779 = arith.constant 0 : index
    %swap3A_1780 = vector.load %arg2[%swap3A_1778, %swap3A_1779] : memref<16384x128xf32, #tpu.memory_space<vmem>>, vector<128x128xf32>
    tpu.vector_store %arg2[%swap3A_1778, %swap3A_1779], %transpose3A_1777 {strides = array<i32>} : memref<16384x128xf32, #tpu.memory_space<vmem>>, vector<128x128xf32>,
    %get3A_1781 = arith.constant 0 : index
    %get3A_1782 = arith.constant 53760 : index
    %get3A_1783 = vector.load %arg1[%get3A_1781, %get3A_1782] : memref<32x65536xf32, #tpu.memory_space<vmem>>, vector<32x128xf32>
    %get3A_1784 = arith.constant 0 : index
    %get3A_1785 = arith.constant 53888 : index
    %get3A_1786 = vector.load %arg1[%get3A_1784, %get3A_1785] : memref<32x65536xf32, #tpu.memory_space<vmem>>, vector<32x128xf32>
    %get3A_1787 = arith.constant 0 : index
    %get3A_1788 = arith.constant 54016 : index
    %get3A_1789 = vector.load %arg1[%get3A_1787, %get3A_1788] : memref<32x65536xf32, #tpu.memory_space<vmem>>, vector<32x128xf32>
    %get3A_1790 = arith.constant 0 : index
    %get3A_1791 = arith.constant 54144 : index
    %get3A_1792 = vector.load %arg1[%get3A_1790, %get3A_1791] : memref<32x65536xf32, #tpu.memory_space<vmem>>, vector<32x128xf32>
    %concatenate3A_1793 = tpu.concatenate %get3A_1783, %get3A_1786, %get3A_1789, %get3A_1792 in 0 : vector<32x128xf32>, vector<32x128xf32>, vector<32x128xf32>, vector<32x128xf32> -> vector<128x128xf32>
    %transpose3A_1794 = tpu.transpose %concatenate3A_1793, [1, 0] : vector<128x128xf32> -> vector<128x128xf32>
    %swap3A_1795 = arith.constant 13440 : index
    %swap3A_1796 = arith.constant 0 : index
    %swap3A_1797 = vector.load %arg2[%swap3A_1795, %swap3A_1796] : memref<16384x128xf32, #tpu.memory_space<vmem>>, vector<128x128xf32>
    tpu.vector_store %arg2[%swap3A_1795, %swap3A_1796], %transpose3A_1794 {strides = array<i32>} : memref<16384x128xf32, #tpu.memory_space<vmem>>, vector<128x128xf32>,
    %get3A_1798 = arith.constant 0 : index
    %get3A_1799 = arith.constant 54272 : index
    %get3A_1800 = vector.load %arg1[%get3A_1798, %get3A_1799] : memref<32x65536xf32, #tpu.memory_space<vmem>>, vector<32x128xf32>
    %get3A_1801 = arith.constant 0 : index
    %get3A_1802 = arith.constant 54400 : index
    %get3A_1803 = vector.load %arg1[%get3A_1801, %get3A_1802] : memref<32x65536xf32, #tpu.memory_space<vmem>>, vector<32x128xf32>
    %get3A_1804 = arith.constant 0 : index
    %get3A_1805 = arith.constant 54528 : index
    %get3A_1806 = vector.load %arg1[%get3A_1804, %get3A_1805] : memref<32x65536xf32, #tpu.memory_space<vmem>>, vector<32x128xf32>
    %get3A_1807 = arith.constant 0 : index
    %get3A_1808 = arith.constant 54656 : index
    %get3A_1809 = vector.load %arg1[%get3A_1807, %get3A_1808] : memref<32x65536xf32, #tpu.memory_space<vmem>>, vector<32x128xf32>
    %concatenate3A_1810 = tpu.concatenate %get3A_1800, %get3A_1803, %get3A_1806, %get3A_1809 in 0 : vector<32x128xf32>, vector<32x128xf32>, vector<32x128xf32>, vector<32x128xf32> -> vector<128x128xf32>
    %transpose3A_1811 = tpu.transpose %concatenate3A_1810, [1, 0] : vector<128x128xf32> -> vector<128x128xf32>
    %swap3A_1812 = arith.constant 13568 : index
    %swap3A_1813 = arith.constant 0 : index
    %swap3A_1814 = vector.load %arg2[%swap3A_1812, %swap3A_1813] : memref<16384x128xf32, #tpu.memory_space<vmem>>, vector<128x128xf32>
    tpu.vector_store %arg2[%swap3A_1812, %swap3A_1813], %transpose3A_1811 {strides = array<i32>} : memref<16384x128xf32, #tpu.memory_space<vmem>>, vector<128x128xf32>,
    %get3A_1815 = arith.constant 0 : index
    %get3A_1816 = arith.constant 54784 : index
    %get3A_1817 = vector.load %arg1[%get3A_1815, %get3A_1816] : memref<32x65536xf32, #tpu.memory_space<vmem>>, vector<32x128xf32>
    %get3A_1818 = arith.constant 0 : index
    %get3A_1819 = arith.constant 54912 : index
    %get3A_1820 = vector.load %arg1[%get3A_1818, %get3A_1819] : memref<32x65536xf32, #tpu.memory_space<vmem>>, vector<32x128xf32>
    %get3A_1821 = arith.constant 0 : index
    %get3A_1822 = arith.constant 55040 : index
    %get3A_1823 = vector.load %arg1[%get3A_1821, %get3A_1822] : memref<32x65536xf32, #tpu.memory_space<vmem>>, vector<32x128xf32>
    %get3A_1824 = arith.constant 0 : index
    %get3A_1825 = arith.constant 55168 : index
    %get3A_1826 = vector.load %arg1[%get3A_1824, %get3A_1825] : memref<32x65536xf32, #tpu.memory_space<vmem>>, vector<32x128xf32>
    %concatenate3A_1827 = tpu.concatenate %get3A_1817, %get3A_1820, %get3A_1823, %get3A_1826 in 0 : vector<32x128xf32>, vector<32x128xf32>, vector<32x128xf32>, vector<32x128xf32> -> vector<128x128xf32>
    %transpose3A_1828 = tpu.transpose %concatenate3A_1827, [1, 0] : vector<128x128xf32> -> vector<128x128xf32>
    %swap3A_1829 = arith.constant 13696 : index
    %swap3A_1830 = arith.constant 0 : index
    %swap3A_1831 = vector.load %arg2[%swap3A_1829, %swap3A_1830] : memref<16384x128xf32, #tpu.memory_space<vmem>>, vector<128x128xf32>
    tpu.vector_store %arg2[%swap3A_1829, %swap3A_1830], %transpose3A_1828 {strides = array<i32>} : memref<16384x128xf32, #tpu.memory_space<vmem>>, vector<128x128xf32>,
    %get3A_1832 = arith.constant 0 : index
    %get3A_1833 = arith.constant 55296 : index
    %get3A_1834 = vector.load %arg1[%get3A_1832, %get3A_1833] : memref<32x65536xf32, #tpu.memory_space<vmem>>, vector<32x128xf32>
    %get3A_1835 = arith.constant 0 : index
    %get3A_1836 = arith.constant 55424 : index
    %get3A_1837 = vector.load %arg1[%get3A_1835, %get3A_1836] : memref<32x65536xf32, #tpu.memory_space<vmem>>, vector<32x128xf32>
    %get3A_1838 = arith.constant 0 : index
    %get3A_1839 = arith.constant 55552 : index
    %get3A_1840 = vector.load %arg1[%get3A_1838, %get3A_1839] : memref<32x65536xf32, #tpu.memory_space<vmem>>, vector<32x128xf32>
    %get3A_1841 = arith.constant 0 : index
    %get3A_1842 = arith.constant 55680 : index
    %get3A_1843 = vector.load %arg1[%get3A_1841, %get3A_1842] : memref<32x65536xf32, #tpu.memory_space<vmem>>, vector<32x128xf32>
    %concatenate3A_1844 = tpu.concatenate %get3A_1834, %get3A_1837, %get3A_1840, %get3A_1843 in 0 : vector<32x128xf32>, vector<32x128xf32>, vector<32x128xf32>, vector<32x128xf32> -> vector<128x128xf32>
    %transpose3A_1845 = tpu.transpose %concatenate3A_1844, [1, 0] : vector<128x128xf32> -> vector<128x128xf32>
    %swap3A_1846 = arith.constant 13824 : index
    %swap3A_1847 = arith.constant 0 : index
    %swap3A_1848 = vector.load %arg2[%swap3A_1846, %swap3A_1847] : memref<16384x128xf32, #tpu.memory_space<vmem>>, vector<128x128xf32>
    tpu.vector_store %arg2[%swap3A_1846, %swap3A_1847], %transpose3A_1845 {strides = array<i32>} : memref<16384x128xf32, #tpu.memory_space<vmem>>, vector<128x128xf32>,
    %get3A_1849 = arith.constant 0 : index
    %get3A_1850 = arith.constant 55808 : index
    %get3A_1851 = vector.load %arg1[%get3A_1849, %get3A_1850] : memref<32x65536xf32, #tpu.memory_space<vmem>>, vector<32x128xf32>
    %get3A_1852 = arith.constant 0 : index
    %get3A_1853 = arith.constant 55936 : index
    %get3A_1854 = vector.load %arg1[%get3A_1852, %get3A_1853] : memref<32x65536xf32, #tpu.memory_space<vmem>>, vector<32x128xf32>
    %get3A_1855 = arith.constant 0 : index
    %get3A_1856 = arith.constant 56064 : index
    %get3A_1857 = vector.load %arg1[%get3A_1855, %get3A_1856] : memref<32x65536xf32, #tpu.memory_space<vmem>>, vector<32x128xf32>
    %get3A_1858 = arith.constant 0 : index
    %get3A_1859 = arith.constant 56192 : index
    %get3A_1860 = vector.load %arg1[%get3A_1858, %get3A_1859] : memref<32x65536xf32, #tpu.memory_space<vmem>>, vector<32x128xf32>
    %concatenate3A_1861 = tpu.concatenate %get3A_1851, %get3A_1854, %get3A_1857, %get3A_1860 in 0 : vector<32x128xf32>, vector<32x128xf32>, vector<32x128xf32>, vector<32x128xf32> -> vector<128x128xf32>
    %transpose3A_1862 = tpu.transpose %concatenate3A_1861, [1, 0] : vector<128x128xf32> -> vector<128x128xf32>
    %swap3A_1863 = arith.constant 13952 : index
    %swap3A_1864 = arith.constant 0 : index
    %swap3A_1865 = vector.load %arg2[%swap3A_1863, %swap3A_1864] : memref<16384x128xf32, #tpu.memory_space<vmem>>, vector<128x128xf32>
    tpu.vector_store %arg2[%swap3A_1863, %swap3A_1864], %transpose3A_1862 {strides = array<i32>} : memref<16384x128xf32, #tpu.memory_space<vmem>>, vector<128x128xf32>,
    %get3A_1866 = arith.constant 0 : index
    %get3A_1867 = arith.constant 56320 : index
    %get3A_1868 = vector.load %arg1[%get3A_1866, %get3A_1867] : memref<32x65536xf32, #tpu.memory_space<vmem>>, vector<32x128xf32>
    %get3A_1869 = arith.constant 0 : index
    %get3A_1870 = arith.constant 56448 : index
    %get3A_1871 = vector.load %arg1[%get3A_1869, %get3A_1870] : memref<32x65536xf32, #tpu.memory_space<vmem>>, vector<32x128xf32>
    %get3A_1872 = arith.constant 0 : index
    %get3A_1873 = arith.constant 56576 : index
    %get3A_1874 = vector.load %arg1[%get3A_1872, %get3A_1873] : memref<32x65536xf32, #tpu.memory_space<vmem>>, vector<32x128xf32>
    %get3A_1875 = arith.constant 0 : index
    %get3A_1876 = arith.constant 56704 : index
    %get3A_1877 = vector.load %arg1[%get3A_1875, %get3A_1876] : memref<32x65536xf32, #tpu.memory_space<vmem>>, vector<32x128xf32>
    %concatenate3A_1878 = tpu.concatenate %get3A_1868, %get3A_1871, %get3A_1874, %get3A_1877 in 0 : vector<32x128xf32>, vector<32x128xf32>, vector<32x128xf32>, vector<32x128xf32> -> vector<128x128xf32>
    %transpose3A_1879 = tpu.transpose %concatenate3A_1878, [1, 0] : vector<128x128xf32> -> vector<128x128xf32>
    %swap3A_1880 = arith.constant 14080 : index
    %swap3A_1881 = arith.constant 0 : index
    %swap3A_1882 = vector.load %arg2[%swap3A_1880, %swap3A_1881] : memref<16384x128xf32, #tpu.memory_space<vmem>>, vector<128x128xf32>
    tpu.vector_store %arg2[%swap3A_1880, %swap3A_1881], %transpose3A_1879 {strides = array<i32>} : memref<16384x128xf32, #tpu.memory_space<vmem>>, vector<128x128xf32>,
    %get3A_1883 = arith.constant 0 : index
    %get3A_1884 = arith.constant 56832 : index
    %get3A_1885 = vector.load %arg1[%get3A_1883, %get3A_1884] : memref<32x65536xf32, #tpu.memory_space<vmem>>, vector<32x128xf32>
    %get3A_1886 = arith.constant 0 : index
    %get3A_1887 = arith.constant 56960 : index
    %get3A_1888 = vector.load %arg1[%get3A_1886, %get3A_1887] : memref<32x65536xf32, #tpu.memory_space<vmem>>, vector<32x128xf32>
    %get3A_1889 = arith.constant 0 : index
    %get3A_1890 = arith.constant 57088 : index
    %get3A_1891 = vector.load %arg1[%get3A_1889, %get3A_1890] : memref<32x65536xf32, #tpu.memory_space<vmem>>, vector<32x128xf32>
    %get3A_1892 = arith.constant 0 : index
    %get3A_1893 = arith.constant 57216 : index
    %get3A_1894 = vector.load %arg1[%get3A_1892, %get3A_1893] : memref<32x65536xf32, #tpu.memory_space<vmem>>, vector<32x128xf32>
    %concatenate3A_1895 = tpu.concatenate %get3A_1885, %get3A_1888, %get3A_1891, %get3A_1894 in 0 : vector<32x128xf32>, vector<32x128xf32>, vector<32x128xf32>, vector<32x128xf32> -> vector<128x128xf32>
    %transpose3A_1896 = tpu.transpose %concatenate3A_1895, [1, 0] : vector<128x128xf32> -> vector<128x128xf32>
    %swap3A_1897 = arith.constant 14208 : index
    %swap3A_1898 = arith.constant 0 : index
    %swap3A_1899 = vector.load %arg2[%swap3A_1897, %swap3A_1898] : memref<16384x128xf32, #tpu.memory_space<vmem>>, vector<128x128xf32>
    tpu.vector_store %arg2[%swap3A_1897, %swap3A_1898], %transpose3A_1896 {strides = array<i32>} : memref<16384x128xf32, #tpu.memory_space<vmem>>, vector<128x128xf32>,
    %get3A_1900 = arith.constant 0 : index
    %get3A_1901 = arith.constant 57344 : index
    %get3A_1902 = vector.load %arg1[%get3A_1900, %get3A_1901] : memref<32x65536xf32, #tpu.memory_space<vmem>>, vector<32x128xf32>
    %get3A_1903 = arith.constant 0 : index
    %get3A_1904 = arith.constant 57472 : index
    %get3A_1905 = vector.load %arg1[%get3A_1903, %get3A_1904] : memref<32x65536xf32, #tpu.memory_space<vmem>>, vector<32x128xf32>
    %get3A_1906 = arith.constant 0 : index
    %get3A_1907 = arith.constant 57600 : index
    %get3A_1908 = vector.load %arg1[%get3A_1906, %get3A_1907] : memref<32x65536xf32, #tpu.memory_space<vmem>>, vector<32x128xf32>
    %get3A_1909 = arith.constant 0 : index
    %get3A_1910 = arith.constant 57728 : index
    %get3A_1911 = vector.load %arg1[%get3A_1909, %get3A_1910] : memref<32x65536xf32, #tpu.memory_space<vmem>>, vector<32x128xf32>
    %concatenate3A_1912 = tpu.concatenate %get3A_1902, %get3A_1905, %get3A_1908, %get3A_1911 in 0 : vector<32x128xf32>, vector<32x128xf32>, vector<32x128xf32>, vector<32x128xf32> -> vector<128x128xf32>
    %transpose3A_1913 = tpu.transpose %concatenate3A_1912, [1, 0] : vector<128x128xf32> -> vector<128x128xf32>
    %swap3A_1914 = arith.constant 14336 : index
    %swap3A_1915 = arith.constant 0 : index
    %swap3A_1916 = vector.load %arg2[%swap3A_1914, %swap3A_1915] : memref<16384x128xf32, #tpu.memory_space<vmem>>, vector<128x128xf32>
    tpu.vector_store %arg2[%swap3A_1914, %swap3A_1915], %transpose3A_1913 {strides = array<i32>} : memref<16384x128xf32, #tpu.memory_space<vmem>>, vector<128x128xf32>,
    %get3A_1917 = arith.constant 0 : index
    %get3A_1918 = arith.constant 57856 : index
    %get3A_1919 = vector.load %arg1[%get3A_1917, %get3A_1918] : memref<32x65536xf32, #tpu.memory_space<vmem>>, vector<32x128xf32>
    %get3A_1920 = arith.constant 0 : index
    %get3A_1921 = arith.constant 57984 : index
    %get3A_1922 = vector.load %arg1[%get3A_1920, %get3A_1921] : memref<32x65536xf32, #tpu.memory_space<vmem>>, vector<32x128xf32>
    %get3A_1923 = arith.constant 0 : index
    %get3A_1924 = arith.constant 58112 : index
    %get3A_1925 = vector.load %arg1[%get3A_1923, %get3A_1924] : memref<32x65536xf32, #tpu.memory_space<vmem>>, vector<32x128xf32>
    %get3A_1926 = arith.constant 0 : index
    %get3A_1927 = arith.constant 58240 : index
    %get3A_1928 = vector.load %arg1[%get3A_1926, %get3A_1927] : memref<32x65536xf32, #tpu.memory_space<vmem>>, vector<32x128xf32>
    %concatenate3A_1929 = tpu.concatenate %get3A_1919, %get3A_1922, %get3A_1925, %get3A_1928 in 0 : vector<32x128xf32>, vector<32x128xf32>, vector<32x128xf32>, vector<32x128xf32> -> vector<128x128xf32>
    %transpose3A_1930 = tpu.transpose %concatenate3A_1929, [1, 0] : vector<128x128xf32> -> vector<128x128xf32>
    %swap3A_1931 = arith.constant 14464 : index
    %swap3A_1932 = arith.constant 0 : index
    %swap3A_1933 = vector.load %arg2[%swap3A_1931, %swap3A_1932] : memref<16384x128xf32, #tpu.memory_space<vmem>>, vector<128x128xf32>
    tpu.vector_store %arg2[%swap3A_1931, %swap3A_1932], %transpose3A_1930 {strides = array<i32>} : memref<16384x128xf32, #tpu.memory_space<vmem>>, vector<128x128xf32>,
    %get3A_1934 = arith.constant 0 : index
    %get3A_1935 = arith.constant 58368 : index
    %get3A_1936 = vector.load %arg1[%get3A_1934, %get3A_1935] : memref<32x65536xf32, #tpu.memory_space<vmem>>, vector<32x128xf32>
    %get3A_1937 = arith.constant 0 : index
    %get3A_1938 = arith.constant 58496 : index
    %get3A_1939 = vector.load %arg1[%get3A_1937, %get3A_1938] : memref<32x65536xf32, #tpu.memory_space<vmem>>, vector<32x128xf32>
    %get3A_1940 = arith.constant 0 : index
    %get3A_1941 = arith.constant 58624 : index
    %get3A_1942 = vector.load %arg1[%get3A_1940, %get3A_1941] : memref<32x65536xf32, #tpu.memory_space<vmem>>, vector<32x128xf32>
    %get3A_1943 = arith.constant 0 : index
    %get3A_1944 = arith.constant 58752 : index
    %get3A_1945 = vector.load %arg1[%get3A_1943, %get3A_1944] : memref<32x65536xf32, #tpu.memory_space<vmem>>, vector<32x128xf32>
    %concatenate3A_1946 = tpu.concatenate %get3A_1936, %get3A_1939, %get3A_1942, %get3A_1945 in 0 : vector<32x128xf32>, vector<32x128xf32>, vector<32x128xf32>, vector<32x128xf32> -> vector<128x128xf32>
    %transpose3A_1947 = tpu.transpose %concatenate3A_1946, [1, 0] : vector<128x128xf32> -> vector<128x128xf32>
    %swap3A_1948 = arith.constant 14592 : index
    %swap3A_1949 = arith.constant 0 : index
    %swap3A_1950 = vector.load %arg2[%swap3A_1948, %swap3A_1949] : memref<16384x128xf32, #tpu.memory_space<vmem>>, vector<128x128xf32>
    tpu.vector_store %arg2[%swap3A_1948, %swap3A_1949], %transpose3A_1947 {strides = array<i32>} : memref<16384x128xf32, #tpu.memory_space<vmem>>, vector<128x128xf32>,
    %get3A_1951 = arith.constant 0 : index
    %get3A_1952 = arith.constant 58880 : index
    %get3A_1953 = vector.load %arg1[%get3A_1951, %get3A_1952] : memref<32x65536xf32, #tpu.memory_space<vmem>>, vector<32x128xf32>
    %get3A_1954 = arith.constant 0 : index
    %get3A_1955 = arith.constant 59008 : index
    %get3A_1956 = vector.load %arg1[%get3A_1954, %get3A_1955] : memref<32x65536xf32, #tpu.memory_space<vmem>>, vector<32x128xf32>
    %get3A_1957 = arith.constant 0 : index
    %get3A_1958 = arith.constant 59136 : index
    %get3A_1959 = vector.load %arg1[%get3A_1957, %get3A_1958] : memref<32x65536xf32, #tpu.memory_space<vmem>>, vector<32x128xf32>
    %get3A_1960 = arith.constant 0 : index
    %get3A_1961 = arith.constant 59264 : index
    %get3A_1962 = vector.load %arg1[%get3A_1960, %get3A_1961] : memref<32x65536xf32, #tpu.memory_space<vmem>>, vector<32x128xf32>
    %concatenate3A_1963 = tpu.concatenate %get3A_1953, %get3A_1956, %get3A_1959, %get3A_1962 in 0 : vector<32x128xf32>, vector<32x128xf32>, vector<32x128xf32>, vector<32x128xf32> -> vector<128x128xf32>
    %transpose3A_1964 = tpu.transpose %concatenate3A_1963, [1, 0] : vector<128x128xf32> -> vector<128x128xf32>
    %swap3A_1965 = arith.constant 14720 : index
    %swap3A_1966 = arith.constant 0 : index
    %swap3A_1967 = vector.load %arg2[%swap3A_1965, %swap3A_1966] : memref<16384x128xf32, #tpu.memory_space<vmem>>, vector<128x128xf32>
    tpu.vector_store %arg2[%swap3A_1965, %swap3A_1966], %transpose3A_1964 {strides = array<i32>} : memref<16384x128xf32, #tpu.memory_space<vmem>>, vector<128x128xf32>,
    %get3A_1968 = arith.constant 0 : index
    %get3A_1969 = arith.constant 59392 : index
    %get3A_1970 = vector.load %arg1[%get3A_1968, %get3A_1969] : memref<32x65536xf32, #tpu.memory_space<vmem>>, vector<32x128xf32>
    %get3A_1971 = arith.constant 0 : index
    %get3A_1972 = arith.constant 59520 : index
    %get3A_1973 = vector.load %arg1[%get3A_1971, %get3A_1972] : memref<32x65536xf32, #tpu.memory_space<vmem>>, vector<32x128xf32>
    %get3A_1974 = arith.constant 0 : index
    %get3A_1975 = arith.constant 59648 : index
    %get3A_1976 = vector.load %arg1[%get3A_1974, %get3A_1975] : memref<32x65536xf32, #tpu.memory_space<vmem>>, vector<32x128xf32>
    %get3A_1977 = arith.constant 0 : index
    %get3A_1978 = arith.constant 59776 : index
    %get3A_1979 = vector.load %arg1[%get3A_1977, %get3A_1978] : memref<32x65536xf32, #tpu.memory_space<vmem>>, vector<32x128xf32>
    %concatenate3A_1980 = tpu.concatenate %get3A_1970, %get3A_1973, %get3A_1976, %get3A_1979 in 0 : vector<32x128xf32>, vector<32x128xf32>, vector<32x128xf32>, vector<32x128xf32> -> vector<128x128xf32>
    %transpose3A_1981 = tpu.transpose %concatenate3A_1980, [1, 0] : vector<128x128xf32> -> vector<128x128xf32>
    %swap3A_1982 = arith.constant 14848 : index
    %swap3A_1983 = arith.constant 0 : index
    %swap3A_1984 = vector.load %arg2[%swap3A_1982, %swap3A_1983] : memref<16384x128xf32, #tpu.memory_space<vmem>>, vector<128x128xf32>
    tpu.vector_store %arg2[%swap3A_1982, %swap3A_1983], %transpose3A_1981 {strides = array<i32>} : memref<16384x128xf32, #tpu.memory_space<vmem>>, vector<128x128xf32>,
    %get3A_1985 = arith.constant 0 : index
    %get3A_1986 = arith.constant 59904 : index
    %get3A_1987 = vector.load %arg1[%get3A_1985, %get3A_1986] : memref<32x65536xf32, #tpu.memory_space<vmem>>, vector<32x128xf32>
    %get3A_1988 = arith.constant 0 : index
    %get3A_1989 = arith.constant 60032 : index
    %get3A_1990 = vector.load %arg1[%get3A_1988, %get3A_1989] : memref<32x65536xf32, #tpu.memory_space<vmem>>, vector<32x128xf32>
    %get3A_1991 = arith.constant 0 : index
    %get3A_1992 = arith.constant 60160 : index
    %get3A_1993 = vector.load %arg1[%get3A_1991, %get3A_1992] : memref<32x65536xf32, #tpu.memory_space<vmem>>, vector<32x128xf32>
    %get3A_1994 = arith.constant 0 : index
    %get3A_1995 = arith.constant 60288 : index
    %get3A_1996 = vector.load %arg1[%get3A_1994, %get3A_1995] : memref<32x65536xf32, #tpu.memory_space<vmem>>, vector<32x128xf32>
    %concatenate3A_1997 = tpu.concatenate %get3A_1987, %get3A_1990, %get3A_1993, %get3A_1996 in 0 : vector<32x128xf32>, vector<32x128xf32>, vector<32x128xf32>, vector<32x128xf32> -> vector<128x128xf32>
    %transpose3A_1998 = tpu.transpose %concatenate3A_1997, [1, 0] : vector<128x128xf32> -> vector<128x128xf32>
    %swap3A_1999 = arith.constant 14976 : index
    %swap3A_2000 = arith.constant 0 : index
    %swap3A_2001 = vector.load %arg2[%swap3A_1999, %swap3A_2000] : memref<16384x128xf32, #tpu.memory_space<vmem>>, vector<128x128xf32>
    tpu.vector_store %arg2[%swap3A_1999, %swap3A_2000], %transpose3A_1998 {strides = array<i32>} : memref<16384x128xf32, #tpu.memory_space<vmem>>, vector<128x128xf32>,
    %get3A_2002 = arith.constant 0 : index
    %get3A_2003 = arith.constant 60416 : index
    %get3A_2004 = vector.load %arg1[%get3A_2002, %get3A_2003] : memref<32x65536xf32, #tpu.memory_space<vmem>>, vector<32x128xf32>
    %get3A_2005 = arith.constant 0 : index
    %get3A_2006 = arith.constant 60544 : index
    %get3A_2007 = vector.load %arg1[%get3A_2005, %get3A_2006] : memref<32x65536xf32, #tpu.memory_space<vmem>>, vector<32x128xf32>
    %get3A_2008 = arith.constant 0 : index
    %get3A_2009 = arith.constant 60672 : index
    %get3A_2010 = vector.load %arg1[%get3A_2008, %get3A_2009] : memref<32x65536xf32, #tpu.memory_space<vmem>>, vector<32x128xf32>
    %get3A_2011 = arith.constant 0 : index
    %get3A_2012 = arith.constant 60800 : index
    %get3A_2013 = vector.load %arg1[%get3A_2011, %get3A_2012] : memref<32x65536xf32, #tpu.memory_space<vmem>>, vector<32x128xf32>
    %concatenate3A_2014 = tpu.concatenate %get3A_2004, %get3A_2007, %get3A_2010, %get3A_2013 in 0 : vector<32x128xf32>, vector<32x128xf32>, vector<32x128xf32>, vector<32x128xf32> -> vector<128x128xf32>
    %transpose3A_2015 = tpu.transpose %concatenate3A_2014, [1, 0] : vector<128x128xf32> -> vector<128x128xf32>
    %swap3A_2016 = arith.constant 15104 : index
    %swap3A_2017 = arith.constant 0 : index
    %swap3A_2018 = vector.load %arg2[%swap3A_2016, %swap3A_2017] : memref<16384x128xf32, #tpu.memory_space<vmem>>, vector<128x128xf32>
    tpu.vector_store %arg2[%swap3A_2016, %swap3A_2017], %transpose3A_2015 {strides = array<i32>} : memref<16384x128xf32, #tpu.memory_space<vmem>>, vector<128x128xf32>,
    %get3A_2019 = arith.constant 0 : index
    %get3A_2020 = arith.constant 60928 : index
    %get3A_2021 = vector.load %arg1[%get3A_2019, %get3A_2020] : memref<32x65536xf32, #tpu.memory_space<vmem>>, vector<32x128xf32>
    %get3A_2022 = arith.constant 0 : index
    %get3A_2023 = arith.constant 61056 : index
    %get3A_2024 = vector.load %arg1[%get3A_2022, %get3A_2023] : memref<32x65536xf32, #tpu.memory_space<vmem>>, vector<32x128xf32>
    %get3A_2025 = arith.constant 0 : index
    %get3A_2026 = arith.constant 61184 : index
    %get3A_2027 = vector.load %arg1[%get3A_2025, %get3A_2026] : memref<32x65536xf32, #tpu.memory_space<vmem>>, vector<32x128xf32>
    %get3A_2028 = arith.constant 0 : index
    %get3A_2029 = arith.constant 61312 : index
    %get3A_2030 = vector.load %arg1[%get3A_2028, %get3A_2029] : memref<32x65536xf32, #tpu.memory_space<vmem>>, vector<32x128xf32>
    %concatenate3A_2031 = tpu.concatenate %get3A_2021, %get3A_2024, %get3A_2027, %get3A_2030 in 0 : vector<32x128xf32>, vector<32x128xf32>, vector<32x128xf32>, vector<32x128xf32> -> vector<128x128xf32>
    %transpose3A_2032 = tpu.transpose %concatenate3A_2031, [1, 0] : vector<128x128xf32> -> vector<128x128xf32>
    %swap3A_2033 = arith.constant 15232 : index
    %swap3A_2034 = arith.constant 0 : index
    %swap3A_2035 = vector.load %arg2[%swap3A_2033, %swap3A_2034] : memref<16384x128xf32, #tpu.memory_space<vmem>>, vector<128x128xf32>
    tpu.vector_store %arg2[%swap3A_2033, %swap3A_2034], %transpose3A_2032 {strides = array<i32>} : memref<16384x128xf32, #tpu.memory_space<vmem>>, vector<128x128xf32>,
    %get3A_2036 = arith.constant 0 : index
    %get3A_2037 = arith.constant 61440 : index
    %get3A_2038 = vector.load %arg1[%get3A_2036, %get3A_2037] : memref<32x65536xf32, #tpu.memory_space<vmem>>, vector<32x128xf32>
    %get3A_2039 = arith.constant 0 : index
    %get3A_2040 = arith.constant 61568 : index
    %get3A_2041 = vector.load %arg1[%get3A_2039, %get3A_2040] : memref<32x65536xf32, #tpu.memory_space<vmem>>, vector<32x128xf32>
    %get3A_2042 = arith.constant 0 : index
    %get3A_2043 = arith.constant 61696 : index
    %get3A_2044 = vector.load %arg1[%get3A_2042, %get3A_2043] : memref<32x65536xf32, #tpu.memory_space<vmem>>, vector<32x128xf32>
    %get3A_2045 = arith.constant 0 : index
    %get3A_2046 = arith.constant 61824 : index
    %get3A_2047 = vector.load %arg1[%get3A_2045, %get3A_2046] : memref<32x65536xf32, #tpu.memory_space<vmem>>, vector<32x128xf32>
    %concatenate3A_2048 = tpu.concatenate %get3A_2038, %get3A_2041, %get3A_2044, %get3A_2047 in 0 : vector<32x128xf32>, vector<32x128xf32>, vector<32x128xf32>, vector<32x128xf32> -> vector<128x128xf32>
    %transpose3A_2049 = tpu.transpose %concatenate3A_2048, [1, 0] : vector<128x128xf32> -> vector<128x128xf32>
    %swap3A_2050 = arith.constant 15360 : index
    %swap3A_2051 = arith.constant 0 : index
    %swap3A_2052 = vector.load %arg2[%swap3A_2050, %swap3A_2051] : memref<16384x128xf32, #tpu.memory_space<vmem>>, vector<128x128xf32>
    tpu.vector_store %arg2[%swap3A_2050, %swap3A_2051], %transpose3A_2049 {strides = array<i32>} : memref<16384x128xf32, #tpu.memory_space<vmem>>, vector<128x128xf32>,
    %get3A_2053 = arith.constant 0 : index
    %get3A_2054 = arith.constant 61952 : index
    %get3A_2055 = vector.load %arg1[%get3A_2053, %get3A_2054] : memref<32x65536xf32, #tpu.memory_space<vmem>>, vector<32x128xf32>
    %get3A_2056 = arith.constant 0 : index
    %get3A_2057 = arith.constant 62080 : index
    %get3A_2058 = vector.load %arg1[%get3A_2056, %get3A_2057] : memref<32x65536xf32, #tpu.memory_space<vmem>>, vector<32x128xf32>
    %get3A_2059 = arith.constant 0 : index
    %get3A_2060 = arith.constant 62208 : index
    %get3A_2061 = vector.load %arg1[%get3A_2059, %get3A_2060] : memref<32x65536xf32, #tpu.memory_space<vmem>>, vector<32x128xf32>
    %get3A_2062 = arith.constant 0 : index
    %get3A_2063 = arith.constant 62336 : index
    %get3A_2064 = vector.load %arg1[%get3A_2062, %get3A_2063] : memref<32x65536xf32, #tpu.memory_space<vmem>>, vector<32x128xf32>
    %concatenate3A_2065 = tpu.concatenate %get3A_2055, %get3A_2058, %get3A_2061, %get3A_2064 in 0 : vector<32x128xf32>, vector<32x128xf32>, vector<32x128xf32>, vector<32x128xf32> -> vector<128x128xf32>
    %transpose3A_2066 = tpu.transpose %concatenate3A_2065, [1, 0] : vector<128x128xf32> -> vector<128x128xf32>
    %swap3A_2067 = arith.constant 15488 : index
    %swap3A_2068 = arith.constant 0 : index
    %swap3A_2069 = vector.load %arg2[%swap3A_2067, %swap3A_2068] : memref<16384x128xf32, #tpu.memory_space<vmem>>, vector<128x128xf32>
    tpu.vector_store %arg2[%swap3A_2067, %swap3A_2068], %transpose3A_2066 {strides = array<i32>} : memref<16384x128xf32, #tpu.memory_space<vmem>>, vector<128x128xf32>,
    %get3A_2070 = arith.constant 0 : index
    %get3A_2071 = arith.constant 62464 : index
    %get3A_2072 = vector.load %arg1[%get3A_2070, %get3A_2071] : memref<32x65536xf32, #tpu.memory_space<vmem>>, vector<32x128xf32>
    %get3A_2073 = arith.constant 0 : index
    %get3A_2074 = arith.constant 62592 : index
    %get3A_2075 = vector.load %arg1[%get3A_2073, %get3A_2074] : memref<32x65536xf32, #tpu.memory_space<vmem>>, vector<32x128xf32>
    %get3A_2076 = arith.constant 0 : index
    %get3A_2077 = arith.constant 62720 : index
    %get3A_2078 = vector.load %arg1[%get3A_2076, %get3A_2077] : memref<32x65536xf32, #tpu.memory_space<vmem>>, vector<32x128xf32>
    %get3A_2079 = arith.constant 0 : index
    %get3A_2080 = arith.constant 62848 : index
    %get3A_2081 = vector.load %arg1[%get3A_2079, %get3A_2080] : memref<32x65536xf32, #tpu.memory_space<vmem>>, vector<32x128xf32>
    %concatenate3A_2082 = tpu.concatenate %get3A_2072, %get3A_2075, %get3A_2078, %get3A_2081 in 0 : vector<32x128xf32>, vector<32x128xf32>, vector<32x128xf32>, vector<32x128xf32> -> vector<128x128xf32>
    %transpose3A_2083 = tpu.transpose %concatenate3A_2082, [1, 0] : vector<128x128xf32> -> vector<128x128xf32>
    %swap3A_2084 = arith.constant 15616 : index
    %swap3A_2085 = arith.constant 0 : index
    %swap3A_2086 = vector.load %arg2[%swap3A_2084, %swap3A_2085] : memref<16384x128xf32, #tpu.memory_space<vmem>>, vector<128x128xf32>
    tpu.vector_store %arg2[%swap3A_2084, %swap3A_2085], %transpose3A_2083 {strides = array<i32>} : memref<16384x128xf32, #tpu.memory_space<vmem>>, vector<128x128xf32>,
    %get3A_2087 = arith.constant 0 : index
    %get3A_2088 = arith.constant 62976 : index
    %get3A_2089 = vector.load %arg1[%get3A_2087, %get3A_2088] : memref<32x65536xf32, #tpu.memory_space<vmem>>, vector<32x128xf32>
    %get3A_2090 = arith.constant 0 : index
    %get3A_2091 = arith.constant 63104 : index
    %get3A_2092 = vector.load %arg1[%get3A_2090, %get3A_2091] : memref<32x65536xf32, #tpu.memory_space<vmem>>, vector<32x128xf32>
    %get3A_2093 = arith.constant 0 : index
    %get3A_2094 = arith.constant 63232 : index
    %get3A_2095 = vector.load %arg1[%get3A_2093, %get3A_2094] : memref<32x65536xf32, #tpu.memory_space<vmem>>, vector<32x128xf32>
    %get3A_2096 = arith.constant 0 : index
    %get3A_2097 = arith.constant 63360 : index
    %get3A_2098 = vector.load %arg1[%get3A_2096, %get3A_2097] : memref<32x65536xf32, #tpu.memory_space<vmem>>, vector<32x128xf32>
    %concatenate3A_2099 = tpu.concatenate %get3A_2089, %get3A_2092, %get3A_2095, %get3A_2098 in 0 : vector<32x128xf32>, vector<32x128xf32>, vector<32x128xf32>, vector<32x128xf32> -> vector<128x128xf32>
    %transpose3A_2100 = tpu.transpose %concatenate3A_2099, [1, 0] : vector<128x128xf32> -> vector<128x128xf32>
    %swap3A_2101 = arith.constant 15744 : index
    %swap3A_2102 = arith.constant 0 : index
    %swap3A_2103 = vector.load %arg2[%swap3A_2101, %swap3A_2102] : memref<16384x128xf32, #tpu.memory_space<vmem>>, vector<128x128xf32>
    tpu.vector_store %arg2[%swap3A_2101, %swap3A_2102], %transpose3A_2100 {strides = array<i32>} : memref<16384x128xf32, #tpu.memory_space<vmem>>, vector<128x128xf32>,
    %get3A_2104 = arith.constant 0 : index
    %get3A_2105 = arith.constant 63488 : index
    %get3A_2106 = vector.load %arg1[%get3A_2104, %get3A_2105] : memref<32x65536xf32, #tpu.memory_space<vmem>>, vector<32x128xf32>
    %get3A_2107 = arith.constant 0 : index
    %get3A_2108 = arith.constant 63616 : index
    %get3A_2109 = vector.load %arg1[%get3A_2107, %get3A_2108] : memref<32x65536xf32, #tpu.memory_space<vmem>>, vector<32x128xf32>
    %get3A_2110 = arith.constant 0 : index
    %get3A_2111 = arith.constant 63744 : index
    %get3A_2112 = vector.load %arg1[%get3A_2110, %get3A_2111] : memref<32x65536xf32, #tpu.memory_space<vmem>>, vector<32x128xf32>
    %get3A_2113 = arith.constant 0 : index
    %get3A_2114 = arith.constant 63872 : index
    %get3A_2115 = vector.load %arg1[%get3A_2113, %get3A_2114] : memref<32x65536xf32, #tpu.memory_space<vmem>>, vector<32x128xf32>
    %concatenate3A_2116 = tpu.concatenate %get3A_2106, %get3A_2109, %get3A_2112, %get3A_2115 in 0 : vector<32x128xf32>, vector<32x128xf32>, vector<32x128xf32>, vector<32x128xf32> -> vector<128x128xf32>
    %transpose3A_2117 = tpu.transpose %concatenate3A_2116, [1, 0] : vector<128x128xf32> -> vector<128x128xf32>
    %swap3A_2118 = arith.constant 15872 : index
    %swap3A_2119 = arith.constant 0 : index
    %swap3A_2120 = vector.load %arg2[%swap3A_2118, %swap3A_2119] : memref<16384x128xf32, #tpu.memory_space<vmem>>, vector<128x128xf32>
    tpu.vector_store %arg2[%swap3A_2118, %swap3A_2119], %transpose3A_2117 {strides = array<i32>} : memref<16384x128xf32, #tpu.memory_space<vmem>>, vector<128x128xf32>,
    %get3A_2121 = arith.constant 0 : index
    %get3A_2122 = arith.constant 64000 : index
    %get3A_2123 = vector.load %arg1[%get3A_2121, %get3A_2122] : memref<32x65536xf32, #tpu.memory_space<vmem>>, vector<32x128xf32>
    %get3A_2124 = arith.constant 0 : index
    %get3A_2125 = arith.constant 64128 : index
    %get3A_2126 = vector.load %arg1[%get3A_2124, %get3A_2125] : memref<32x65536xf32, #tpu.memory_space<vmem>>, vector<32x128xf32>
    %get3A_2127 = arith.constant 0 : index
    %get3A_2128 = arith.constant 64256 : index
    %get3A_2129 = vector.load %arg1[%get3A_2127, %get3A_2128] : memref<32x65536xf32, #tpu.memory_space<vmem>>, vector<32x128xf32>
    %get3A_2130 = arith.constant 0 : index
    %get3A_2131 = arith.constant 64384 : index
    %get3A_2132 = vector.load %arg1[%get3A_2130, %get3A_2131] : memref<32x65536xf32, #tpu.memory_space<vmem>>, vector<32x128xf32>
    %concatenate3A_2133 = tpu.concatenate %get3A_2123, %get3A_2126, %get3A_2129, %get3A_2132 in 0 : vector<32x128xf32>, vector<32x128xf32>, vector<32x128xf32>, vector<32x128xf32> -> vector<128x128xf32>
    %transpose3A_2134 = tpu.transpose %concatenate3A_2133, [1, 0] : vector<128x128xf32> -> vector<128x128xf32>
    %swap3A_2135 = arith.constant 16000 : index
    %swap3A_2136 = arith.constant 0 : index
    %swap3A_2137 = vector.load %arg2[%swap3A_2135, %swap3A_2136] : memref<16384x128xf32, #tpu.memory_space<vmem>>, vector<128x128xf32>
    tpu.vector_store %arg2[%swap3A_2135, %swap3A_2136], %transpose3A_2134 {strides = array<i32>} : memref<16384x128xf32, #tpu.memory_space<vmem>>, vector<128x128xf32>,
    %get3A_2138 = arith.constant 0 : index
    %get3A_2139 = arith.constant 64512 : index
    %get3A_2140 = vector.load %arg1[%get3A_2138, %get3A_2139] : memref<32x65536xf32, #tpu.memory_space<vmem>>, vector<32x128xf32>
    %get3A_2141 = arith.constant 0 : index
    %get3A_2142 = arith.constant 64640 : index
    %get3A_2143 = vector.load %arg1[%get3A_2141, %get3A_2142] : memref<32x65536xf32, #tpu.memory_space<vmem>>, vector<32x128xf32>
    %get3A_2144 = arith.constant 0 : index
    %get3A_2145 = arith.constant 64768 : index
    %get3A_2146 = vector.load %arg1[%get3A_2144, %get3A_2145] : memref<32x65536xf32, #tpu.memory_space<vmem>>, vector<32x128xf32>
    %get3A_2147 = arith.constant 0 : index
    %get3A_2148 = arith.constant 64896 : index
    %get3A_2149 = vector.load %arg1[%get3A_2147, %get3A_2148] : memref<32x65536xf32, #tpu.memory_space<vmem>>, vector<32x128xf32>
    %concatenate3A_2150 = tpu.concatenate %get3A_2140, %get3A_2143, %get3A_2146, %get3A_2149 in 0 : vector<32x128xf32>, vector<32x128xf32>, vector<32x128xf32>, vector<32x128xf32> -> vector<128x128xf32>
    %transpose3A_2151 = tpu.transpose %concatenate3A_2150, [1, 0] : vector<128x128xf32> -> vector<128x128xf32>
    %swap3A_2152 = arith.constant 16128 : index
    %swap3A_2153 = arith.constant 0 : index
    %swap3A_2154 = vector.load %arg2[%swap3A_2152, %swap3A_2153] : memref<16384x128xf32, #tpu.memory_space<vmem>>, vector<128x128xf32>
    tpu.vector_store %arg2[%swap3A_2152, %swap3A_2153], %transpose3A_2151 {strides = array<i32>} : memref<16384x128xf32, #tpu.memory_space<vmem>>, vector<128x128xf32>,
    %get3A_2155 = arith.constant 0 : index
    %get3A_2156 = arith.constant 65024 : index
    %get3A_2157 = vector.load %arg1[%get3A_2155, %get3A_2156] : memref<32x65536xf32, #tpu.memory_space<vmem>>, vector<32x128xf32>
    %get3A_2158 = arith.constant 0 : index
    %get3A_2159 = arith.constant 65152 : index
    %get3A_2160 = vector.load %arg1[%get3A_2158, %get3A_2159] : memref<32x65536xf32, #tpu.memory_space<vmem>>, vector<32x128xf32>
    %get3A_2161 = arith.constant 0 : index
    %get3A_2162 = arith.constant 65280 : index
    %get3A_2163 = vector.load %arg1[%get3A_2161, %get3A_2162] : memref<32x65536xf32, #tpu.memory_space<vmem>>, vector<32x128xf32>
    %get3A_2164 = arith.constant 0 : index
    %get3A_2165 = arith.constant 65408 : index
    %get3A_2166 = vector.load %arg1[%get3A_2164, %get3A_2165] : memref<32x65536xf32, #tpu.memory_space<vmem>>, vector<32x128xf32>
    %concatenate3A_2167 = tpu.concatenate %get3A_2157, %get3A_2160, %get3A_2163, %get3A_2166 in 0 : vector<32x128xf32>, vector<32x128xf32>, vector<32x128xf32>, vector<32x128xf32> -> vector<128x128xf32>
    %transpose3A_2168 = tpu.transpose %concatenate3A_2167, [1, 0] : vector<128x128xf32> -> vector<128x128xf32>
    %swap3A_2169 = arith.constant 16256 : index
    %swap3A_2170 = arith.constant 0 : index
    %swap3A_2171 = vector.load %arg2[%swap3A_2169, %swap3A_2170] : memref<16384x128xf32, #tpu.memory_space<vmem>>, vector<128x128xf32>
    tpu.vector_store %arg2[%swap3A_2169, %swap3A_2170], %transpose3A_2168 {strides = array<i32>} : memref<16384x128xf32, #tpu.memory_space<vmem>>, vector<128x128xf32>,
    return
  }
  func.func @transform_0(%arg0: i32) -> (i32, i32) {
    %c0_i32 = arith.constant 0 : i32
    %c0_i32_0 = arith.constant 0 : i32
    return %c0_i32, %arg0 : i32, i32
  }
  func.func @transform_1(%arg0: i32) -> (i32, i32) {
    %c0_i32 = arith.constant 0 : i32
    %c0_i32_0 = arith.constant 0 : i32
    return %arg0, %c0_i32 : i32, i32
  }
}

module attributes {stable_mosaic.version = 14 : i64} {
  func.func @_mlp_body(%arg0: i32, %arg1: memref<8192x128xf32, #tpu.memory_space<vmem>>, %arg2: memref<8192x128xf32, #tpu.memory_space<vmem>>, %arg3: memref<8192x1xi32, #tpu.memory_space<vmem>>, %arg4: memref<8192x1xi32, #tpu.memory_space<vmem>>, %arg5: memref<128x128xf32, #tpu.memory_space<vmem>>, %arg6: memref<128x128xf32, #tpu.memory_space<vmem>>, %arg7: memref<1x128xf32, #tpu.memory_space<vmem>>, %arg8: memref<128x64xf32, #tpu.memory_space<vmem>>, %arg9: memref<1x64xf32, #tpu.memory_space<vmem>>, %arg10: memref<64x32xf32, #tpu.memory_space<vmem>>, %arg11: memref<1x32xf32, #tpu.memory_space<vmem>>, %arg12: memref<32x1xf32, #tpu.memory_space<vmem>>, %arg13: memref<1x1xf32, #tpu.memory_space<vmem>>, %arg14: memref<8192x1xf32, #tpu.memory_space<vmem>>) attributes {dimension_semantics = [#tpu.dimension_semantics<parallel>], iteration_bounds = array<i64: 2>, scalar_prefetch = 0 : i64, scratch_operands = 0 : i64, tpu.core_type = #tpu.core_type<tc>, window_params = [{transform_indices = @transform_0, window_bounds = array<i64: 8192, 128>}, {transform_indices = @transform_1, window_bounds = array<i64: 8192, 128>}, {transform_indices = @transform_2, window_bounds = array<i64: 8192, 1>}, {transform_indices = @transform_3, window_bounds = array<i64: 8192, 1>}, {pipeline_mode = #tpu.pipeline_mode<synchronous>, transform_indices = @transform_4, window_bounds = array<i64: 128, 128>}, {pipeline_mode = #tpu.pipeline_mode<synchronous>, transform_indices = @transform_5, window_bounds = array<i64: 128, 128>}, {pipeline_mode = #tpu.pipeline_mode<synchronous>, transform_indices = @transform_6, window_bounds = array<i64: 1, 128>}, {pipeline_mode = #tpu.pipeline_mode<synchronous>, transform_indices = @transform_7, window_bounds = array<i64: 128, 64>}, {pipeline_mode = #tpu.pipeline_mode<synchronous>, transform_indices = @transform_8, window_bounds = array<i64: 1, 64>}, {pipeline_mode = #tpu.pipeline_mode<synchronous>, transform_indices = @transform_9, window_bounds = array<i64: 64, 32>}, {pipeline_mode = #tpu.pipeline_mode<synchronous>, transform_indices = @transform_10, window_bounds = array<i64: 1, 32>}, {pipeline_mode = #tpu.pipeline_mode<synchronous>, transform_indices = @transform_11, window_bounds = array<i64: 32, 1>}, {pipeline_mode = #tpu.pipeline_mode<synchronous>, transform_indices = @transform_12, window_bounds = array<i64: 1, 1>}, {transform_indices = @transform_13, window_bounds = array<i64: 8192, 1>}]} {
    %iota3A = tpu.iota {dimensions = array<i32: 1>} : vector<8192x128xi32>
    %jit3A = arith.constant 32 : i32
    %div3A = vector.broadcast %jit3A : i32 to vector<8192x128xi32>
    %div3A_0 = arith.divsi %iota3A, %div3A : vector<8192x128xi32>
    %sign3A = arith.constant 0 : i32
    %sign3A_1 = vector.broadcast %sign3A : i32 to vector<8192x128xi32>
    %sign3A_2 = arith.cmpi sgt, %iota3A, %sign3A_1 : vector<8192x128xi32>
    %sign3A_3 = arith.extui %sign3A_2 : vector<8192x128xi1> to vector<8192x128xi32>
    %sign3A_4 = arith.constant 0 : i32
    %sign3A_5 = vector.broadcast %sign3A_4 : i32 to vector<8192x128xi32>
    %sign3A_6 = arith.cmpi slt, %iota3A, %sign3A_5 : vector<8192x128xi32>
    %sign3A_7 = arith.extui %sign3A_6 : vector<8192x128xi1> to vector<8192x128xi32>
    %sign3A_8 = arith.subi %sign3A_3, %sign3A_7 : vector<8192x128xi32>
    %sign3A_9 = arith.constant 0 : i32
    %sign3A_10 = arith.cmpi sgt, %jit3A, %sign3A_9 : i32
    %sign3A_11 = arith.extui %sign3A_10 : i1 to i32
    %sign3A_12 = arith.constant 0 : i32
    %sign3A_13 = arith.cmpi slt, %jit3A, %sign3A_12 : i32
    %sign3A_14 = arith.extui %sign3A_13 : i1 to i32
    %sign3A_15 = arith.subi %sign3A_11, %sign3A_14 : i32
    %ne3A = vector.broadcast %sign3A_15 : i32 to vector<8192x128xi32>
    %ne3A_16 = arith.cmpi ne, %sign3A_8, %ne3A : vector<8192x128xi32>
    %rem3A = vector.broadcast %jit3A : i32 to vector<8192x128xi32>
    %rem3A_17 = arith.remsi %iota3A, %rem3A : vector<8192x128xi32>
    %ne3A_18 = arith.constant 0 : i32
    %ne3A_19 = vector.broadcast %ne3A_18 : i32 to vector<8192x128xi32>
    %ne3A_20 = arith.cmpi ne, %rem3A_17, %ne3A_19 : vector<8192x128xi32>
    %and3A = arith.andi %ne3A_16, %ne3A_20 : vector<8192x128xi1>
    %sub3A = arith.constant 1 : i32
    %sub3A_21 = vector.broadcast %sub3A : i32 to vector<8192x128xi32>
    %sub3A_22 = arith.subi %div3A_0, %sub3A_21 : vector<8192x128xi32>
    %select_n3A = arith.select %and3A, %sub3A_22, %div3A_0 : vector<8192x128xi1>, vector<8192x128xi32>
    %get3A = arith.constant 0 : index
    %get3A_23 = arith.constant 0 : index
    %get3A_24 = vector.load %arg3[%get3A, %get3A_23] : memref<8192x1xi32, #tpu.memory_space<vmem>>, vector<8192x1xi32>
    %eq3A = vector.broadcast %get3A_24 : vector<8192x1xi32> to vector<8192x128xi32>
    %eq3A_25 = arith.cmpi eq, %select_n3A, %eq3A : vector<8192x128xi32>
    %convert_element_type3A = arith.extui %eq3A_25 : vector<8192x128xi1> to vector<8192x128xi32>
    %convert_element_type3A_26 = arith.sitofp %convert_element_type3A : vector<8192x128xi32> to vector<8192x128xf32>
    %get3A_27 = arith.constant 0 : index
    %get3A_28 = arith.constant 0 : index
    %get3A_29 = vector.load %arg4[%get3A_27, %get3A_28] : memref<8192x1xi32, #tpu.memory_space<vmem>>, vector<8192x1xi32>
    %eq3A_30 = vector.broadcast %get3A_29 : vector<8192x1xi32> to vector<8192x128xi32>
    %eq3A_31 = arith.cmpi eq, %select_n3A, %eq3A_30 : vector<8192x128xi32>
    %convert_element_type3A_32 = arith.extui %eq3A_31 : vector<8192x128xi1> to vector<8192x128xi32>
    %convert_element_type3A_33 = arith.sitofp %convert_element_type3A_32 : vector<8192x128xi32> to vector<8192x128xf32>
    %get3A_34 = arith.constant 0 : index
    %get3A_35 = arith.constant 0 : index
    %get3A_36 = vector.load %arg1[%get3A_34, %get3A_35] : memref<8192x128xf32, #tpu.memory_space<vmem>>, vector<8192x128xf32>
    %mul3A = arith.mulf %get3A_36, %convert_element_type3A_26 : vector<8192x128xf32>
    %get3A_37 = arith.constant 0 : index
    %get3A_38 = arith.constant 0 : index
    %get3A_39 = vector.load %arg5[%get3A_37, %get3A_38] : memref<128x128xf32, #tpu.memory_space<vmem>>, vector<128x128xf32>
    %dot_general3A = arith.constant dense<0.000000e+00> : vector<8192x128xf32>
    %dot_general3A_40 = tpu.matmul %mul3A, %get3A_39, %dot_general3A {dimension_numbers = #tpu.dot_dimension_numbers<[1], [0], [0], [1], [0, 0, 1, 1], [], []>, transpose_lhs_hint = false} : vector<8192x128xf32>, vector<128x128xf32>, vector<8192x128xf32> -> vector<8192x128xf32>
    %get3A_41 = arith.constant 0 : index
    %get3A_42 = arith.constant 0 : index
    %get3A_43 = vector.load %arg2[%get3A_41, %get3A_42] : memref<8192x128xf32, #tpu.memory_space<vmem>>, vector<8192x128xf32>
    %mul3A_44 = arith.mulf %get3A_43, %convert_element_type3A_33 : vector<8192x128xf32>
    %get3A_45 = arith.constant 0 : index
    %get3A_46 = arith.constant 0 : index
    %get3A_47 = vector.load %arg6[%get3A_45, %get3A_46] : memref<128x128xf32, #tpu.memory_space<vmem>>, vector<128x128xf32>
    %dot_general3A_48 = arith.constant dense<0.000000e+00> : vector<8192x128xf32>
    %dot_general3A_49 = tpu.matmul %mul3A_44, %get3A_47, %dot_general3A_48 {dimension_numbers = #tpu.dot_dimension_numbers<[1], [0], [0], [1], [0, 0, 1, 1], [], []>, transpose_lhs_hint = false} : vector<8192x128xf32>, vector<128x128xf32>, vector<8192x128xf32> -> vector<8192x128xf32>
    %add3A = arith.addf %dot_general3A_40, %dot_general3A_49 : vector<8192x128xf32>
    %get3A_50 = arith.constant 0 : index
    %get3A_51 = arith.constant 0 : index
    %get3A_52 = vector.load %arg7[%get3A_50, %get3A_51] : memref<1x128xf32, #tpu.memory_space<vmem>>, vector<1x128xf32>
    %add3A_53 = vector.broadcast %get3A_52 : vector<1x128xf32> to vector<8192x128xf32>
    %add3A_54 = arith.addf %add3A, %add3A_53 : vector<8192x128xf32>
    %max3A = arith.constant 0.000000e+00 : f32
    %max3A_55 = vector.broadcast %max3A : f32 to vector<8192x128xf32>
    %max3A_56 = arith.maximumf %add3A_54, %max3A_55 : vector<8192x128xf32>
    %get3A_57 = arith.constant 0 : index
    %get3A_58 = arith.constant 0 : index
    %get3A_59 = vector.load %arg8[%get3A_57, %get3A_58] : memref<128x64xf32, #tpu.memory_space<vmem>>, vector<128x64xf32>
    %dot_general3A_60 = arith.constant dense<0.000000e+00> : vector<8192x64xf32>
    %dot_general3A_61 = tpu.matmul %max3A_56, %get3A_59, %dot_general3A_60 {dimension_numbers = #tpu.dot_dimension_numbers<[1], [0], [0], [1], [0, 0, 1, 1], [], []>, transpose_lhs_hint = false} : vector<8192x128xf32>, vector<128x64xf32>, vector<8192x64xf32> -> vector<8192x64xf32>
    %get3A_62 = arith.constant 0 : index
    %get3A_63 = arith.constant 0 : index
    %get3A_64 = vector.load %arg9[%get3A_62, %get3A_63] : memref<1x64xf32, #tpu.memory_space<vmem>>, vector<1x64xf32>
    %add3A_65 = vector.broadcast %get3A_64 : vector<1x64xf32> to vector<8192x64xf32>
    %add3A_66 = arith.addf %dot_general3A_61, %add3A_65 : vector<8192x64xf32>
    %max3A_67 = arith.constant 0.000000e+00 : f32
    %max3A_68 = vector.broadcast %max3A_67 : f32 to vector<8192x64xf32>
    %max3A_69 = arith.maximumf %add3A_66, %max3A_68 : vector<8192x64xf32>
    %get3A_70 = arith.constant 0 : index
    %get3A_71 = arith.constant 0 : index
    %get3A_72 = vector.load %arg10[%get3A_70, %get3A_71] : memref<64x32xf32, #tpu.memory_space<vmem>>, vector<64x32xf32>
    %dot_general3A_73 = arith.constant dense<0.000000e+00> : vector<8192x32xf32>
    %dot_general3A_74 = tpu.matmul %max3A_69, %get3A_72, %dot_general3A_73 {dimension_numbers = #tpu.dot_dimension_numbers<[1], [0], [0], [1], [0, 0, 1, 1], [], []>, transpose_lhs_hint = false} : vector<8192x64xf32>, vector<64x32xf32>, vector<8192x32xf32> -> vector<8192x32xf32>
    %get3A_75 = arith.constant 0 : index
    %get3A_76 = arith.constant 0 : index
    %get3A_77 = vector.load %arg11[%get3A_75, %get3A_76] : memref<1x32xf32, #tpu.memory_space<vmem>>, vector<1x32xf32>
    %add3A_78 = vector.broadcast %get3A_77 : vector<1x32xf32> to vector<8192x32xf32>
    %add3A_79 = arith.addf %dot_general3A_74, %add3A_78 : vector<8192x32xf32>
    %max3A_80 = arith.constant 0.000000e+00 : f32
    %max3A_81 = vector.broadcast %max3A_80 : f32 to vector<8192x32xf32>
    %max3A_82 = arith.maximumf %add3A_79, %max3A_81 : vector<8192x32xf32>
    %get3A_83 = arith.constant 0 : index
    %get3A_84 = arith.constant 0 : index
    %get3A_85 = vector.load %arg12[%get3A_83, %get3A_84] : memref<32x1xf32, #tpu.memory_space<vmem>>, vector<32x1xf32>
    %dot_general3A_86 = arith.constant dense<0.000000e+00> : vector<8192x1xf32>
    %dot_general3A_87 = tpu.matmul %max3A_82, %get3A_85, %dot_general3A_86 {dimension_numbers = #tpu.dot_dimension_numbers<[1], [0], [0], [1], [0, 0, 1, 1], [], []>, transpose_lhs_hint = false} : vector<8192x32xf32>, vector<32x1xf32>, vector<8192x1xf32> -> vector<8192x1xf32>
    %get3A_88 = arith.constant 0 : index
    %get3A_89 = arith.constant 0 : index
    %get3A_90 = vector.load %arg13[%get3A_88, %get3A_89] : memref<1x1xf32, #tpu.memory_space<vmem>>, vector<1x1xf32>
    %add3A_91 = vector.broadcast %get3A_90 : vector<1x1xf32> to vector<8192x1xf32>
    %add3A_92 = arith.addf %dot_general3A_87, %add3A_91 : vector<8192x1xf32>
    %neg3A = arith.constant 0.000000e+00 : f32
    %neg3A_93 = vector.broadcast %neg3A : f32 to vector<8192x1xf32>
    %neg3A_94 = arith.subf %neg3A_93, %add3A_92 : vector<8192x1xf32>
    %exp3A = math.exp %neg3A_94 : vector<8192x1xf32>
    %add3A_95 = arith.constant 1.000000e+00 : f32
    %add3A_96 = vector.broadcast %add3A_95 : f32 to vector<8192x1xf32>
    %add3A_97 = arith.addf %add3A_96, %exp3A : vector<8192x1xf32>
    %div3A_98 = arith.constant 1.000000e+00 : f32
    %div3A_99 = vector.broadcast %div3A_98 : f32 to vector<8192x1xf32>
    %div3A_100 = arith.divf %div3A_99, %add3A_97 : vector<8192x1xf32>
    %swap3A = arith.constant 0 : index
    %swap3A_101 = arith.constant 0 : index
    %swap3A_102 = vector.load %arg14[%swap3A, %swap3A_101] : memref<8192x1xf32, #tpu.memory_space<vmem>>, vector<8192x1xf32>
    tpu.vector_store %arg14[%swap3A, %swap3A_101], %div3A_100 {strides = array<i32>} : memref<8192x1xf32, #tpu.memory_space<vmem>>, vector<8192x1xf32>,
    return
  }
  func.func @transform_0(%arg0: i32) -> (i32, i32) {
    %c0_i32 = arith.constant 0 : i32
    %c0_i32_0 = arith.constant 0 : i32
    return %arg0, %c0_i32 : i32, i32
  }
  func.func @transform_1(%arg0: i32) -> (i32, i32) {
    %c0_i32 = arith.constant 0 : i32
    %c0_i32_0 = arith.constant 0 : i32
    return %arg0, %c0_i32 : i32, i32
  }
  func.func @transform_2(%arg0: i32) -> (i32, i32) {
    %c0_i32 = arith.constant 0 : i32
    %c0_i32_0 = arith.constant 0 : i32
    return %arg0, %c0_i32 : i32, i32
  }
  func.func @transform_3(%arg0: i32) -> (i32, i32) {
    %c0_i32 = arith.constant 0 : i32
    %c0_i32_0 = arith.constant 0 : i32
    return %arg0, %c0_i32 : i32, i32
  }
  func.func @transform_4(%arg0: i32) -> (i32, i32) {
    %c0_i32 = arith.constant 0 : i32
    %c0_i32_0 = arith.constant 0 : i32
    %c0_i32_1 = arith.constant 0 : i32
    return %c0_i32, %c0_i32_0 : i32, i32
  }
  func.func @transform_5(%arg0: i32) -> (i32, i32) {
    %c0_i32 = arith.constant 0 : i32
    %c0_i32_0 = arith.constant 0 : i32
    %c0_i32_1 = arith.constant 0 : i32
    return %c0_i32, %c0_i32_0 : i32, i32
  }
  func.func @transform_6(%arg0: i32) -> (i32, i32) {
    %c0_i32 = arith.constant 0 : i32
    %c0_i32_0 = arith.constant 0 : i32
    %c0_i32_1 = arith.constant 0 : i32
    return %c0_i32, %c0_i32_0 : i32, i32
  }
  func.func @transform_7(%arg0: i32) -> (i32, i32) {
    %c0_i32 = arith.constant 0 : i32
    %c0_i32_0 = arith.constant 0 : i32
    %c0_i32_1 = arith.constant 0 : i32
    return %c0_i32, %c0_i32_0 : i32, i32
  }
  func.func @transform_8(%arg0: i32) -> (i32, i32) {
    %c0_i32 = arith.constant 0 : i32
    %c0_i32_0 = arith.constant 0 : i32
    %c0_i32_1 = arith.constant 0 : i32
    return %c0_i32, %c0_i32_0 : i32, i32
  }
  func.func @transform_9(%arg0: i32) -> (i32, i32) {
    %c0_i32 = arith.constant 0 : i32
    %c0_i32_0 = arith.constant 0 : i32
    %c0_i32_1 = arith.constant 0 : i32
    return %c0_i32, %c0_i32_0 : i32, i32
  }
  func.func @transform_10(%arg0: i32) -> (i32, i32) {
    %c0_i32 = arith.constant 0 : i32
    %c0_i32_0 = arith.constant 0 : i32
    %c0_i32_1 = arith.constant 0 : i32
    return %c0_i32, %c0_i32_0 : i32, i32
  }
  func.func @transform_11(%arg0: i32) -> (i32, i32) {
    %c0_i32 = arith.constant 0 : i32
    %c0_i32_0 = arith.constant 0 : i32
    %c0_i32_1 = arith.constant 0 : i32
    return %c0_i32, %c0_i32_0 : i32, i32
  }
  func.func @transform_12(%arg0: i32) -> (i32, i32) {
    %c0_i32 = arith.constant 0 : i32
    %c0_i32_0 = arith.constant 0 : i32
    %c0_i32_1 = arith.constant 0 : i32
    return %c0_i32, %c0_i32_0 : i32, i32
  }
  func.func @transform_13(%arg0: i32) -> (i32, i32) {
    %c0_i32 = arith.constant 0 : i32
    %c0_i32_0 = arith.constant 0 : i32
    return %arg0, %c0_i32 : i32, i32
  }
}

</mosaic_0001>

<sc_bundles>
// kernel: kernel.10.cloned.1.call-start
scs
__scs_entry_jumppad:
0x0: {  	(pc) =	sbr.rel $0x88, $3  }
0x1: {  	(tag) =	ssettag $0x0;
	lr =	simm.s32 $0x1  }
0x2: {  	[smem:$0x3F95] =	sst lr;
	_ =	strace $0xD0000000  }
0x3: {  	_ = 	snop  }
0x4: {  	_ = 	snop  }
0x5: {  	_ = 	snop  }
0x6: {  	_ = 	snop  }
0x7: {  	_ = 	snop  }
__scs_overlays_trampoline_lowered:
0x8: {  	[smem:$0x3FA4] =	sst s0  }
0x9: {  	[smem:$0x3FA5] =	sst s1  }
0xa: {  	[smem:$0x3FA6] =	sst s2  }
0xb: {  	[smem:$0x3FA7] =	sst s3  }
0xc: {  	[smem:$0x3FA8] =	sst s4  }
0xd: {  	[smem:$0x3FA9] =	sst s5  }
0xe: {  	[smem:$0x3FAA] =	sst s6  }
0xf: {  	[smem:$0x3FAB] =	sst s7  }
0x10: {  	[smem:$0x3FAC] =	sst s8  }
0x11: {  	[smem:$0x3FAD] =	sst s9;
	s0 =	simm.s32 @!p0 $0x0  }
0x12: {  	s1 =	sld [smem:$0x3F93];
	s0 =	simm.s32 @p0 $0x1  }
0x13: {  	[smem:$0x3FAE] =	sst s0;
	s0 =	simm.s32 @!p1 $0x0  }
0x14: {  	s2 =	sld [smem:$0x3F92];
	s0 =	simm.s32 @p1 $0x1  }
0x15: {  	[smem:$0x3FAF] =	sst s0;
	s0 =	simm.s32 @!p2 $0x0  }
0x16: {  	s3 =	sld [smem:$0x3FDB];
	s0 =	simm.s32 @p2 $0x1  }
0x17: {  	s4 =	simm.s32 $0x1BF5;
	[smem:$0x3FB1] =	sst s0  }
0x18: {  	s0 =	sld [smem:$0x3F94];
	_ =	swait.ge [sflag:s4], $0x0  }
0x19: {  	s7 =	sld [smem:$0x3F95]  }
0x1a: {  	s8 =	sadd.s32 $0xFFFFE003, lr  }
0x1b: {  	s9 =	sadd.s32 $0xFFFFFEF7, lr;
	s5 =	simm.s32 $0xFFFFFFFF;
	p2 =	slt.u32 s8, $0xFFFFF086  }
0x1c: {  	p1 =	slt.u32 s9, $0xF7A;
	s5 =	simm.s32 @!p2 $0x0  }
0x1d: {  	s5 =	simm.s32 @p1 $0x1;
	p0 =	seq.s32 s7, s2  }
0x1e: {  	s7 =	smul.u32 @!p0 $0xF7A, s2;
	p2 =	seq.s32 @!p0 s5, $0x0  }
0x1f: {  	s9 =	smul.u32 $0xF7A, s1;
	s8 =	simm.s32 @!p0 $0x1BF5;
	p2 =	por !p2, p0  }
0x20: {  	[sflag:s8] =	ssyncset.s32 @!p0 $0xFFFFF086;
	s6 =	sadd.s32 @!p0 s3, s7;
	s7 =	simm.s32 @!p0 $0x108  }
0x21: {  	s3 =	sadd.s32 s3, s9;
	s6 =	sadd.s32 @!p0 $0x88, s6;
	s7 =	simm.s32 @p2 $0x1082  }
0x22: {  	[simem:s7], [sflag:s8] =	dma.local @!p0 [hbm:s6], $0xF7A  }
0x23: {  	s9 =	sor.u32 $0xD0000000, s2;
	s6 =	simm.s32 $0x108;
	_ =	swait.ge @!p0 [sflag:s8], $0x0  }
0x24: {  	s3 =	sadd.s32 $0x88, s3;
	s6 =	simm.s32 @!p1 $0x1082;
	[sflag:s4] =	ssyncset.s32 $0xFFFFF086  }
0x25: {  	[simem:s6], [sflag:s4] =	dma.local [hbm:s3], $0xF7A  }
0x26: {  	[smem:$0x3F95] =	sst s1;
	(tag) =	ssettag s2;
	_ =	strace s9  }
0x27: {  	s1 =	sld [smem:$0x3FA5]  }
0x28: {  	s2 =	sld [smem:$0x3FA6]  }
0x29: {  	s4 =	sld [smem:$0x3FA8]  }
0x2a: {  	p0 =	seq.s32 s5, $0x0;
	s5 =	sld [smem:$0x3FA9]  }
0x2b: {  	s6 =	sld [smem:$0x3FAA]  }
0x2c: {  	s7 =	sld [smem:$0x3FAB]  }
0x2d: {  	s3 =	simm.s32 $0x108;
	s8 =	sld [smem:$0x3FAC]  }
0x2e: {  	s3 =	simm.s32 @!p0 $0x1082;
	s9 =	sld [smem:$0x3FAD]  }
0x2f: {  	lr =	sadd.s32 s0, s3;
	s0 =	sld [smem:$0x3FA4]  }
0x30: {  	s3 =	sld [smem:$0x3FA7]  }
0x31: {  	[smem:$0x3FB0] =	sst s10  }
0x32: {  	s10 =	sld [smem:$0x3FAE];
	_ =	sdelay $0x3  }
0x33: {  	p0 =	seq.s32 s10, $0x1;
	s10 =	sld [smem:$0x3FB0];
	_ =	sdelay $0x3  }
0x34: {  	[smem:$0x3FB0] =	sst s10  }
0x35: {  	s10 =	sld [smem:$0x3FAF];
	_ =	sdelay $0x3  }
0x36: {  	p1 =	seq.s32 s10, $0x1;
	s10 =	sld [smem:$0x3FB0];
	_ =	sdelay $0x3  }
0x37: {  	[smem:$0x3FB0] =	sst s10  }
0x38: {  	s10 =	sld [smem:$0x3FB1]  }
0x39: {  	_ = 	snop;
	(pc) =	sbr.ind lr, $3  }
0x3a: {  	_ = 	snop  }
0x3b: {  	_ = 	snop  }
0x3c: {  	p2 =	seq.s32 s10, $0x1;
	s10 =	sld [smem:$0x3FB0]  }
0x3d: {  	_ =	shalt  }
0x3e: {  	_ =	shalt  }
0x3f: {  	_ =	shalt  }
0x40: {  	_ =	shalt  }
0x41: {  	_ =	shalt  }
0x42: {  	_ =	shalt  }
0x43: {  	_ =	shalt  }
0x44: {  	_ =	shalt  }
0x45: {  	_ =	shalt  }
0x46: {  	_ =	shalt  }
0x47: {  	_ =	shalt  }
0x48: {  	_ =	shalt  }
0x49: {  	_ =	shalt  }
0x4a: {  	_ =	shalt  }
0x4b: {  	_ =	shalt  }
0x4c: {  	_ =	shalt  }
0x4d: {  	_ =	shalt  }
0x4e: {  	_ =	shalt  }
0x4f: {  	_ =	shalt  }
0x50: {  	_ =	shalt  }
0x51: {  	_ =	shalt  }
0x52: {  	_ =	shalt  }
0x53: {  	_ =	shalt  }
0x54: {  	_ =	shalt  }
0x55: {  	_ =	shalt  }
0x56: {  	_ =	shalt  }
0x57: {  	_ =	shalt  }
0x58: {  	_ =	shalt  }
0x59: {  	_ =	shalt  }
0x5a: {  	_ =	shalt  }
0x5b: {  	_ =	shalt  }
0x5c: {  	_ =	shalt  }
0x5d: {  	_ =	shalt  }
0x5e: {  	_ =	shalt  }
0x5f: {  	_ =	shalt  }
0x60: {  	_ =	shalt  }
0x61: {  	_ =	shalt  }
0x62: {  	_ =	shalt  }
0x63: {  	_ =	shalt  }
0x64: {  	_ =	shalt  }
0x65: {  	_ =	shalt  }
0x66: {  	_ =	shalt  }
0x67: {  	_ =	shalt  }
0x68: {  	_ =	shalt  }
0x69: {  	_ =	shalt  }
0x6a: {  	_ =	shalt  }
0x6b: {  	_ =	shalt  }
0x6c: {  	_ =	shalt  }
0x6d: {  	_ =	shalt  }
0x6e: {  	_ =	shalt  }
0x6f: {  	_ =	shalt  }
0x70: {  	_ =	shalt  }
0x71: {  	_ =	shalt  }
0x72: {  	_ =	shalt  }
0x73: {  	_ =	shalt  }
0x74: {  	_ =	shalt  }
0x75: {  	_ =	shalt  }
0x76: {  	_ =	shalt  }
0x77: {  	_ =	shalt  }
0x78: {  	_ =	shalt  }
0x79: {  	_ =	shalt  }
0x7a: {  	_ =	shalt  }
0x7b: {  	_ =	shalt  }
0x7c: {  	_ =	shalt  }
0x7d: {  	_ =	shalt  }
0x7e: {  	_ =	shalt  }
0x7f: {  	_ =	shalt  }
0x80: {  	_ =	shalt  }
0x81: {  	_ =	shalt  }
0x82: {  	_ =	shalt  }
0x83: {  	_ =	shalt  }
0x84: {  	_ =	shalt  }
0x85: {  	_ =	shalt  }
0x86: {  	_ =	shalt  }
0x87: {  	_ =	shalt  }
.Lfunc_end0:
.L_simem_size_0:
called_computation.1_lowered:
.L_overlay_start_0:
0x88: {  	s2 =	sld [smem:$0x3FD9]  }
0x89: {  	s3 =	sld [smem:$0x3FFE];
	_ =	sdelay $0x1  }
0x8a: {  	s1 =	srdreg.scid  }
0x8b: {  	s0 =	sand.u32 $0x1, s1  }
0x8c: {  	s16 =	sshll.u32 s0, $0xA;
	s2 =	sadd.s32 s3, s2  }
0x8d: {  	s2 =	sadd.s32 s2, s16  }
0x8e: {  	[smem:$0x3FBC] =	sst s2  }
0x8f: {  	_ = 	snop  }
0x90: {  	(tm) =	ssettm $0x1  }
0x91: {  	s17 =	sld [smem:$0x3FFB];
	_ =	sdelay $0x3  }
0x92: {  	_ =	strace s17  }
0x93: {  	s2 =	sld [smem:$0x3FFC];
	_ =	sdelay $0x3  }
0x94: {  	_ =	strace s2  }
0x95: {  	s2 =	sld [smem:$0x3FFD];
	_ =	sdelay $0x3  }
0x96: {  	_ =	strace s2  }
0x97: {  	_ =	strace $0x8FFFFFFF  }
0x98: {  	s18 =	sld [smem:$0x3FDB];
	_ =	sdelay $0x1  }
0x99: {  	s19 =	simm.s32 $_scs_section_size  }
0x9a: {  	s4 =	simm.s32 $_size__tile_overlayer_lowered;
	s5 =	simm.s32 $_tile_overlayer_lowered  }
0x9b: {  	s22 =	simm.s32 $0x1BFF;
	s21 =	sshll.u32 s5, $0x1;
	s2 =	sadd.s32 s19, s18  }
0x9c: {  	s6 =	simm.s32 $0x0;
	s20 =	sshll.u32 s4, $0x1;
	s4 =	sadd.s32 s21, s2  }
0x9d: {  	[timem:s6], [sflag:s22] =	dma.local [hbm:s4], s20  }
0x9e: {  	_ =	swait.ge [sflag:s22], s20  }
0x9f: {  	s3 =	ssub.s32 $0x0, s20;
	[sflag:s22] =	ssyncset.done $0x0  }
0xa0: {  	[sflag:s22] =	ssyncadd.s32 s3;
	_ =	sdelay $0x1  }
0xa1: {  	s23 =	simm.s32 $0x1B8B  }
0xa2: {  	_ =	swait.ge [sflag:s23], $0x1  }
0xa3: {  	[sflag:s23] =	ssyncset.done $0x0  }
0xa4: {  	s25 =	simm.s32 $0x1B8E;
	s24 =	sld [smem:$0x3FFE];
	[sflag:s23] =	ssyncadd.s32 $0xFFFFFFFF  }
0xa5: {  	s26 =	simm.s32 $execute0_lowered;
	[smem:$0x3FD2] =	sst s25  }
0xa6: {  	s4 =	sshll.u32 s26, $0x1;
	_ =	strace $0x80000046;
	[dreg:$0x1] =	wrdreg $0xFFFFFFFF  }
0xa7: {  	s28 =	simm.s32 $_size_execute0_lowered;
	s2 =	sadd.s32 s2, s4;
	[dreg:$0x0] =	wrdreg $0x0  }
0xa8: {  	s4 =	sshll.u32 s28, $0x1;
	[dreg:$0x2] =	wrdreg s2  }
0xa9: {  	[dreg:$0x3] =	wrdreg s4  }
0xaa: {  	[dreg:$0x4] =	wrdreg $0xC0  }
0xab: {  	_ =	task [dreg:s6], $0x5FFFF  }
0xac: {  	[dreg:$0x1] =	wrdreg $0xFFFFFFFF  }
0xad: {  	[dreg:$0x0] =	wrdreg $0x60  }
0xae: {  	[dreg:$0x2] =	wrdreg s24  }
0xaf: {  	[dreg:$0x3] =	wrdreg $0xA  }
0xb0: {  	_ =	task.clear_ibuf [dreg:s6], $0x4FFFF;
	_ =	strace $0x90000046  }
0xb1: {  	s29 =	simm.s32 $0xA;
	_ =	strace $0x80000048  }
0xb2: {  	_ =	swait.ge [sflag:s29], $0x1  }
0xb3: {  	[sflag:s29] =	ssyncadd.s32 $0xFFFFFFFF  }
0xb4: {  	_ =	strace $0x90000048  }
0xb5: {  	_ =	sfence  }
0xb6: {  	s30 =	sld [smem:$0x0];
	_ =	sdelay $0x2  }
0xb7: {  	s31 =	sshll.u32 s1, $0xD;
	s1 =	sshrl.u32 s1, $0x2  }
0xb8: {  	s3 =	sand.u32 $0x4000, s31;
	s1 =	sadd.s32 s1, s30  }
0xb9: {  	s0 =	sor.u32 s3, s0;
	s1 =	sshll.u32 s1, $0x11  }
0xba: {  	s0 =	sor.u32 s1, s0  }
0xbb: {  	s0 =	sadd.s32 $0x8F2B, s0  }
0xbc: {  	[sflag:s0] =	ssyncadd.remote.s32 $0x1  }
0xbd: {  	_ =	sfence.sel $0xFFFF  }
0xbe: {  	[dreg:$0x0] =	wrdreg $0xFFFFFFFF;
	(pc) =	sbr.abs _section_cstart, $3  }
0xbf: {  	[dreg:$0x1] =	wrdreg $0xFFFFFFFF  }
0xc0: {  	_ =	task.clear_ibuf [dreg:s6], $0x2FFFF;
	_ =	strace $0x9FFFFFFF  }
0xc1: {  	(tm) =	ssettm $0x7FFFFFFF  }
tec
execute0_lowered:
.L_overlay_start_1:
0x0: {  	(tag) =	ssettag $0x1  }
0x1: {  	s0 =	srdreg.scid  }
0x2: {  	s14 =	rddreg [dreg:$0x0];
	s15 =	sand.u32 $0x1, s0  }
0x3: {  	s1 =	stileid.u32;
	s2 =	simm.s32 $0x0;
	s3 =	sshll.u32 s15, $0x6  }
0x4: {  	s0 =	rddreg [dreg:$0x1];
	s4 =	sshll.u32 s1, $0x7;
	s3 =	sadd.s32 s3, s14  }
0x5: {  	[smem:$0x7FF] =	sst s2;
	s3 =	sadd.s32 s4, s3  }
0x6: {  	_ =	strace $0x80000047;
	s4 =	sadd.s32 $0x2A00, s3;
	s3 =	simm.s32 $0x2  }
0x7: {  	[tilespmem:s2], [sflag:$0x2] =	stream.linear.gather [hbm4b:s4+s2], $0x200, $0x38;
	[tilespmem:$0x10200] =	vst v63  }
0x8: {  	_ =	swait.ge [sflag:s3], $0x200  }
0x9: {  	s6 =	simm.s32 $0x80;
	[sflag:s3] =	ssyncset.done $0x0  }
0xa: {  	s7 =	simm.s32 $0x200;
	s5 =	sadd.s32 $0x3200, s14;
	[sflag:s3] =	ssyncadd.s32 $0xFFFFFE00  }
0xb: {  	[tilespmem:s7], [sflag:$0x1] =	stream.indirect.gather [hbm4b:s5+s6], $0x80, s2, s6, $0xb8;
	[tilespmem:$0x10200] =	vst v63  }
0xc: {  	s8 =	simm.s32 $0x4200  }
0xd: {  	[tilespmem:s8], [sflag:$0x1] =	stream.indirect.gather [hbm4b:s5+s6], $0x80, s6, s6, $0xb8;
	[tilespmem:$0x10200] =	vst v63  }
0xe: {  	s9 =	simm.s32 $0x100;
	s10 =	simm.s32 $0x8200  }
0xf: {  	[tilespmem:s10], [sflag:$0x1] =	stream.indirect.gather [hbm4b:s5+s6], $0x80, s9, s6, $0xb8;
	[tilespmem:$0x10200] =	vst v63  }
0x10: {  	s11 =	simm.s32 $0x180;
	s12 =	simm.s32 $0xC200;
	s13 =	simm.s32 $0x1  }
0x11: {  	[tilespmem:s12], [sflag:$0x1] =	stream.indirect.gather [hbm4b:s5+s6], $0x80, s11, s6, $0xb8;
	[tilespmem:$0x10200] =	vst v63  }
0x12: {  	_ =	swait.ge [sflag:s13], $0x4000  }
0x13: {  	[sflag:s13] =	ssyncset.done $0x0  }
0x14: {  	[sflag:s13] =	ssyncadd.s32 $0xFFFFC000  }
0x15: {  	_ =	swait.ge [sflag:s13], $0x4000  }
0x16: {  	[sflag:s13] =	ssyncset.done $0x0  }
0x17: {  	s16 =	sshll.u32 s15, $0xD;
	s15 =	ssub.s32 $0x2, s15;
	[sflag:s13] =	ssyncadd.s32 $0xFFFFC000  }
0x18: {  	s31 =	sshrl.u32 s15, $0x1;
	_ =	swait.ge [sflag:s13], $0x4000  }
0x19: {  	s15 =	ssub.s32 s15, s31;
	[sflag:s13] =	ssyncset.done $0x0  }
0x1a: {  	s17 =	sshll.u32 s1, $0xE;
	s15 =	smax.u32 s15, $0x1;
	[sflag:s13] =	ssyncadd.s32 $0xFFFFC000  }
0x1b: {  	s14 =	sadd.s32 s16, s14;
	p0 =	sne.s32 s15, $0x1;
	_ =	swait.ge [sflag:s13], $0x4000  }
.Ltmp0:
0x1c: {  	s14 =	sadd.s32 s17, s14;
	[sflag:s13] =	ssyncset.done $0x0;
	(pc) =	sbr.rel @!p0 .LBB2_2-.Ltmp0, $4  }
0x1d: {  	s14 =	sadd.s32 $0x403200, s14;
	[sflag:s13] =	ssyncadd.s32 $0xFFFFC000  }
0x1e: {  	[hbm4b:s14+s2] =	stream.linear.scatter [tilespmem:s7], [sflag:$0x2], $0x10000, $0x38;
	[tilespmem:$0x10200] =	vst v63  }
0x1f: {  	_ =	swait.ge [sflag:s3], $0x10000  }
0x20: {  	s15 =	sadd.s32 $0xFFFFFFFF, s15;
	[sflag:s3] =	ssyncset.done $0x0  }
.LBB2_1:
0x21: {  	p0 =	sne.s32 s15, $0x1;
	s15 =	sadd.s32 $0xFFFFFFFF, s15;
	[sflag:s3] =	ssyncadd.s32 $0xFFFF0000  }
0x22: {  	[tilespmem:s2], [sflag:$0x2] =	stream.linear.gather [hbm4b:s4+s2], $0x200, $0x38;
	[tilespmem:$0x10200] =	vst v63  }
0x23: {  	_ =	swait.ge [sflag:s3], $0x200  }
0x24: {  	[sflag:s3] =	ssyncset.done $0x0  }
0x25: {  	[sflag:s3] =	ssyncadd.s32 $0xFFFFFE00  }
0x26: {  	[tilespmem:s7], [sflag:$0x1] =	stream.indirect.gather [hbm4b:s5+s6], $0x80, s2, s6, $0xb8;
	[tilespmem:$0x10200] =	vst v63  }
0x27: {  	_ = 	snop  }
0x28: {  	[tilespmem:s8], [sflag:$0x1] =	stream.indirect.gather [hbm4b:s5+s6], $0x80, s6, s6, $0xb8;
	[tilespmem:$0x10200] =	vst v63  }
0x29: {  	_ = 	snop  }
0x2a: {  	[tilespmem:s10], [sflag:$0x1] =	stream.indirect.gather [hbm4b:s5+s6], $0x80, s9, s6, $0xb8;
	[tilespmem:$0x10200] =	vst v63  }
0x2b: {  	_ = 	snop  }
0x2c: {  	[tilespmem:s12], [sflag:$0x1] =	stream.indirect.gather [hbm4b:s5+s6], $0x80, s11, s6, $0xb8;
	[tilespmem:$0x10200] =	vst v63  }
0x2d: {  	_ =	swait.ge [sflag:s13], $0x4000  }
0x2e: {  	[sflag:s13] =	ssyncset.done $0x0  }
0x2f: {  	[sflag:s13] =	ssyncadd.s32 $0xFFFFC000  }
0x30: {  	_ =	swait.ge [sflag:s13], $0x4000  }
0x31: {  	[sflag:s13] =	ssyncset.done $0x0  }
0x32: {  	[sflag:s13] =	ssyncadd.s32 $0xFFFFC000  }
0x33: {  	_ =	swait.ge [sflag:s13], $0x4000  }
0x34: {  	[sflag:s13] =	ssyncset.done $0x0  }
0x35: {  	[sflag:s13] =	ssyncadd.s32 $0xFFFFC000  }
0x36: {  	_ =	swait.ge [sflag:s13], $0x4000  }
.Ltmp1:
0x37: {  	[sflag:s13] =	ssyncset.done $0x0;
	(pc) =	sbr.rel @p0 .LBB2_1-.Ltmp1, $4  }
0x38: {  	[sflag:s13] =	ssyncadd.s32 $0xFFFFC000  }
0x39: {  	[hbm4b:s14+s2] =	stream.linear.scatter [tilespmem:s7], [sflag:$0x2], $0x10000, $0x38;
	[tilespmem:$0x10200] =	vst v63  }
0x3a: {  	_ =	swait.ge [sflag:s3], $0x10000  }
0x3b: {  	[sflag:s3] =	ssyncset.done $0x0  }
.LBB2_2:
0x3c: {  	[sflag:s3] =	ssyncadd.s32 $0xFFFF0000  }
0x3d: {  	_ =	sfence.sel $0x180000  }
0x3e: {  	[bflag:$0x0] =	sbarrier.arrive $0xFFFF  }
0x3f: {  	p0 =	sne.s32 s1, $0x0;
	_ =	strace $0x90000047  }
0x40: {  	s0 =	sadd.s32 @!p0 $0x100000, s0;
	[bflag:$0x2] =	sbarrier.arrive $0xFFFF  }
0x41: {  	[sflag:s0] =	ssyncadd.tile.s32 @!p0 $0x1;
	_ =	shalt  }
.Lfunc_end2:
_tile_overlayer_lowered:
.L_overlay_start_2:
0x42: {  	(tag) =	ssettag $0x2  }
0x43: {  	s0 =	rddreg [dreg:$0x0];
	s2 =	stileid.u32  }
0x44: {  	s1 =	rddreg [dreg:$0x1];
	p0 =	sne.s32 s2, $0x0  }
0x45: {  	s3 =	rddreg [dreg:$0x2];
	[bflag:$0x3] =	sbarrier.arrive $0xFFFF;
	s2 =	simm.s32 @!p0 $0x1C02  }
0x46: {  	[timem:s3], [sflag:s2] =	dma.local @!p0 [hbm:s0], s1  }
0x47: {  	s0 =	simm.s32 @!p0 $0x2  }
0x48: {  	_ =	swait.ge @!p0 [sflag:s0], s1  }
0x49: {  	s1 =	ssub.s32 @!p0 $0x0, s1;
	[sflag:s0] =	ssyncset.done @!p0 $0x0  }
0x4a: {  	[sflag:s0] =	ssyncadd.s32 @!p0 s1  }
0x4b: {  	[bflag:$0x3] =	sbarrier.arrive $0xFFFF  }
0x4c: {  	_ =	shalt  }

// kernel: kernel.7.cloned.1.call-start
scs
__scs_entry_jumppad:
0x0: {  	(pc) =	sbr.rel $0x88, $3  }
0x1: {  	(tag) =	ssettag $0x0;
	lr =	simm.s32 $0x1  }
0x2: {  	[smem:$0x3F95] =	sst lr;
	_ =	strace $0xD0000000  }
0x3: {  	_ = 	snop  }
0x4: {  	_ = 	snop  }
0x5: {  	_ = 	snop  }
0x6: {  	_ = 	snop  }
0x7: {  	_ = 	snop  }
__scs_overlays_trampoline_lowered:
0x8: {  	[smem:$0x3FA4] =	sst s0  }
0x9: {  	[smem:$0x3FA5] =	sst s1  }
0xa: {  	[smem:$0x3FA6] =	sst s2  }
0xb: {  	[smem:$0x3FA7] =	sst s3  }
0xc: {  	[smem:$0x3FA8] =	sst s4  }
0xd: {  	[smem:$0x3FA9] =	sst s5  }
0xe: {  	[smem:$0x3FAA] =	sst s6  }
0xf: {  	[smem:$0x3FAB] =	sst s7  }
0x10: {  	[smem:$0x3FAC] =	sst s8  }
0x11: {  	[smem:$0x3FAD] =	sst s9;
	s0 =	simm.s32 @!p0 $0x0  }
0x12: {  	s1 =	sld [smem:$0x3F93];
	s0 =	simm.s32 @p0 $0x1  }
0x13: {  	[smem:$0x3FAE] =	sst s0;
	s0 =	simm.s32 @!p1 $0x0  }
0x14: {  	s2 =	sld [smem:$0x3F92];
	s0 =	simm.s32 @p1 $0x1  }
0x15: {  	[smem:$0x3FAF] =	sst s0;
	s0 =	simm.s32 @!p2 $0x0  }
0x16: {  	s3 =	sld [smem:$0x3FDB];
	s0 =	simm.s32 @p2 $0x1  }
0x17: {  	s4 =	simm.s32 $0x1BF5;
	[smem:$0x3FB1] =	sst s0  }
0x18: {  	s0 =	sld [smem:$0x3F94];
	_ =	swait.ge [sflag:s4], $0x0  }
0x19: {  	s7 =	sld [smem:$0x3F95]  }
0x1a: {  	s8 =	sadd.s32 $0xFFFFE003, lr  }
0x1b: {  	s9 =	sadd.s32 $0xFFFFFEF7, lr;
	s5 =	simm.s32 $0xFFFFFFFF;
	p2 =	slt.u32 s8, $0xFFFFF086  }
0x1c: {  	p1 =	slt.u32 s9, $0xF7A;
	s5 =	simm.s32 @!p2 $0x0  }
0x1d: {  	s5 =	simm.s32 @p1 $0x1;
	p0 =	seq.s32 s7, s2  }
0x1e: {  	s7 =	smul.u32 @!p0 $0xF7A, s2;
	p2 =	seq.s32 @!p0 s5, $0x0  }
0x1f: {  	s9 =	smul.u32 $0xF7A, s1;
	s8 =	simm.s32 @!p0 $0x1BF5;
	p2 =	por !p2, p0  }
0x20: {  	[sflag:s8] =	ssyncset.s32 @!p0 $0xFFFFF086;
	s6 =	sadd.s32 @!p0 s3, s7;
	s7 =	simm.s32 @!p0 $0x108  }
0x21: {  	s3 =	sadd.s32 s3, s9;
	s6 =	sadd.s32 @!p0 $0x88, s6;
	s7 =	simm.s32 @p2 $0x1082  }
0x22: {  	[simem:s7], [sflag:s8] =	dma.local @!p0 [hbm:s6], $0xF7A  }
0x23: {  	s9 =	sor.u32 $0xD0000000, s2;
	s6 =	simm.s32 $0x108;
	_ =	swait.ge @!p0 [sflag:s8], $0x0  }
0x24: {  	s3 =	sadd.s32 $0x88, s3;
	s6 =	simm.s32 @!p1 $0x1082;
	[sflag:s4] =	ssyncset.s32 $0xFFFFF086  }
0x25: {  	[simem:s6], [sflag:s4] =	dma.local [hbm:s3], $0xF7A  }
0x26: {  	[smem:$0x3F95] =	sst s1;
	(tag) =	ssettag s2;
	_ =	strace s9  }
0x27: {  	s1 =	sld [smem:$0x3FA5]  }
0x28: {  	s2 =	sld [smem:$0x3FA6]  }
0x29: {  	s4 =	sld [smem:$0x3FA8]  }
0x2a: {  	p0 =	seq.s32 s5, $0x0;
	s5 =	sld [smem:$0x3FA9]  }
0x2b: {  	s6 =	sld [smem:$0x3FAA]  }
0x2c: {  	s7 =	sld [smem:$0x3FAB]  }
0x2d: {  	s3 =	simm.s32 $0x108;
	s8 =	sld [smem:$0x3FAC]  }
0x2e: {  	s3 =	simm.s32 @!p0 $0x1082;
	s9 =	sld [smem:$0x3FAD]  }
0x2f: {  	lr =	sadd.s32 s0, s3;
	s0 =	sld [smem:$0x3FA4]  }
0x30: {  	s3 =	sld [smem:$0x3FA7]  }
0x31: {  	[smem:$0x3FB0] =	sst s10  }
0x32: {  	s10 =	sld [smem:$0x3FAE];
	_ =	sdelay $0x3  }
0x33: {  	p0 =	seq.s32 s10, $0x1;
	s10 =	sld [smem:$0x3FB0];
	_ =	sdelay $0x3  }
0x34: {  	[smem:$0x3FB0] =	sst s10  }
0x35: {  	s10 =	sld [smem:$0x3FAF];
	_ =	sdelay $0x3  }
0x36: {  	p1 =	seq.s32 s10, $0x1;
	s10 =	sld [smem:$0x3FB0];
	_ =	sdelay $0x3  }
0x37: {  	[smem:$0x3FB0] =	sst s10  }
0x38: {  	s10 =	sld [smem:$0x3FB1]  }
0x39: {  	_ = 	snop;
	(pc) =	sbr.ind lr, $3  }
0x3a: {  	_ = 	snop  }
0x3b: {  	_ = 	snop  }
0x3c: {  	p2 =	seq.s32 s10, $0x1;
	s10 =	sld [smem:$0x3FB0]  }
0x3d: {  	_ =	shalt  }
0x3e: {  	_ =	shalt  }
0x3f: {  	_ =	shalt  }
0x40: {  	_ =	shalt  }
0x41: {  	_ =	shalt  }
0x42: {  	_ =	shalt  }
0x43: {  	_ =	shalt  }
0x44: {  	_ =	shalt  }
0x45: {  	_ =	shalt  }
0x46: {  	_ =	shalt  }
0x47: {  	_ =	shalt  }
0x48: {  	_ =	shalt  }
0x49: {  	_ =	shalt  }
0x4a: {  	_ =	shalt  }
0x4b: {  	_ =	shalt  }
0x4c: {  	_ =	shalt  }
0x4d: {  	_ =	shalt  }
0x4e: {  	_ =	shalt  }
0x4f: {  	_ =	shalt  }
0x50: {  	_ =	shalt  }
0x51: {  	_ =	shalt  }
0x52: {  	_ =	shalt  }
0x53: {  	_ =	shalt  }
0x54: {  	_ =	shalt  }
0x55: {  	_ =	shalt  }
0x56: {  	_ =	shalt  }
0x57: {  	_ =	shalt  }
0x58: {  	_ =	shalt  }
0x59: {  	_ =	shalt  }
0x5a: {  	_ =	shalt  }
0x5b: {  	_ =	shalt  }
0x5c: {  	_ =	shalt  }
0x5d: {  	_ =	shalt  }
0x5e: {  	_ =	shalt  }
0x5f: {  	_ =	shalt  }
0x60: {  	_ =	shalt  }
0x61: {  	_ =	shalt  }
0x62: {  	_ =	shalt  }
0x63: {  	_ =	shalt  }
0x64: {  	_ =	shalt  }
0x65: {  	_ =	shalt  }
0x66: {  	_ =	shalt  }
0x67: {  	_ =	shalt  }
0x68: {  	_ =	shalt  }
0x69: {  	_ =	shalt  }
0x6a: {  	_ =	shalt  }
0x6b: {  	_ =	shalt  }
0x6c: {  	_ =	shalt  }
0x6d: {  	_ =	shalt  }
0x6e: {  	_ =	shalt  }
0x6f: {  	_ =	shalt  }
0x70: {  	_ =	shalt  }
0x71: {  	_ =	shalt  }
0x72: {  	_ =	shalt  }
0x73: {  	_ =	shalt  }
0x74: {  	_ =	shalt  }
0x75: {  	_ =	shalt  }
0x76: {  	_ =	shalt  }
0x77: {  	_ =	shalt  }
0x78: {  	_ =	shalt  }
0x79: {  	_ =	shalt  }
0x7a: {  	_ =	shalt  }
0x7b: {  	_ =	shalt  }
0x7c: {  	_ =	shalt  }
0x7d: {  	_ =	shalt  }
0x7e: {  	_ =	shalt  }
0x7f: {  	_ =	shalt  }
0x80: {  	_ =	shalt  }
0x81: {  	_ =	shalt  }
0x82: {  	_ =	shalt  }
0x83: {  	_ =	shalt  }
0x84: {  	_ =	shalt  }
0x85: {  	_ =	shalt  }
0x86: {  	_ =	shalt  }
0x87: {  	_ =	shalt  }
.Lfunc_end0:
.L_simem_size_0:
called_computation_lowered:
.L_overlay_start_0:
0x88: {  	s2 =	sld [smem:$0x3FD9]  }
0x89: {  	s3 =	sld [smem:$0x3FFE];
	_ =	sdelay $0x1  }
0x8a: {  	s1 =	srdreg.scid  }
0x8b: {  	s0 =	sand.u32 $0x1, s1  }
0x8c: {  	s17 =	sshll.u32 s0, $0xA;
	s2 =	sadd.s32 s3, s2  }
0x8d: {  	s2 =	sadd.s32 s2, s17  }
0x8e: {  	[smem:$0x3FBC] =	sst s2  }
0x8f: {  	_ = 	snop  }
0x90: {  	s18 =	sld [smem:$0x3FD0];
	(tm) =	ssettm $0x1  }
0x91: {  	s19 =	sld [smem:$0x3FFB];
	_ =	sdelay $0x3  }
0x92: {  	_ =	strace s19  }
0x93: {  	s2 =	sld [smem:$0x3FFC];
	_ =	sdelay $0x3  }
0x94: {  	_ =	strace s2  }
0x95: {  	s2 =	sld [smem:$0x3FFD];
	_ =	sdelay $0x3  }
0x96: {  	_ =	strace s2  }
0x97: {  	_ =	strace $0x8FFFFFFF  }
0x98: {  	s20 =	sld [smem:$0x3FDB];
	_ =	sdelay $0x1  }
0x99: {  	s4 =	simm.s32 $_scs_section_size  }
0x9a: {  	s5 =	simm.s32 $_size__tile_overlayer_lowered;
	s6 =	simm.s32 $_tile_overlayer_lowered  }
0x9b: {  	s7 =	simm.s32 $0x1BFF;
	s21 =	sshll.u32 s6, $0x1;
	s4 =	sadd.s32 s4, s20  }
0x9c: {  	s22 =	simm.s32 $0x0;
	s5 =	sshll.u32 s5, $0x1;
	s6 =	sadd.s32 s21, s4  }
0x9d: {  	[timem:s22], [sflag:s7] =	dma.local [hbm:s6], s5  }
0x9e: {  	_ =	swait.ge [sflag:s7], s5  }
0x9f: {  	s5 =	ssub.s32 $0x0, s5;
	[sflag:s7] =	ssyncset.done $0x0  }
0xa0: {  	[sflag:s7] =	ssyncadd.s32 s5;
	_ =	sdelay $0x1  }
0xa1: {  	s23 =	simm.s32 $0x1B8B  }
0xa2: {  	_ =	swait.ge [sflag:s23], $0x1  }
0xa3: {  	[sflag:s23] =	ssyncset.done $0x0  }
0xa4: {  	[sflag:s23] =	ssyncadd.s32 $0xFFFFFFFF  }
0xa5: {  	s5 =	sld [smem:$0x0]  }
0xa6: {  	s6 =	sand.u32 $0xFFFFFFFE, s1  }
0xa7: {  	p0 =	sne.s32 s1, s6  }
0xa8: {  	s6 =	sshll.u32 @p0 s6, $0xE  }
0xa9: {  	s6 =	sadd.s32 @p0 $0x11B8D, s6;
	s7 =	sshll.u32 @p0 s5, $0x11  }
0xaa: {  	s6 =	sor.u32 @p0 s7, s6  }
0xab: {  	[sflag:s6] =	ssyncadd.remote.s32 @p0 $0x1;
	_ =	sdelay $0x1  }
0xac: {  	s6 =	simm.s32 @p0 $0x1B8D  }
0xad: {  	_ =	swait.eq @p0 [sflag:s6], $0x1  }
0xae: {  	[sflag:s6] =	ssyncadd.s32 @p0 $0xFFFFFFFF  }
0xaf: {  	s7 =	sshll.u32 @!p0 s1, $0xE  }
0xb0: {  	s7 =	sor.u32 @!p0 $0x4000, s7;
	s6 =	simm.s32 @!p0 $0x1B8D  }
0xb1: {  	s5 =	sshll.u32 @!p0 s5, $0x11;
	s7 =	sadd.s32 @!p0 $0x11B8D, s7;
	_ =	swait.eq @!p0 [sflag:s6], $0x1  }
0xb2: {  	s5 =	sor.u32 @!p0 s5, s7;
	[sflag:s6] =	ssyncadd.s32 @!p0 $0xFFFFFFFF  }
0xb3: {  	s25 =	simm.s32 $0x1B8E;
	s24 =	sld [smem:$0x3FFE];
	[sflag:s5] =	ssyncadd.remote.s32 @!p0 $0x1  }
0xb4: {  	s26 =	simm.s32 $execute0_lowered;
	[smem:$0x3FD2] =	sst s25  }
0xb5: {  	s6 =	sshll.u32 s26, $0x1;
	_ =	strace $0x80000049;
	[dreg:$0x1] =	wrdreg $0xFFFFFFFF  }
0xb6: {  	s28 =	simm.s32 $_size_execute0_lowered;
	s4 =	sadd.s32 s4, s6;
	[dreg:$0x0] =	wrdreg $0x0  }
0xb7: {  	s6 =	sshll.u32 s28, $0x1;
	[dreg:$0x2] =	wrdreg s4  }
0xb8: {  	[dreg:$0x3] =	wrdreg s6  }
0xb9: {  	[dreg:$0x4] =	wrdreg $0xC0  }
0xba: {  	_ =	task [dreg:s22], $0x5FFFF  }
0xbb: {  	[dreg:$0x1] =	wrdreg $0xFFFFFFFF  }
0xbc: {  	[dreg:$0x0] =	wrdreg $0x60  }
0xbd: {  	[dreg:$0x2] =	wrdreg s18  }
0xbe: {  	[dreg:$0x3] =	wrdreg s24  }
0xbf: {  	[dreg:$0x4] =	wrdreg $0x9  }
0xc0: {  	_ =	task.clear_ibuf [dreg:s22], $0x5FFFF;
	_ =	strace $0x90000049  }
0xc1: {  	s29 =	simm.s32 $0x9;
	_ =	strace $0x8000004B  }
0xc2: {  	_ =	swait.ge [sflag:s29], $0x1  }
0xc3: {  	[sflag:s29] =	ssyncadd.s32 $0xFFFFFFFF  }
0xc4: {  	_ =	strace $0x9000004B  }
0xc5: {  	_ =	sfence  }
0xc6: {  	s30 =	sld [smem:$0x0];
	_ =	sdelay $0x2  }
0xc7: {  	s31 =	sshll.u32 s1, $0xD;
	s1 =	sshrl.u32 s1, $0x2  }
0xc8: {  	s4 =	sand.u32 $0x4000, s31;
	s1 =	sadd.s32 s1, s30  }
0xc9: {  	s0 =	sor.u32 s4, s0;
	s1 =	sshll.u32 s1, $0x11  }
0xca: {  	s0 =	sor.u32 s1, s0  }
0xcb: {  	s0 =	sadd.s32 $0x8F2B, s0  }
0xcc: {  	[sflag:s0] =	ssyncadd.remote.s32 $0x1  }
0xcd: {  	_ =	sfence.sel $0xFFFF  }
0xce: {  	[dreg:$0x0] =	wrdreg $0xFFFFFFFF;
	(pc) =	sbr.abs _section_cstart, $3  }
0xcf: {  	[dreg:$0x1] =	wrdreg $0xFFFFFFFF  }
0xd0: {  	_ =	task.clear_ibuf [dreg:s22], $0x2FFFF;
	_ =	strace $0x9FFFFFFF  }
0xd1: {  	(tm) =	ssettm $0x7FFFFFFF  }
tec
execute0_lowered:
.L_overlay_start_1:
0x0: {  	(tag) =	ssettag $0x1  }
0x1: {  	s3 =	rddreg [dreg:$0x0]  }
0x2: {  	s14 =	rddreg [dreg:$0x1];
	s1 =	srdreg.scid  }
0x3: {  	s0 =	rddreg [dreg:$0x2];
	s15 =	sand.u32 $0x1, s1  }
0x4: {  	s2 =	simm.s32 $0x0;
	s1 =	stileid.u32;
	s4 =	sshll.u32 s15, $0x6  }
0x5: {  	[smem:$0x7FF] =	sst s2;
	s5 =	sshll.u32 s1, $0x7;
	s3 =	sadd.s32 s3, s4  }
0x6: {  	_ =	strace $0x8000004A;
	s4 =	sadd.s32 s5, s3;
	s3 =	simm.s32 $0x2  }
0x7: {  	[tilespmem:s2], [sflag:$0x2] =	stream.linear.gather [hbm4b:s4+s2], $0x200, $0x38;
	[tilespmem:$0x10200] =	vst v63  }
0x8: {  	_ =	swait.ge [sflag:s3], $0x200  }
0x9: {  	s6 =	simm.s32 $0x80;
	[sflag:s3] =	ssyncset.done $0x0  }
0xa: {  	s7 =	simm.s32 $0x200;
	s5 =	sadd.s32 $0x443200, s14;
	[sflag:s3] =	ssyncadd.s32 $0xFFFFFE00  }
0xb: {  	[tilespmem:s7], [sflag:$0x1] =	stream.indirect.gather [hbm4b:s5+s6], $0x80, s2, s6, $0xb8;
	[tilespmem:$0x10200] =	vst v63  }
0xc: {  	s8 =	simm.s32 $0x4200  }
0xd: {  	[tilespmem:s8], [sflag:$0x1] =	stream.indirect.gather [hbm4b:s5+s6], $0x80, s6, s6, $0xb8;
	[tilespmem:$0x10200] =	vst v63  }
0xe: {  	s9 =	simm.s32 $0x100;
	s10 =	simm.s32 $0x8200  }
0xf: {  	[tilespmem:s10], [sflag:$0x1] =	stream.indirect.gather [hbm4b:s5+s6], $0x80, s9, s6, $0xb8;
	[tilespmem:$0x10200] =	vst v63  }
0x10: {  	s11 =	simm.s32 $0x180;
	s12 =	simm.s32 $0xC200;
	s13 =	simm.s32 $0x1  }
0x11: {  	[tilespmem:s12], [sflag:$0x1] =	stream.indirect.gather [hbm4b:s5+s6], $0x80, s11, s6, $0xb8;
	[tilespmem:$0x10200] =	vst v63  }
0x12: {  	_ =	swait.ge [sflag:s13], $0x4000  }
0x13: {  	[sflag:s13] =	ssyncset.done $0x0  }
0x14: {  	[sflag:s13] =	ssyncadd.s32 $0xFFFFC000  }
0x15: {  	_ =	swait.ge [sflag:s13], $0x4000  }
0x16: {  	[sflag:s13] =	ssyncset.done $0x0  }
0x17: {  	s16 =	sshll.u32 s15, $0xD;
	s15 =	ssub.s32 $0x2, s15;
	[sflag:s13] =	ssyncadd.s32 $0xFFFFC000  }
0x18: {  	s31 =	sshrl.u32 s15, $0x1;
	_ =	swait.ge [sflag:s13], $0x4000  }
0x19: {  	s15 =	ssub.s32 s15, s31;
	[sflag:s13] =	ssyncset.done $0x0  }
0x1a: {  	s17 =	sshll.u32 s1, $0xE;
	s15 =	smax.u32 s15, $0x1;
	[sflag:s13] =	ssyncadd.s32 $0xFFFFC000  }
0x1b: {  	s14 =	sadd.s32 s16, s14;
	p0 =	sne.s32 s15, $0x1;
	_ =	swait.ge [sflag:s13], $0x4000  }
.Ltmp0:
0x1c: {  	s14 =	sadd.s32 s17, s14;
	[sflag:s13] =	ssyncset.done $0x0;
	(pc) =	sbr.rel @!p0 .LBB2_2-.Ltmp0, $4  }
0x1d: {  	s14 =	sadd.s32 $0x843200, s14;
	[sflag:s13] =	ssyncadd.s32 $0xFFFFC000  }
0x1e: {  	[hbm4b:s14+s2] =	stream.linear.scatter [tilespmem:s7], [sflag:$0x2], $0x10000, $0x38;
	[tilespmem:$0x10200] =	vst v63  }
0x1f: {  	_ =	swait.ge [sflag:s3], $0x10000  }
0x20: {  	s15 =	sadd.s32 $0xFFFFFFFF, s15;
	[sflag:s3] =	ssyncset.done $0x0  }
.LBB2_1:
0x21: {  	p0 =	sne.s32 s15, $0x1;
	s15 =	sadd.s32 $0xFFFFFFFF, s15;
	[sflag:s3] =	ssyncadd.s32 $0xFFFF0000  }
0x22: {  	[tilespmem:s2], [sflag:$0x2] =	stream.linear.gather [hbm4b:s4+s2], $0x200, $0x38;
	[tilespmem:$0x10200] =	vst v63  }
0x23: {  	_ =	swait.ge [sflag:s3], $0x200  }
0x24: {  	[sflag:s3] =	ssyncset.done $0x0  }
0x25: {  	[sflag:s3] =	ssyncadd.s32 $0xFFFFFE00  }
0x26: {  	[tilespmem:s7], [sflag:$0x1] =	stream.indirect.gather [hbm4b:s5+s6], $0x80, s2, s6, $0xb8;
	[tilespmem:$0x10200] =	vst v63  }
0x27: {  	_ = 	snop  }
0x28: {  	[tilespmem:s8], [sflag:$0x1] =	stream.indirect.gather [hbm4b:s5+s6], $0x80, s6, s6, $0xb8;
	[tilespmem:$0x10200] =	vst v63  }
0x29: {  	_ = 	snop  }
0x2a: {  	[tilespmem:s10], [sflag:$0x1] =	stream.indirect.gather [hbm4b:s5+s6], $0x80, s9, s6, $0xb8;
	[tilespmem:$0x10200] =	vst v63  }
0x2b: {  	_ = 	snop  }
0x2c: {  	[tilespmem:s12], [sflag:$0x1] =	stream.indirect.gather [hbm4b:s5+s6], $0x80, s11, s6, $0xb8;
	[tilespmem:$0x10200] =	vst v63  }
0x2d: {  	_ =	swait.ge [sflag:s13], $0x4000  }
0x2e: {  	[sflag:s13] =	ssyncset.done $0x0  }
0x2f: {  	[sflag:s13] =	ssyncadd.s32 $0xFFFFC000  }
0x30: {  	_ =	swait.ge [sflag:s13], $0x4000  }
0x31: {  	[sflag:s13] =	ssyncset.done $0x0  }
0x32: {  	[sflag:s13] =	ssyncadd.s32 $0xFFFFC000  }
0x33: {  	_ =	swait.ge [sflag:s13], $0x4000  }
0x34: {  	[sflag:s13] =	ssyncset.done $0x0  }
0x35: {  	[sflag:s13] =	ssyncadd.s32 $0xFFFFC000  }
0x36: {  	_ =	swait.ge [sflag:s13], $0x4000  }
.Ltmp1:
0x37: {  	[sflag:s13] =	ssyncset.done $0x0;
	(pc) =	sbr.rel @p0 .LBB2_1-.Ltmp1, $4  }
0x38: {  	[sflag:s13] =	ssyncadd.s32 $0xFFFFC000  }
0x39: {  	[hbm4b:s14+s2] =	stream.linear.scatter [tilespmem:s7], [sflag:$0x2], $0x10000, $0x38;
	[tilespmem:$0x10200] =	vst v63  }
0x3a: {  	_ =	swait.ge [sflag:s3], $0x10000  }
0x3b: {  	[sflag:s3] =	ssyncset.done $0x0  }
.LBB2_2:
0x3c: {  	[sflag:s3] =	ssyncadd.s32 $0xFFFF0000  }
0x3d: {  	_ =	sfence.sel $0x180000  }
0x3e: {  	[bflag:$0x0] =	sbarrier.arrive $0xFFFF  }
0x3f: {  	p0 =	sne.s32 s1, $0x0;
	_ =	strace $0x9000004A  }
0x40: {  	s0 =	sadd.s32 @!p0 $0x100000, s0;
	[bflag:$0x2] =	sbarrier.arrive $0xFFFF  }
0x41: {  	[sflag:s0] =	ssyncadd.tile.s32 @!p0 $0x1;
	_ =	shalt  }
.Lfunc_end2:
_tile_overlayer_lowered:
.L_overlay_start_2:
0x42: {  	(tag) =	ssettag $0x2  }
0x43: {  	s0 =	rddreg [dreg:$0x0];
	s2 =	stileid.u32  }
0x44: {  	s1 =	rddreg [dreg:$0x1];
	p0 =	sne.s32 s2, $0x0  }
0x45: {  	s3 =	rddreg [dreg:$0x2];
	[bflag:$0x3] =	sbarrier.arrive $0xFFFF;
	s2 =	simm.s32 @!p0 $0x1C02  }
0x46: {  	[timem:s3], [sflag:s2] =	dma.local @!p0 [hbm:s0], s1  }
0x47: {  	s0 =	simm.s32 @!p0 $0x2  }
0x48: {  	_ =	swait.ge @!p0 [sflag:s0], s1  }
0x49: {  	s1 =	ssub.s32 @!p0 $0x0, s1;
	[sflag:s0] =	ssyncset.done @!p0 $0x0  }
0x4a: {  	[sflag:s0] =	ssyncadd.s32 @!p0 s1  }
0x4b: {  	[bflag:$0x3] =	sbarrier.arrive $0xFFFF  }
0x4c: {  	_ =	shalt  }

</sc_bundles>
